<compile_context>
chip_gen: v7x
topology: tpu7x:2x2x1
jax: 0.10.2.dev20260603
libtpu: 0.0.44.dev20260713+nightly
codegen_flags: <defaults>
</compile_context>

<pallas_src>
import functools

import jax
import jax.numpy as jnp
from jax import lax
from jax.experimental import pallas as pl
from jax.experimental.pallas import tpu as pltpu
from jax.experimental.pallas import tpu_sc as plsc

VOCAB = 1000000
EMB = 64
HID = 128
OUT = 64
B = 16384
L = 50

NC = 2
NS = 16
NW = NC * NS
BAGS_PER_W = B // NW
IDX_PER_W = BAGS_PER_W * L
CHUNK = 2 * L
NCHUNK = IDX_PER_W // CHUNK

TW_BLK = 16384


def _fold_w1_body(t2_ref, w1s_ref, o_ref):
  o_ref[...] = jax.lax.dot_general(
      t2_ref[...], w1s_ref[...], (((0,), (0,)), ((), ())),
      preferred_element_type=jnp.float32,
  )


def _fold_w1(table_t, w1s):
  grid = (pl.cdiv(VOCAB, TW_BLK),)
  return pl.pallas_call(
      _fold_w1_body,
      grid=grid,
      compiler_params=pltpu.CompilerParams(fuse_transposed_lhs_in_matmul=True),
      in_specs=[
          pl.BlockSpec((EMB, TW_BLK), lambda i: (0, i)),
          pl.BlockSpec((EMB, HID), lambda i: (0, 0)),
      ],
      out_specs=pl.BlockSpec((TW_BLK, HID), lambda i: (i, 0)),
      out_shape=jax.ShapeDtypeStruct((VOCAB, HID), jnp.float32),
  )(table_t, w1s)


def _emb_bag_sum(idx_grouped, tw):
  mesh = plsc.VectorSubcoreMesh(core_axis_name="c", subcore_axis_name="s")

  @functools.partial(
      pl.kernel,
      mesh=mesh,
      compiler_params=pltpu.CompilerParams(use_tc_tiling_on_sc=True),
      out_type=jax.ShapeDtypeStruct((B, HID), jnp.float32),
      scratch_types=[
          pltpu.VMEM((NCHUNK, CHUNK), jnp.int32),
          pltpu.VMEM((CHUNK, HID), jnp.float32),
          pltpu.VMEM((CHUNK, HID), jnp.float32),
          pltpu.VMEM((CHUNK, HID), jnp.float32),
          pltpu.VMEM((CHUNK, HID), jnp.float32),
          pltpu.VMEM((64, HID), jnp.float32),
          pltpu.SemaphoreType.DMA,
          pltpu.SemaphoreType.DMA,
      ],
  )
  def k(idx_hbm, tw_hbm, out_hbm, idx_v, rows0_v, rows1_v, rows2_v, rows3_v,
        out_v, sem0, sem1):
    cid = lax.axis_index("c")
    sid = lax.axis_index("s")
    wid = sid * NC + cid
    bufs = (rows0_v, rows1_v, rows2_v, rows3_v)
    sems = (sem0, sem0, sem1, sem1)

    pltpu.sync_copy(idx_hbm.at[wid], idx_v)

    def gather(c, buf, sem):
      return pltpu.make_async_copy(tw_hbm.at[idx_v.at[c]], buf, sem)

    def process(c, buf):
      for h in range(2):

        def row_body(j, accs):
          r = h * L + j
          return tuple(
              accs[q] + buf[r, pl.ds(q * 16, 16)] for q in range(8)
          )

        zero8 = tuple(jnp.zeros((16,), jnp.float32) for _ in range(8))
        accs = lax.fori_loop(0, L, row_body, zero8, unroll=5)
        slot = lax.rem(2 * c + h, 64)
        for q in range(8):
          out_v[slot, pl.ds(q * 16, 16)] = accs[q]

    for b in range(4):
      gather(b, bufs[b], sems[b]).start()

    def outer(s, _):
      def inner(gg, _):
        g = 8 * s + gg
        base = 4 * g
        for pair in range(2):
          for b in (2 * pair, 2 * pair + 1):
            gather(base + b, bufs[b], sems[b]).wait()
          for b in (2 * pair, 2 * pair + 1):
            process(base + b, bufs[b])

          @pl.when(g < NCHUNK // 4 - 1)
          def _():
            for b in (2 * pair, 2 * pair + 1):
              gather(base + b + 4, bufs[b], sems[b]).start()

        return 0

      lax.fori_loop(0, 8, inner, 0)
      pltpu.sync_copy(
          out_v, out_hbm.at[pl.ds(wid * BAGS_PER_W + s * 64, 64)]
      )
      return 0

    lax.fori_loop(0, 8, outer, 0)

  return k(idx_grouped, tw)


def _mlp_body(x_ref, b1_ref, w2_ref, b2_ref, w5_ref, b5_ref, o_ref):
  h = jnp.maximum(x_ref[...] + b1_ref[...], 0.0)
  h = jnp.dot(h, w2_ref[...], preferred_element_type=jnp.float32) + b2_ref[...]
  h = jnp.maximum(h, 0.0)
  o_ref[...] = (
      jnp.dot(h, w5_ref[...], preferred_element_type=jnp.float32) + b5_ref[...]
  )


def _mlp(x, b1, w2t, b2, w5t, b5):
  BLK = 2048
  grid = (B // BLK,)
  return pl.pallas_call(
      _mlp_body,
      grid=grid,
      in_specs=[
          pl.BlockSpec((BLK, HID), lambda i: (i, 0)),
          pl.BlockSpec((1, HID), lambda i: (0, 0)),
          pl.BlockSpec((HID, HID), lambda i: (0, 0)),
          pl.BlockSpec((1, HID), lambda i: (0, 0)),
          pl.BlockSpec((HID, OUT), lambda i: (0, 0)),
          pl.BlockSpec((1, OUT), lambda i: (0, 0)),
      ],
      out_specs=pl.BlockSpec((BLK, OUT), lambda i: (i, 0)),
      out_shape=jax.ShapeDtypeStruct((B, OUT), jnp.float32),
  )(x, b1.reshape(1, HID), w2t, b2.reshape(1, HID), w5t, b5.reshape(1, OUT))


def kernel(text, emb_table, w1, b1, w2, b2, w5, b5):
  table_t = emb_table.T
  tw = _fold_w1(table_t, w1.T / L)
  idx = text.reshape(NW, NCHUNK, CHUNK)
  bag_sums = _emb_bag_sum(idx, tw)
  return _mlp(bag_sums, b1, w2.T, b2, w5.T, b5)

# --- scband reference (transcript-rebuilt; emitter-appended) ---
"""Pipeline reference for scband-model-22333829939865 (READ-ONLY COPY).

The authoritative reference and input builder live on the scoring server;
editing this copy changes nothing except your own understanding.
"""

import jax, jax.numpy as jnp
import numpy as np

VOCAB = 1000000
EMB = 64
HID = 128
OUT = 64
B = 16384
L = 50

def setup_inputs(seed: int = 0) -> dict:
    key = jax.random.key(seed)
    k_text, k_emb, k_w1, k_b1, k_w2, k_b2, k_w5, k_b5 = jax.random.split(key, 8)
    text = jax.random.randint(k_text, (B, L), 0, VOCAB, dtype=jnp.int64 if jax.config.jax_enable_x64 else jnp.int32).astype(jnp.int32)
    emb_table = jax.random.normal(k_emb, (VOCAB, EMB), dtype=jnp.float32) * 0.02
    w1 = jax.random.normal(k_w1, (HID, EMB), dtype=jnp.float32) * (1.0 / np.sqrt(EMB))
    b1 = jax.random.normal(k_b1, (HID,), dtype=jnp.float32) * 0.01
    w2 = jax.random.normal(k_w2, (HID, HID), dtype=jnp.float32) * (1.0 / np.sqrt(HID))
    b2 = jax.random.normal(k_b2, (HID,), dtype=jnp.float32) * 0.01
    w5 = jax.random.normal(k_w5, (OUT, HID), dtype=jnp.float32) * (1.0 / np.sqrt(HID))
    b5 = jax.random.normal(k_b5, (OUT,), dtype=jnp.float32) * 0.01
    return {"text": text, "emb_table": emb_table, "w1": w1, "b1": b1, "w2": w2, "b2": b2, "w5": w5, "b5": b5}

def reference(text, emb_table, w1, b1, w2, b2, w5, b5):
    # nn.EmbeddingBag(mode='mean') with 2D input: gather then mean over bag dim
    gathered = jnp.take(emb_table, text, axis=0)          # [B, L, EMB]
    embedded = jnp.mean(gathered, axis=1)                 # [B, EMB]
    x = embedded @ w1.T + b1                              # fc1
    x = jax.nn.relu(x)                                    # fc3 (ReLU)
    # fc4 Dropout(p=0.3): identity at inference (eval mode)
    x = x @ w2.T + b2                                     # fc2
    x = jax.nn.relu(x)
    x = x @ w5.T + b5                                     # fc5
    return x

if __name__ == "__main__":
    import jax
    _d = setup_inputs()
    print(jax.jit(kernel)(*tuple(_d.values())))

</pallas_src>

<mosaic_0001>
#map = affine_map<(d0, d1) -> (0, 0, 0)>
#map1 = affine_map<(d0, d1) -> (0, 0)>
module attributes {stable_mosaic.version = 14 : i64} {
  func.func @k(%arg0: i32, %arg1: i32, %arg2: memref<32x256x100xi32, #tpu.memory_space<hbm>>, %arg3: memref<1000000x128xf32, #tpu.memory_space<hbm>>, %arg4: memref<16384x128xf32, #tpu.memory_space<hbm>>, %arg5: memref<256x100xi32, #tpu.memory_space<vmem>>, %arg6: memref<100x128xf32, #tpu.memory_space<vmem>>, %arg7: memref<100x128xf32, #tpu.memory_space<vmem>>, %arg8: memref<100x128xf32, #tpu.memory_space<vmem>>, %arg9: memref<100x128xf32, #tpu.memory_space<vmem>>, %arg10: memref<64x128xf32, #tpu.memory_space<vmem>>, %arg11: memref<!tpu.dma_semaphore, #tpu.memory_space<semaphore_mem>>, %arg12: memref<!tpu.dma_semaphore, #tpu.memory_space<semaphore_mem>>) attributes {dimension_semantics = [#tpu.dimension_semantics<core_parallel>, #tpu.dimension_semantics<subcore_parallel>], iteration_bounds = array<i64: 2, 16>, scalar_prefetch = 0 : i64, scratch_operands = 8 : i64, tpu.core_type = #tpu.core_type<sc_vector_subcore>, window_params = [{transform_indices = #map}, {transform_indices = #map1}, {transform_indices = #map1}]} {
    %mul3A = arith.constant 2 : i32
    %mul3A_0 = arith.muli %arg1, %mul3A : i32
    %add3A = arith.addi %mul3A_0, %arg0 : i32
    "tpu.region"() ({
      %run_scoped3A = tpu.sem_alloc : memref<!tpu.dma_semaphore, #tpu.memory_space<semaphore_mem>>
      %dma_start3A_34 = arith.constant 0 : i32
      %dma_start3A_35 = arith.constant 0 : i32
      %dma_start3A_36 = tpu.memref_slice %arg2[%add3A, %dma_start3A_34, %dma_start3A_35] : memref<32x256x100xi32, #tpu.memory_space<hbm>> -> memref<1x256x100xi32, #tpu.memory_space<hbm>>
      %dma_start3A_37 = tpu.memref_squeeze %dma_start3A_36 : memref<1x256x100xi32, #tpu.memory_space<hbm>> -> memref<256x100xi32, #tpu.memory_space<hbm>>
      %dma_start3A_38 = arith.constant 0 : i32
      %dma_start3A_39 = arith.constant 0 : i32
      %dma_start3A_40 = tpu.memref_slice %arg2[%add3A, %dma_start3A_38, %dma_start3A_39] : memref<32x256x100xi32, #tpu.memory_space<hbm>> -> memref<1x256x100xi32, #tpu.memory_space<hbm>>
      %dma_start3A_41 = tpu.memref_squeeze %dma_start3A_40 : memref<1x256x100xi32, #tpu.memory_space<hbm>> -> memref<256x100xi32, #tpu.memory_space<hbm>>
      tpu.enqueue_dma source(%dma_start3A_41 : memref<256x100xi32, #tpu.memory_space<hbm>>) target(%arg5 : memref<256x100xi32, #tpu.memory_space<vmem>>) target_semaphore(%run_scoped3A : memref<!tpu.dma_semaphore, #tpu.memory_space<semaphore_mem>>)
      %dma_wait3A = arith.constant 0 : i32
      %dma_wait3A_42 = arith.constant 0 : i32
      %dma_wait3A_43 = tpu.memref_slice %arg2[%add3A, %dma_wait3A, %dma_wait3A_42] : memref<32x256x100xi32, #tpu.memory_space<hbm>> -> memref<1x256x100xi32, #tpu.memory_space<hbm>>
      %dma_wait3A_44 = tpu.memref_squeeze %dma_wait3A_43 : memref<1x256x100xi32, #tpu.memory_space<hbm>> -> memref<256x100xi32, #tpu.memory_space<hbm>>
      %dma_wait3A_45 = arith.constant 0 : i32
      %dma_wait3A_46 = arith.constant 0 : i32
      %dma_wait3A_47 = tpu.memref_slice %arg2[%add3A, %dma_wait3A_45, %dma_wait3A_46] : memref<32x256x100xi32, #tpu.memory_space<hbm>> -> memref<1x256x100xi32, #tpu.memory_space<hbm>>
      %dma_wait3A_48 = tpu.memref_squeeze %dma_wait3A_47 : memref<1x256x100xi32, #tpu.memory_space<hbm>> -> memref<256x100xi32, #tpu.memory_space<hbm>>
      tpu.wait_dma2 semaphore(%run_scoped3A : memref<!tpu.dma_semaphore, #tpu.memory_space<semaphore_mem>>) src(%dma_wait3A_48 : memref<256x100xi32, #tpu.memory_space<hbm>>) dst(%arg5 : memref<256x100xi32, #tpu.memory_space<vmem>>)
      tpu.yield
    }) : () -> ()
    %dma_start3A = arith.constant 0 : i32
    %dma_start3A_1 = arith.constant 0 : i32
    %dma_start3A_2 = tpu.memref_slice %arg5[%dma_start3A, %dma_start3A_1] : memref<256x100xi32, #tpu.memory_space<vmem>> -> memref<1x100xi32, #tpu.memory_space<vmem>>
    %dma_start3A_3 = tpu.memref_squeeze %dma_start3A_2 : memref<1x100xi32, #tpu.memory_space<vmem>> -> memref<100xi32, #tpu.memory_space<vmem>>
    %dma_start3A_4 = arith.constant 0 : i32
    %dma_start3A_5 = arith.constant 0 : i32
    %dma_start3A_6 = tpu.memref_slice %arg3[%dma_start3A_4, %dma_start3A_5] : memref<1000000x128xf32, #tpu.memory_space<hbm>> -> memref<1000000x128xf32, #tpu.memory_space<hbm>>
    tpu.enqueue_indirect_dma source(%dma_start3A_6 : memref<1000000x128xf32, #tpu.memory_space<hbm>>) target(%arg6 : memref<100x128xf32, #tpu.memory_space<vmem>>) offsets(%dma_start3A_3 : memref<100xi32, #tpu.memory_space<vmem>>) semaphore(%arg11 : memref<!tpu.dma_semaphore, #tpu.memory_space<semaphore_mem>>)
    %dma_start3A_7 = arith.constant 1 : i32
    %dma_start3A_8 = arith.constant 0 : i32
    %dma_start3A_9 = tpu.memref_slice %arg5[%dma_start3A_7, %dma_start3A_8] : memref<256x100xi32, #tpu.memory_space<vmem>> -> memref<1x100xi32, #tpu.memory_space<vmem>>
    %dma_start3A_10 = tpu.memref_squeeze %dma_start3A_9 : memref<1x100xi32, #tpu.memory_space<vmem>> -> memref<100xi32, #tpu.memory_space<vmem>>
    %dma_start3A_11 = arith.constant 0 : i32
    %dma_start3A_12 = arith.constant 0 : i32
    %dma_start3A_13 = tpu.memref_slice %arg3[%dma_start3A_11, %dma_start3A_12] : memref<1000000x128xf32, #tpu.memory_space<hbm>> -> memref<1000000x128xf32, #tpu.memory_space<hbm>>
    tpu.enqueue_indirect_dma source(%dma_start3A_13 : memref<1000000x128xf32, #tpu.memory_space<hbm>>) target(%arg7 : memref<100x128xf32, #tpu.memory_space<vmem>>) offsets(%dma_start3A_10 : memref<100xi32, #tpu.memory_space<vmem>>) semaphore(%arg11 : memref<!tpu.dma_semaphore, #tpu.memory_space<semaphore_mem>>)
    %dma_start3A_14 = arith.constant 2 : i32
    %dma_start3A_15 = arith.constant 0 : i32
    %dma_start3A_16 = tpu.memref_slice %arg5[%dma_start3A_14, %dma_start3A_15] : memref<256x100xi32, #tpu.memory_space<vmem>> -> memref<1x100xi32, #tpu.memory_space<vmem>>
    %dma_start3A_17 = tpu.memref_squeeze %dma_start3A_16 : memref<1x100xi32, #tpu.memory_space<vmem>> -> memref<100xi32, #tpu.memory_space<vmem>>
    %dma_start3A_18 = arith.constant 0 : i32
    %dma_start3A_19 = arith.constant 0 : i32
    %dma_start3A_20 = tpu.memref_slice %arg3[%dma_start3A_18, %dma_start3A_19] : memref<1000000x128xf32, #tpu.memory_space<hbm>> -> memref<1000000x128xf32, #tpu.memory_space<hbm>>
    tpu.enqueue_indirect_dma source(%dma_start3A_20 : memref<1000000x128xf32, #tpu.memory_space<hbm>>) target(%arg8 : memref<100x128xf32, #tpu.memory_space<vmem>>) offsets(%dma_start3A_17 : memref<100xi32, #tpu.memory_space<vmem>>) semaphore(%arg12 : memref<!tpu.dma_semaphore, #tpu.memory_space<semaphore_mem>>)
    %dma_start3A_21 = arith.constant 3 : i32
    %dma_start3A_22 = arith.constant 0 : i32
    %dma_start3A_23 = tpu.memref_slice %arg5[%dma_start3A_21, %dma_start3A_22] : memref<256x100xi32, #tpu.memory_space<vmem>> -> memref<1x100xi32, #tpu.memory_space<vmem>>
    %dma_start3A_24 = tpu.memref_squeeze %dma_start3A_23 : memref<1x100xi32, #tpu.memory_space<vmem>> -> memref<100xi32, #tpu.memory_space<vmem>>
    %dma_start3A_25 = arith.constant 0 : i32
    %dma_start3A_26 = arith.constant 0 : i32
    %dma_start3A_27 = tpu.memref_slice %arg3[%dma_start3A_25, %dma_start3A_26] : memref<1000000x128xf32, #tpu.memory_space<hbm>> -> memref<1000000x128xf32, #tpu.memory_space<hbm>>
    tpu.enqueue_indirect_dma source(%dma_start3A_27 : memref<1000000x128xf32, #tpu.memory_space<hbm>>) target(%arg9 : memref<100x128xf32, #tpu.memory_space<vmem>>) offsets(%dma_start3A_24 : memref<100xi32, #tpu.memory_space<vmem>>) semaphore(%arg12 : memref<!tpu.dma_semaphore, #tpu.memory_space<semaphore_mem>>)
    %scan3A = arith.constant 0 : i32
    %scan3A_28 = arith.constant 0 : i32
    %scan3A_29 = arith.constant 8 : i32
    %scan3A_30 = arith.addi %scan3A_28, %scan3A_29 : i32
    %scan3A_31 = arith.constant 1 : i32
    %scan3A_32 = scf.for %scan3A_34 = %scan3A_28 to %scan3A_30 step %scan3A_31 iter_args(%scan3A_35 = %scan3A) -> (i32)  : i32 {
      %scan3A_36 = arith.constant 0 : i32
      %scan3A_37 = arith.constant 0 : i32
      %scan3A_38 = arith.constant 8 : i32
      %scan3A_39 = arith.addi %scan3A_37, %scan3A_38 : i32
      %scan3A_40 = arith.constant 1 : i32
      %scan3A_41 = scf.for %scan3A_49 = %scan3A_37 to %scan3A_39 step %scan3A_40 iter_args(%scan3A_50 = %scan3A_36) -> (i32)  : i32 {
        %mul3A_51 = arith.constant 8 : i32
        %mul3A_52 = arith.muli %mul3A_51, %scan3A_34 : i32
        %add3A_53 = arith.addi %mul3A_52, %scan3A_49 : i32
        %mul3A_54 = arith.constant 4 : i32
        %mul3A_55 = arith.muli %mul3A_54, %add3A_53 : i32
        %add3A_56 = arith.constant 0 : i32
        %add3A_57 = arith.addi %mul3A_55, %add3A_56 : i32
        %dma_wait3A = arith.constant 0 : i32
        %dma_wait3A_58 = tpu.memref_slice %arg5[%add3A_57, %dma_wait3A] : memref<256x100xi32, #tpu.memory_space<vmem>> -> memref<1x100xi32, #tpu.memory_space<vmem>>
        %dma_wait3A_59 = tpu.memref_squeeze %dma_wait3A_58 : memref<1x100xi32, #tpu.memory_space<vmem>> -> memref<100xi32, #tpu.memory_space<vmem>>
        %dma_wait3A_60 = arith.constant 0 : i32
        %dma_wait3A_61 = arith.constant 0 : i32
        %dma_wait3A_62 = tpu.memref_slice %arg3[%dma_wait3A_60, %dma_wait3A_61] : memref<1000000x128xf32, #tpu.memory_space<hbm>> -> memref<1000000x128xf32, #tpu.memory_space<hbm>>
        tpu.wait_indirect_dma semaphore(%arg11 : memref<!tpu.dma_semaphore, #tpu.memory_space<semaphore_mem>>) src(%dma_wait3A_62 : memref<1000000x128xf32, #tpu.memory_space<hbm>>) dst(%arg6 : memref<100x128xf32, #tpu.memory_space<vmem>>)
        %add3A_63 = arith.constant 1 : i32
        %add3A_64 = arith.addi %mul3A_55, %add3A_63 : i32
        %dma_wait3A_65 = arith.constant 0 : i32
        %dma_wait3A_66 = tpu.memref_slice %arg5[%add3A_64, %dma_wait3A_65] : memref<256x100xi32, #tpu.memory_space<vmem>> -> memref<1x100xi32, #tpu.memory_space<vmem>>
        %dma_wait3A_67 = tpu.memref_squeeze %dma_wait3A_66 : memref<1x100xi32, #tpu.memory_space<vmem>> -> memref<100xi32, #tpu.memory_space<vmem>>
        %dma_wait3A_68 = arith.constant 0 : i32
        %dma_wait3A_69 = arith.constant 0 : i32
        %dma_wait3A_70 = tpu.memref_slice %arg3[%dma_wait3A_68, %dma_wait3A_69] : memref<1000000x128xf32, #tpu.memory_space<hbm>> -> memref<1000000x128xf32, #tpu.memory_space<hbm>>
        tpu.wait_indirect_dma semaphore(%arg11 : memref<!tpu.dma_semaphore, #tpu.memory_space<semaphore_mem>>) src(%dma_wait3A_70 : memref<1000000x128xf32, #tpu.memory_space<hbm>>) dst(%arg7 : memref<100x128xf32, #tpu.memory_space<vmem>>)
        %add3A_71 = arith.constant 0 : i32
        %add3A_72 = arith.addi %mul3A_55, %add3A_71 : i32
        %broadcast_in_dim3A = arith.constant 0.000000e+00 : f32
        %broadcast_in_dim3A_73 = vector.broadcast %broadcast_in_dim3A : f32 to vector<16xf32>
        %broadcast_in_dim3A_74 = arith.constant 0.000000e+00 : f32
        %broadcast_in_dim3A_75 = vector.broadcast %broadcast_in_dim3A_74 : f32 to vector<16xf32>
        %broadcast_in_dim3A_76 = arith.constant 0.000000e+00 : f32
        %broadcast_in_dim3A_77 = vector.broadcast %broadcast_in_dim3A_76 : f32 to vector<16xf32>
        %broadcast_in_dim3A_78 = arith.constant 0.000000e+00 : f32
        %broadcast_in_dim3A_79 = vector.broadcast %broadcast_in_dim3A_78 : f32 to vector<16xf32>
        %broadcast_in_dim3A_80 = arith.constant 0.000000e+00 : f32
        %broadcast_in_dim3A_81 = vector.broadcast %broadcast_in_dim3A_80 : f32 to vector<16xf32>
        %broadcast_in_dim3A_82 = arith.constant 0.000000e+00 : f32
        %broadcast_in_dim3A_83 = vector.broadcast %broadcast_in_dim3A_82 : f32 to vector<16xf32>
        %broadcast_in_dim3A_84 = arith.constant 0.000000e+00 : f32
        %broadcast_in_dim3A_85 = vector.broadcast %broadcast_in_dim3A_84 : f32 to vector<16xf32>
        %broadcast_in_dim3A_86 = arith.constant 0.000000e+00 : f32
        %broadcast_in_dim3A_87 = vector.broadcast %broadcast_in_dim3A_86 : f32 to vector<16xf32>
        %scan3A_88 = arith.constant 0 : i32
        %scan3A_89 = arith.constant 50 : i32
        %scan3A_90 = arith.addi %scan3A_88, %scan3A_89 : i32
        %scan3A_91 = arith.constant 5 : i32
        %scan3A_92:8 = scf.for %scan3A_644 = %scan3A_88 to %scan3A_90 step %scan3A_91 iter_args(%scan3A_645 = %broadcast_in_dim3A_73, %scan3A_646 = %broadcast_in_dim3A_75, %scan3A_647 = %broadcast_in_dim3A_77, %scan3A_648 = %broadcast_in_dim3A_79, %scan3A_649 = %broadcast_in_dim3A_81, %scan3A_650 = %broadcast_in_dim3A_83, %scan3A_651 = %broadcast_in_dim3A_85, %scan3A_652 = %broadcast_in_dim3A_87) -> (vector<16xf32>, vector<16xf32>, vector<16xf32>, vector<16xf32>, vector<16xf32>, vector<16xf32>, vector<16xf32>, vector<16xf32>)  : i32 {
          %add3A_653 = arith.constant 0 : i32
          %add3A_654 = arith.addi %add3A_653, %scan3A_644 : i32
          %get3A = arith.index_cast %add3A_654 : i32 to index
          %get3A_655 = arith.constant 0 : index
          %get3A_656 = tpu.vector_load %arg6[%get3A, %get3A_655] {strides = array<i32>} : memref<100x128xf32, #tpu.memory_space<vmem>>, vector<1x16xf32>,
          %get3A_657 = vector.shape_cast %get3A_656 : vector<1x16xf32> to vector<16xf32>
          %add3A_658 = arith.addf %scan3A_645, %get3A_657 : vector<16xf32>
          %get3A_659 = arith.index_cast %add3A_654 : i32 to index
          %get3A_660 = arith.constant 16 : index
          %get3A_661 = tpu.vector_load %arg6[%get3A_659, %get3A_660] {strides = array<i32>} : memref<100x128xf32, #tpu.memory_space<vmem>>, vector<1x16xf32>,
          %get3A_662 = vector.shape_cast %get3A_661 : vector<1x16xf32> to vector<16xf32>
          %add3A_663 = arith.addf %scan3A_646, %get3A_662 : vector<16xf32>
          %get3A_664 = arith.index_cast %add3A_654 : i32 to index
          %get3A_665 = arith.constant 32 : index
          %get3A_666 = tpu.vector_load %arg6[%get3A_664, %get3A_665] {strides = array<i32>} : memref<100x128xf32, #tpu.memory_space<vmem>>, vector<1x16xf32>,
          %get3A_667 = vector.shape_cast %get3A_666 : vector<1x16xf32> to vector<16xf32>
          %add3A_668 = arith.addf %scan3A_647, %get3A_667 : vector<16xf32>
          %get3A_669 = arith.index_cast %add3A_654 : i32 to index
          %get3A_670 = arith.constant 48 : index
          %get3A_671 = tpu.vector_load %arg6[%get3A_669, %get3A_670] {strides = array<i32>} : memref<100x128xf32, #tpu.memory_space<vmem>>, vector<1x16xf32>,
          %get3A_672 = vector.shape_cast %get3A_671 : vector<1x16xf32> to vector<16xf32>
          %add3A_673 = arith.addf %scan3A_648, %get3A_672 : vector<16xf32>
          %get3A_674 = arith.index_cast %add3A_654 : i32 to index
          %get3A_675 = arith.constant 64 : index
          %get3A_676 = tpu.vector_load %arg6[%get3A_674, %get3A_675] {strides = array<i32>} : memref<100x128xf32, #tpu.memory_space<vmem>>, vector<1x16xf32>,
          %get3A_677 = vector.shape_cast %get3A_676 : vector<1x16xf32> to vector<16xf32>
          %add3A_678 = arith.addf %scan3A_649, %get3A_677 : vector<16xf32>
          %get3A_679 = arith.index_cast %add3A_654 : i32 to index
          %get3A_680 = arith.constant 80 : index
          %get3A_681 = tpu.vector_load %arg6[%get3A_679, %get3A_680] {strides = array<i32>} : memref<100x128xf32, #tpu.memory_space<vmem>>, vector<1x16xf32>,
          %get3A_682 = vector.shape_cast %get3A_681 : vector<1x16xf32> to vector<16xf32>
          %add3A_683 = arith.addf %scan3A_650, %get3A_682 : vector<16xf32>
          %get3A_684 = arith.index_cast %add3A_654 : i32 to index
          %get3A_685 = arith.constant 96 : index
          %get3A_686 = tpu.vector_load %arg6[%get3A_684, %get3A_685] {strides = array<i32>} : memref<100x128xf32, #tpu.memory_space<vmem>>, vector<1x16xf32>,
          %get3A_687 = vector.shape_cast %get3A_686 : vector<1x16xf32> to vector<16xf32>
          %add3A_688 = arith.addf %scan3A_651, %get3A_687 : vector<16xf32>
          %get3A_689 = arith.index_cast %add3A_654 : i32 to index
          %get3A_690 = arith.constant 112 : index
          %get3A_691 = tpu.vector_load %arg6[%get3A_689, %get3A_690] {strides = array<i32>} : memref<100x128xf32, #tpu.memory_space<vmem>>, vector<1x16xf32>,
          %get3A_692 = vector.shape_cast %get3A_691 : vector<1x16xf32> to vector<16xf32>
          %add3A_693 = arith.addf %scan3A_652, %get3A_692 : vector<16xf32>
          %scan3A_694 = arith.constant 1 : i32
          %scan3A_695 = arith.addi %scan3A_644, %scan3A_694 : i32
          %add3A_696 = arith.constant 0 : i32
          %add3A_697 = arith.addi %add3A_696, %scan3A_695 : i32
          %get3A_698 = arith.index_cast %add3A_697 : i32 to index
          %get3A_699 = arith.constant 0 : index
          %get3A_700 = tpu.vector_load %arg6[%get3A_698, %get3A_699] {strides = array<i32>} : memref<100x128xf32, #tpu.memory_space<vmem>>, vector<1x16xf32>,
          %get3A_701 = vector.shape_cast %get3A_700 : vector<1x16xf32> to vector<16xf32>
          %add3A_702 = arith.addf %add3A_658, %get3A_701 : vector<16xf32>
          %get3A_703 = arith.index_cast %add3A_697 : i32 to index
          %get3A_704 = arith.constant 16 : index
          %get3A_705 = tpu.vector_load %arg6[%get3A_703, %get3A_704] {strides = array<i32>} : memref<100x128xf32, #tpu.memory_space<vmem>>, vector<1x16xf32>,
          %get3A_706 = vector.shape_cast %get3A_705 : vector<1x16xf32> to vector<16xf32>
          %add3A_707 = arith.addf %add3A_663, %get3A_706 : vector<16xf32>
          %get3A_708 = arith.index_cast %add3A_697 : i32 to index
          %get3A_709 = arith.constant 32 : index
          %get3A_710 = tpu.vector_load %arg6[%get3A_708, %get3A_709] {strides = array<i32>} : memref<100x128xf32, #tpu.memory_space<vmem>>, vector<1x16xf32>,
          %get3A_711 = vector.shape_cast %get3A_710 : vector<1x16xf32> to vector<16xf32>
          %add3A_712 = arith.addf %add3A_668, %get3A_711 : vector<16xf32>
          %get3A_713 = arith.index_cast %add3A_697 : i32 to index
          %get3A_714 = arith.constant 48 : index
          %get3A_715 = tpu.vector_load %arg6[%get3A_713, %get3A_714] {strides = array<i32>} : memref<100x128xf32, #tpu.memory_space<vmem>>, vector<1x16xf32>,
          %get3A_716 = vector.shape_cast %get3A_715 : vector<1x16xf32> to vector<16xf32>
          %add3A_717 = arith.addf %add3A_673, %get3A_716 : vector<16xf32>
          %get3A_718 = arith.index_cast %add3A_697 : i32 to index
          %get3A_719 = arith.constant 64 : index
          %get3A_720 = tpu.vector_load %arg6[%get3A_718, %get3A_719] {strides = array<i32>} : memref<100x128xf32, #tpu.memory_space<vmem>>, vector<1x16xf32>,
          %get3A_721 = vector.shape_cast %get3A_720 : vector<1x16xf32> to vector<16xf32>
          %add3A_722 = arith.addf %add3A_678, %get3A_721 : vector<16xf32>
          %get3A_723 = arith.index_cast %add3A_697 : i32 to index
          %get3A_724 = arith.constant 80 : index
          %get3A_725 = tpu.vector_load %arg6[%get3A_723, %get3A_724] {strides = array<i32>} : memref<100x128xf32, #tpu.memory_space<vmem>>, vector<1x16xf32>,
          %get3A_726 = vector.shape_cast %get3A_725 : vector<1x16xf32> to vector<16xf32>
          %add3A_727 = arith.addf %add3A_683, %get3A_726 : vector<16xf32>
          %get3A_728 = arith.index_cast %add3A_697 : i32 to index
          %get3A_729 = arith.constant 96 : index
          %get3A_730 = tpu.vector_load %arg6[%get3A_728, %get3A_729] {strides = array<i32>} : memref<100x128xf32, #tpu.memory_space<vmem>>, vector<1x16xf32>,
          %get3A_731 = vector.shape_cast %get3A_730 : vector<1x16xf32> to vector<16xf32>
          %add3A_732 = arith.addf %add3A_688, %get3A_731 : vector<16xf32>
          %get3A_733 = arith.index_cast %add3A_697 : i32 to index
          %get3A_734 = arith.constant 112 : index
          %get3A_735 = tpu.vector_load %arg6[%get3A_733, %get3A_734] {strides = array<i32>} : memref<100x128xf32, #tpu.memory_space<vmem>>, vector<1x16xf32>,
          %get3A_736 = vector.shape_cast %get3A_735 : vector<1x16xf32> to vector<16xf32>
          %add3A_737 = arith.addf %add3A_693, %get3A_736 : vector<16xf32>
          %scan3A_738 = arith.constant 2 : i32
          %scan3A_739 = arith.addi %scan3A_644, %scan3A_738 : i32
          %add3A_740 = arith.constant 0 : i32
          %add3A_741 = arith.addi %add3A_740, %scan3A_739 : i32
          %get3A_742 = arith.index_cast %add3A_741 : i32 to index
          %get3A_743 = arith.constant 0 : index
          %get3A_744 = tpu.vector_load %arg6[%get3A_742, %get3A_743] {strides = array<i32>} : memref<100x128xf32, #tpu.memory_space<vmem>>, vector<1x16xf32>,
          %get3A_745 = vector.shape_cast %get3A_744 : vector<1x16xf32> to vector<16xf32>
          %add3A_746 = arith.addf %add3A_702, %get3A_745 : vector<16xf32>
          %get3A_747 = arith.index_cast %add3A_741 : i32 to index
          %get3A_748 = arith.constant 16 : index
          %get3A_749 = tpu.vector_load %arg6[%get3A_747, %get3A_748] {strides = array<i32>} : memref<100x128xf32, #tpu.memory_space<vmem>>, vector<1x16xf32>,
          %get3A_750 = vector.shape_cast %get3A_749 : vector<1x16xf32> to vector<16xf32>
          %add3A_751 = arith.addf %add3A_707, %get3A_750 : vector<16xf32>
          %get3A_752 = arith.index_cast %add3A_741 : i32 to index
          %get3A_753 = arith.constant 32 : index
          %get3A_754 = tpu.vector_load %arg6[%get3A_752, %get3A_753] {strides = array<i32>} : memref<100x128xf32, #tpu.memory_space<vmem>>, vector<1x16xf32>,
          %get3A_755 = vector.shape_cast %get3A_754 : vector<1x16xf32> to vector<16xf32>
          %add3A_756 = arith.addf %add3A_712, %get3A_755 : vector<16xf32>
          %get3A_757 = arith.index_cast %add3A_741 : i32 to index
          %get3A_758 = arith.constant 48 : index
          %get3A_759 = tpu.vector_load %arg6[%get3A_757, %get3A_758] {strides = array<i32>} : memref<100x128xf32, #tpu.memory_space<vmem>>, vector<1x16xf32>,
          %get3A_760 = vector.shape_cast %get3A_759 : vector<1x16xf32> to vector<16xf32>
          %add3A_761 = arith.addf %add3A_717, %get3A_760 : vector<16xf32>
          %get3A_762 = arith.index_cast %add3A_741 : i32 to index
          %get3A_763 = arith.constant 64 : index
          %get3A_764 = tpu.vector_load %arg6[%get3A_762, %get3A_763] {strides = array<i32>} : memref<100x128xf32, #tpu.memory_space<vmem>>, vector<1x16xf32>,
          %get3A_765 = vector.shape_cast %get3A_764 : vector<1x16xf32> to vector<16xf32>
          %add3A_766 = arith.addf %add3A_722, %get3A_765 : vector<16xf32>
          %get3A_767 = arith.index_cast %add3A_741 : i32 to index
          %get3A_768 = arith.constant 80 : index
          %get3A_769 = tpu.vector_load %arg6[%get3A_767, %get3A_768] {strides = array<i32>} : memref<100x128xf32, #tpu.memory_space<vmem>>, vector<1x16xf32>,
          %get3A_770 = vector.shape_cast %get3A_769 : vector<1x16xf32> to vector<16xf32>
          %add3A_771 = arith.addf %add3A_727, %get3A_770 : vector<16xf32>
          %get3A_772 = arith.index_cast %add3A_741 : i32 to index
          %get3A_773 = arith.constant 96 : index
          %get3A_774 = tpu.vector_load %arg6[%get3A_772, %get3A_773] {strides = array<i32>} : memref<100x128xf32, #tpu.memory_space<vmem>>, vector<1x16xf32>,
          %get3A_775 = vector.shape_cast %get3A_774 : vector<1x16xf32> to vector<16xf32>
          %add3A_776 = arith.addf %add3A_732, %get3A_775 : vector<16xf32>
          %get3A_777 = arith.index_cast %add3A_741 : i32 to index
          %get3A_778 = arith.constant 112 : index
          %get3A_779 = tpu.vector_load %arg6[%get3A_777, %get3A_778] {strides = array<i32>} : memref<100x128xf32, #tpu.memory_space<vmem>>, vector<1x16xf32>,
          %get3A_780 = vector.shape_cast %get3A_779 : vector<1x16xf32> to vector<16xf32>
          %add3A_781 = arith.addf %add3A_737, %get3A_780 : vector<16xf32>
          %scan3A_782 = arith.constant 3 : i32
          %scan3A_783 = arith.addi %scan3A_644, %scan3A_782 : i32
          %add3A_784 = arith.constant 0 : i32
          %add3A_785 = arith.addi %add3A_784, %scan3A_783 : i32
          %get3A_786 = arith.index_cast %add3A_785 : i32 to index
          %get3A_787 = arith.constant 0 : index
          %get3A_788 = tpu.vector_load %arg6[%get3A_786, %get3A_787] {strides = array<i32>} : memref<100x128xf32, #tpu.memory_space<vmem>>, vector<1x16xf32>,
          %get3A_789 = vector.shape_cast %get3A_788 : vector<1x16xf32> to vector<16xf32>
          %add3A_790 = arith.addf %add3A_746, %get3A_789 : vector<16xf32>
          %get3A_791 = arith.index_cast %add3A_785 : i32 to index
          %get3A_792 = arith.constant 16 : index
          %get3A_793 = tpu.vector_load %arg6[%get3A_791, %get3A_792] {strides = array<i32>} : memref<100x128xf32, #tpu.memory_space<vmem>>, vector<1x16xf32>,
          %get3A_794 = vector.shape_cast %get3A_793 : vector<1x16xf32> to vector<16xf32>
          %add3A_795 = arith.addf %add3A_751, %get3A_794 : vector<16xf32>
          %get3A_796 = arith.index_cast %add3A_785 : i32 to index
          %get3A_797 = arith.constant 32 : index
          %get3A_798 = tpu.vector_load %arg6[%get3A_796, %get3A_797] {strides = array<i32>} : memref<100x128xf32, #tpu.memory_space<vmem>>, vector<1x16xf32>,
          %get3A_799 = vector.shape_cast %get3A_798 : vector<1x16xf32> to vector<16xf32>
          %add3A_800 = arith.addf %add3A_756, %get3A_799 : vector<16xf32>
          %get3A_801 = arith.index_cast %add3A_785 : i32 to index
          %get3A_802 = arith.constant 48 : index
          %get3A_803 = tpu.vector_load %arg6[%get3A_801, %get3A_802] {strides = array<i32>} : memref<100x128xf32, #tpu.memory_space<vmem>>, vector<1x16xf32>,
          %get3A_804 = vector.shape_cast %get3A_803 : vector<1x16xf32> to vector<16xf32>
          %add3A_805 = arith.addf %add3A_761, %get3A_804 : vector<16xf32>
          %get3A_806 = arith.index_cast %add3A_785 : i32 to index
          %get3A_807 = arith.constant 64 : index
          %get3A_808 = tpu.vector_load %arg6[%get3A_806, %get3A_807] {strides = array<i32>} : memref<100x128xf32, #tpu.memory_space<vmem>>, vector<1x16xf32>,
          %get3A_809 = vector.shape_cast %get3A_808 : vector<1x16xf32> to vector<16xf32>
          %add3A_810 = arith.addf %add3A_766, %get3A_809 : vector<16xf32>
          %get3A_811 = arith.index_cast %add3A_785 : i32 to index
          %get3A_812 = arith.constant 80 : index
          %get3A_813 = tpu.vector_load %arg6[%get3A_811, %get3A_812] {strides = array<i32>} : memref<100x128xf32, #tpu.memory_space<vmem>>, vector<1x16xf32>,
          %get3A_814 = vector.shape_cast %get3A_813 : vector<1x16xf32> to vector<16xf32>
          %add3A_815 = arith.addf %add3A_771, %get3A_814 : vector<16xf32>
          %get3A_816 = arith.index_cast %add3A_785 : i32 to index
          %get3A_817 = arith.constant 96 : index
          %get3A_818 = tpu.vector_load %arg6[%get3A_816, %get3A_817] {strides = array<i32>} : memref<100x128xf32, #tpu.memory_space<vmem>>, vector<1x16xf32>,
          %get3A_819 = vector.shape_cast %get3A_818 : vector<1x16xf32> to vector<16xf32>
          %add3A_820 = arith.addf %add3A_776, %get3A_819 : vector<16xf32>
          %get3A_821 = arith.index_cast %add3A_785 : i32 to index
          %get3A_822 = arith.constant 112 : index
          %get3A_823 = tpu.vector_load %arg6[%get3A_821, %get3A_822] {strides = array<i32>} : memref<100x128xf32, #tpu.memory_space<vmem>>, vector<1x16xf32>,
          %get3A_824 = vector.shape_cast %get3A_823 : vector<1x16xf32> to vector<16xf32>
          %add3A_825 = arith.addf %add3A_781, %get3A_824 : vector<16xf32>
          %scan3A_826 = arith.constant 4 : i32
          %scan3A_827 = arith.addi %scan3A_644, %scan3A_826 : i32
          %add3A_828 = arith.constant 0 : i32
          %add3A_829 = arith.addi %add3A_828, %scan3A_827 : i32
          %get3A_830 = arith.index_cast %add3A_829 : i32 to index
          %get3A_831 = arith.constant 0 : index
          %get3A_832 = tpu.vector_load %arg6[%get3A_830, %get3A_831] {strides = array<i32>} : memref<100x128xf32, #tpu.memory_space<vmem>>, vector<1x16xf32>,
          %get3A_833 = vector.shape_cast %get3A_832 : vector<1x16xf32> to vector<16xf32>
          %add3A_834 = arith.addf %add3A_790, %get3A_833 : vector<16xf32>
          %get3A_835 = arith.index_cast %add3A_829 : i32 to index
          %get3A_836 = arith.constant 16 : index
          %get3A_837 = tpu.vector_load %arg6[%get3A_835, %get3A_836] {strides = array<i32>} : memref<100x128xf32, #tpu.memory_space<vmem>>, vector<1x16xf32>,
          %get3A_838 = vector.shape_cast %get3A_837 : vector<1x16xf32> to vector<16xf32>
          %add3A_839 = arith.addf %add3A_795, %get3A_838 : vector<16xf32>
          %get3A_840 = arith.index_cast %add3A_829 : i32 to index
          %get3A_841 = arith.constant 32 : index
          %get3A_842 = tpu.vector_load %arg6[%get3A_840, %get3A_841] {strides = array<i32>} : memref<100x128xf32, #tpu.memory_space<vmem>>, vector<1x16xf32>,
          %get3A_843 = vector.shape_cast %get3A_842 : vector<1x16xf32> to vector<16xf32>
          %add3A_844 = arith.addf %add3A_800, %get3A_843 : vector<16xf32>
          %get3A_845 = arith.index_cast %add3A_829 : i32 to index
          %get3A_846 = arith.constant 48 : index
          %get3A_847 = tpu.vector_load %arg6[%get3A_845, %get3A_846] {strides = array<i32>} : memref<100x128xf32, #tpu.memory_space<vmem>>, vector<1x16xf32>,
          %get3A_848 = vector.shape_cast %get3A_847 : vector<1x16xf32> to vector<16xf32>
          %add3A_849 = arith.addf %add3A_805, %get3A_848 : vector<16xf32>
          %get3A_850 = arith.index_cast %add3A_829 : i32 to index
          %get3A_851 = arith.constant 64 : index
          %get3A_852 = tpu.vector_load %arg6[%get3A_850, %get3A_851] {strides = array<i32>} : memref<100x128xf32, #tpu.memory_space<vmem>>, vector<1x16xf32>,
          %get3A_853 = vector.shape_cast %get3A_852 : vector<1x16xf32> to vector<16xf32>
          %add3A_854 = arith.addf %add3A_810, %get3A_853 : vector<16xf32>
          %get3A_855 = arith.index_cast %add3A_829 : i32 to index
          %get3A_856 = arith.constant 80 : index
          %get3A_857 = tpu.vector_load %arg6[%get3A_855, %get3A_856] {strides = array<i32>} : memref<100x128xf32, #tpu.memory_space<vmem>>, vector<1x16xf32>,
          %get3A_858 = vector.shape_cast %get3A_857 : vector<1x16xf32> to vector<16xf32>
          %add3A_859 = arith.addf %add3A_815, %get3A_858 : vector<16xf32>
          %get3A_860 = arith.index_cast %add3A_829 : i32 to index
          %get3A_861 = arith.constant 96 : index
          %get3A_862 = tpu.vector_load %arg6[%get3A_860, %get3A_861] {strides = array<i32>} : memref<100x128xf32, #tpu.memory_space<vmem>>, vector<1x16xf32>,
          %get3A_863 = vector.shape_cast %get3A_862 : vector<1x16xf32> to vector<16xf32>
          %add3A_864 = arith.addf %add3A_820, %get3A_863 : vector<16xf32>
          %get3A_865 = arith.index_cast %add3A_829 : i32 to index
          %get3A_866 = arith.constant 112 : index
          %get3A_867 = tpu.vector_load %arg6[%get3A_865, %get3A_866] {strides = array<i32>} : memref<100x128xf32, #tpu.memory_space<vmem>>, vector<1x16xf32>,
          %get3A_868 = vector.shape_cast %get3A_867 : vector<1x16xf32> to vector<16xf32>
          %add3A_869 = arith.addf %add3A_825, %get3A_868 : vector<16xf32>
          scf.yield %add3A_834, %add3A_839, %add3A_844, %add3A_849, %add3A_854, %add3A_859, %add3A_864, %add3A_869 : vector<16xf32>, vector<16xf32>, vector<16xf32>, vector<16xf32>, vector<16xf32>, vector<16xf32>, vector<16xf32>, vector<16xf32>
        }
        %scan3A_93 = arith.constant 50 : i32
        %mul3A_94 = arith.constant 2 : i32
        %mul3A_95 = arith.muli %mul3A_94, %add3A_72 : i32
        %add3A_96 = arith.constant 0 : i32
        %add3A_97 = arith.addi %mul3A_95, %add3A_96 : i32
        %rem3A = arith.constant 64 : i32
        %rem3A_98 = arith.remsi %add3A_97, %rem3A : i32
        %swap3A = arith.index_cast %rem3A_98 : i32 to index
        %swap3A_99 = arith.constant 0 : index
        %swap3A_100 = tpu.vector_load %arg10[%swap3A, %swap3A_99] {strides = array<i32>} : memref<64x128xf32, #tpu.memory_space<vmem>>, vector<1x16xf32>,
        %swap3A_101 = vector.shape_cast %swap3A_100 : vector<1x16xf32> to vector<16xf32>
        %swap3A_102 = vector.shape_cast %scan3A_92#0 : vector<16xf32> to vector<1x16xf32>
        tpu.vector_store %arg10[%swap3A, %swap3A_99], %swap3A_102 {strides = array<i32>} : memref<64x128xf32, #tpu.memory_space<vmem>>, vector<1x16xf32>,
        %swap3A_103 = arith.index_cast %rem3A_98 : i32 to index
        %swap3A_104 = arith.constant 16 : index
        %swap3A_105 = tpu.vector_load %arg10[%swap3A_103, %swap3A_104] {strides = array<i32>} : memref<64x128xf32, #tpu.memory_space<vmem>>, vector<1x16xf32>,
        %swap3A_106 = vector.shape_cast %swap3A_105 : vector<1x16xf32> to vector<16xf32>
        %swap3A_107 = vector.shape_cast %scan3A_92#1 : vector<16xf32> to vector<1x16xf32>
        tpu.vector_store %arg10[%swap3A_103, %swap3A_104], %swap3A_107 {strides = array<i32>} : memref<64x128xf32, #tpu.memory_space<vmem>>, vector<1x16xf32>,
        %swap3A_108 = arith.index_cast %rem3A_98 : i32 to index
        %swap3A_109 = arith.constant 32 : index
        %swap3A_110 = tpu.vector_load %arg10[%swap3A_108, %swap3A_109] {strides = array<i32>} : memref<64x128xf32, #tpu.memory_space<vmem>>, vector<1x16xf32>,
        %swap3A_111 = vector.shape_cast %swap3A_110 : vector<1x16xf32> to vector<16xf32>
        %swap3A_112 = vector.shape_cast %scan3A_92#2 : vector<16xf32> to vector<1x16xf32>
        tpu.vector_store %arg10[%swap3A_108, %swap3A_109], %swap3A_112 {strides = array<i32>} : memref<64x128xf32, #tpu.memory_space<vmem>>, vector<1x16xf32>,
        %swap3A_113 = arith.index_cast %rem3A_98 : i32 to index
        %swap3A_114 = arith.constant 48 : index
        %swap3A_115 = tpu.vector_load %arg10[%swap3A_113, %swap3A_114] {strides = array<i32>} : memref<64x128xf32, #tpu.memory_space<vmem>>, vector<1x16xf32>,
        %swap3A_116 = vector.shape_cast %swap3A_115 : vector<1x16xf32> to vector<16xf32>
        %swap3A_117 = vector.shape_cast %scan3A_92#3 : vector<16xf32> to vector<1x16xf32>
        tpu.vector_store %arg10[%swap3A_113, %swap3A_114], %swap3A_117 {strides = array<i32>} : memref<64x128xf32, #tpu.memory_space<vmem>>, vector<1x16xf32>,
        %swap3A_118 = arith.index_cast %rem3A_98 : i32 to index
        %swap3A_119 = arith.constant 64 : index
        %swap3A_120 = tpu.vector_load %arg10[%swap3A_118, %swap3A_119] {strides = array<i32>} : memref<64x128xf32, #tpu.memory_space<vmem>>, vector<1x16xf32>,
        %swap3A_121 = vector.shape_cast %swap3A_120 : vector<1x16xf32> to vector<16xf32>
        %swap3A_122 = vector.shape_cast %scan3A_92#4 : vector<16xf32> to vector<1x16xf32>
        tpu.vector_store %arg10[%swap3A_118, %swap3A_119], %swap3A_122 {strides = array<i32>} : memref<64x128xf32, #tpu.memory_space<vmem>>, vector<1x16xf32>,
        %swap3A_123 = arith.index_cast %rem3A_98 : i32 to index
        %swap3A_124 = arith.constant 80 : index
        %swap3A_125 = tpu.vector_load %arg10[%swap3A_123, %swap3A_124] {strides = array<i32>} : memref<64x128xf32, #tpu.memory_space<vmem>>, vector<1x16xf32>,
        %swap3A_126 = vector.shape_cast %swap3A_125 : vector<1x16xf32> to vector<16xf32>
        %swap3A_127 = vector.shape_cast %scan3A_92#5 : vector<16xf32> to vector<1x16xf32>
        tpu.vector_store %arg10[%swap3A_123, %swap3A_124], %swap3A_127 {strides = array<i32>} : memref<64x128xf32, #tpu.memory_space<vmem>>, vector<1x16xf32>,
        %swap3A_128 = arith.index_cast %rem3A_98 : i32 to index
        %swap3A_129 = arith.constant 96 : index
        %swap3A_130 = tpu.vector_load %arg10[%swap3A_128, %swap3A_129] {strides = array<i32>} : memref<64x128xf32, #tpu.memory_space<vmem>>, vector<1x16xf32>,
        %swap3A_131 = vector.shape_cast %swap3A_130 : vector<1x16xf32> to vector<16xf32>
        %swap3A_132 = vector.shape_cast %scan3A_92#6 : vector<16xf32> to vector<1x16xf32>
        tpu.vector_store %arg10[%swap3A_128, %swap3A_129], %swap3A_132 {strides = array<i32>} : memref<64x128xf32, #tpu.memory_space<vmem>>, vector<1x16xf32>,
        %swap3A_133 = arith.index_cast %rem3A_98 : i32 to index
        %swap3A_134 = arith.constant 112 : index
        %swap3A_135 = tpu.vector_load %arg10[%swap3A_133, %swap3A_134] {strides = array<i32>} : memref<64x128xf32, #tpu.memory_space<vmem>>, vector<1x16xf32>,
        %swap3A_136 = vector.shape_cast %swap3A_135 : vector<1x16xf32> to vector<16xf32>
        %swap3A_137 = vector.shape_cast %scan3A_92#7 : vector<16xf32> to vector<1x16xf32>
        tpu.vector_store %arg10[%swap3A_133, %swap3A_134], %swap3A_137 {strides = array<i32>} : memref<64x128xf32, #tpu.memory_space<vmem>>, vector<1x16xf32>,
        %broadcast_in_dim3A_138 = arith.constant 0.000000e+00 : f32
        %broadcast_in_dim3A_139 = vector.broadcast %broadcast_in_dim3A_138 : f32 to vector<16xf32>
        %broadcast_in_dim3A_140 = arith.constant 0.000000e+00 : f32
        %broadcast_in_dim3A_141 = vector.broadcast %broadcast_in_dim3A_140 : f32 to vector<16xf32>
        %broadcast_in_dim3A_142 = arith.constant 0.000000e+00 : f32
        %broadcast_in_dim3A_143 = vector.broadcast %broadcast_in_dim3A_142 : f32 to vector<16xf32>
        %broadcast_in_dim3A_144 = arith.constant 0.000000e+00 : f32
        %broadcast_in_dim3A_145 = vector.broadcast %broadcast_in_dim3A_144 : f32 to vector<16xf32>
        %broadcast_in_dim3A_146 = arith.constant 0.000000e+00 : f32
        %broadcast_in_dim3A_147 = vector.broadcast %broadcast_in_dim3A_146 : f32 to vector<16xf32>
        %broadcast_in_dim3A_148 = arith.constant 0.000000e+00 : f32
        %broadcast_in_dim3A_149 = vector.broadcast %broadcast_in_dim3A_148 : f32 to vector<16xf32>
        %broadcast_in_dim3A_150 = arith.constant 0.000000e+00 : f32
        %broadcast_in_dim3A_151 = vector.broadcast %broadcast_in_dim3A_150 : f32 to vector<16xf32>
        %broadcast_in_dim3A_152 = arith.constant 0.000000e+00 : f32
        %broadcast_in_dim3A_153 = vector.broadcast %broadcast_in_dim3A_152 : f32 to vector<16xf32>
        %scan3A_154 = arith.constant 0 : i32
        %scan3A_155 = arith.constant 50 : i32
        %scan3A_156 = arith.addi %scan3A_154, %scan3A_155 : i32
        %scan3A_157 = arith.constant 5 : i32
        %scan3A_158:8 = scf.for %scan3A_644 = %scan3A_154 to %scan3A_156 step %scan3A_157 iter_args(%scan3A_645 = %broadcast_in_dim3A_139, %scan3A_646 = %broadcast_in_dim3A_141, %scan3A_647 = %broadcast_in_dim3A_143, %scan3A_648 = %broadcast_in_dim3A_145, %scan3A_649 = %broadcast_in_dim3A_147, %scan3A_650 = %broadcast_in_dim3A_149, %scan3A_651 = %broadcast_in_dim3A_151, %scan3A_652 = %broadcast_in_dim3A_153) -> (vector<16xf32>, vector<16xf32>, vector<16xf32>, vector<16xf32>, vector<16xf32>, vector<16xf32>, vector<16xf32>, vector<16xf32>)  : i32 {
          %add3A_653 = arith.constant 50 : i32
          %add3A_654 = arith.addi %add3A_653, %scan3A_644 : i32
          %get3A = arith.index_cast %add3A_654 : i32 to index
          %get3A_655 = arith.constant 0 : index
          %get3A_656 = tpu.vector_load %arg6[%get3A, %get3A_655] {strides = array<i32>} : memref<100x128xf32, #tpu.memory_space<vmem>>, vector<1x16xf32>,
          %get3A_657 = vector.shape_cast %get3A_656 : vector<1x16xf32> to vector<16xf32>
          %add3A_658 = arith.addf %scan3A_645, %get3A_657 : vector<16xf32>
          %get3A_659 = arith.index_cast %add3A_654 : i32 to index
          %get3A_660 = arith.constant 16 : index
          %get3A_661 = tpu.vector_load %arg6[%get3A_659, %get3A_660] {strides = array<i32>} : memref<100x128xf32, #tpu.memory_space<vmem>>, vector<1x16xf32>,
          %get3A_662 = vector.shape_cast %get3A_661 : vector<1x16xf32> to vector<16xf32>
          %add3A_663 = arith.addf %scan3A_646, %get3A_662 : vector<16xf32>
          %get3A_664 = arith.index_cast %add3A_654 : i32 to index
          %get3A_665 = arith.constant 32 : index
          %get3A_666 = tpu.vector_load %arg6[%get3A_664, %get3A_665] {strides = array<i32>} : memref<100x128xf32, #tpu.memory_space<vmem>>, vector<1x16xf32>,
          %get3A_667 = vector.shape_cast %get3A_666 : vector<1x16xf32> to vector<16xf32>
          %add3A_668 = arith.addf %scan3A_647, %get3A_667 : vector<16xf32>
          %get3A_669 = arith.index_cast %add3A_654 : i32 to index
          %get3A_670 = arith.constant 48 : index
          %get3A_671 = tpu.vector_load %arg6[%get3A_669, %get3A_670] {strides = array<i32>} : memref<100x128xf32, #tpu.memory_space<vmem>>, vector<1x16xf32>,
          %get3A_672 = vector.shape_cast %get3A_671 : vector<1x16xf32> to vector<16xf32>
          %add3A_673 = arith.addf %scan3A_648, %get3A_672 : vector<16xf32>
          %get3A_674 = arith.index_cast %add3A_654 : i32 to index
          %get3A_675 = arith.constant 64 : index
          %get3A_676 = tpu.vector_load %arg6[%get3A_674, %get3A_675] {strides = array<i32>} : memref<100x128xf32, #tpu.memory_space<vmem>>, vector<1x16xf32>,
          %get3A_677 = vector.shape_cast %get3A_676 : vector<1x16xf32> to vector<16xf32>
          %add3A_678 = arith.addf %scan3A_649, %get3A_677 : vector<16xf32>
          %get3A_679 = arith.index_cast %add3A_654 : i32 to index
          %get3A_680 = arith.constant 80 : index
          %get3A_681 = tpu.vector_load %arg6[%get3A_679, %get3A_680] {strides = array<i32>} : memref<100x128xf32, #tpu.memory_space<vmem>>, vector<1x16xf32>,
          %get3A_682 = vector.shape_cast %get3A_681 : vector<1x16xf32> to vector<16xf32>
          %add3A_683 = arith.addf %scan3A_650, %get3A_682 : vector<16xf32>
          %get3A_684 = arith.index_cast %add3A_654 : i32 to index
          %get3A_685 = arith.constant 96 : index
          %get3A_686 = tpu.vector_load %arg6[%get3A_684, %get3A_685] {strides = array<i32>} : memref<100x128xf32, #tpu.memory_space<vmem>>, vector<1x16xf32>,
          %get3A_687 = vector.shape_cast %get3A_686 : vector<1x16xf32> to vector<16xf32>
          %add3A_688 = arith.addf %scan3A_651, %get3A_687 : vector<16xf32>
          %get3A_689 = arith.index_cast %add3A_654 : i32 to index
          %get3A_690 = arith.constant 112 : index
          %get3A_691 = tpu.vector_load %arg6[%get3A_689, %get3A_690] {strides = array<i32>} : memref<100x128xf32, #tpu.memory_space<vmem>>, vector<1x16xf32>,
          %get3A_692 = vector.shape_cast %get3A_691 : vector<1x16xf32> to vector<16xf32>
          %add3A_693 = arith.addf %scan3A_652, %get3A_692 : vector<16xf32>
          %scan3A_694 = arith.constant 1 : i32
          %scan3A_695 = arith.addi %scan3A_644, %scan3A_694 : i32
          %add3A_696 = arith.constant 50 : i32
          %add3A_697 = arith.addi %add3A_696, %scan3A_695 : i32
          %get3A_698 = arith.index_cast %add3A_697 : i32 to index
          %get3A_699 = arith.constant 0 : index
          %get3A_700 = tpu.vector_load %arg6[%get3A_698, %get3A_699] {strides = array<i32>} : memref<100x128xf32, #tpu.memory_space<vmem>>, vector<1x16xf32>,
          %get3A_701 = vector.shape_cast %get3A_700 : vector<1x16xf32> to vector<16xf32>
          %add3A_702 = arith.addf %add3A_658, %get3A_701 : vector<16xf32>
          %get3A_703 = arith.index_cast %add3A_697 : i32 to index
          %get3A_704 = arith.constant 16 : index
          %get3A_705 = tpu.vector_load %arg6[%get3A_703, %get3A_704] {strides = array<i32>} : memref<100x128xf32, #tpu.memory_space<vmem>>, vector<1x16xf32>,
          %get3A_706 = vector.shape_cast %get3A_705 : vector<1x16xf32> to vector<16xf32>
          %add3A_707 = arith.addf %add3A_663, %get3A_706 : vector<16xf32>
          %get3A_708 = arith.index_cast %add3A_697 : i32 to index
          %get3A_709 = arith.constant 32 : index
          %get3A_710 = tpu.vector_load %arg6[%get3A_708, %get3A_709] {strides = array<i32>} : memref<100x128xf32, #tpu.memory_space<vmem>>, vector<1x16xf32>,
          %get3A_711 = vector.shape_cast %get3A_710 : vector<1x16xf32> to vector<16xf32>
          %add3A_712 = arith.addf %add3A_668, %get3A_711 : vector<16xf32>
          %get3A_713 = arith.index_cast %add3A_697 : i32 to index
          %get3A_714 = arith.constant 48 : index
          %get3A_715 = tpu.vector_load %arg6[%get3A_713, %get3A_714] {strides = array<i32>} : memref<100x128xf32, #tpu.memory_space<vmem>>, vector<1x16xf32>,
          %get3A_716 = vector.shape_cast %get3A_715 : vector<1x16xf32> to vector<16xf32>
          %add3A_717 = arith.addf %add3A_673, %get3A_716 : vector<16xf32>
          %get3A_718 = arith.index_cast %add3A_697 : i32 to index
          %get3A_719 = arith.constant 64 : index
          %get3A_720 = tpu.vector_load %arg6[%get3A_718, %get3A_719] {strides = array<i32>} : memref<100x128xf32, #tpu.memory_space<vmem>>, vector<1x16xf32>,
          %get3A_721 = vector.shape_cast %get3A_720 : vector<1x16xf32> to vector<16xf32>
          %add3A_722 = arith.addf %add3A_678, %get3A_721 : vector<16xf32>
          %get3A_723 = arith.index_cast %add3A_697 : i32 to index
          %get3A_724 = arith.constant 80 : index
          %get3A_725 = tpu.vector_load %arg6[%get3A_723, %get3A_724] {strides = array<i32>} : memref<100x128xf32, #tpu.memory_space<vmem>>, vector<1x16xf32>,
          %get3A_726 = vector.shape_cast %get3A_725 : vector<1x16xf32> to vector<16xf32>
          %add3A_727 = arith.addf %add3A_683, %get3A_726 : vector<16xf32>
          %get3A_728 = arith.index_cast %add3A_697 : i32 to index
          %get3A_729 = arith.constant 96 : index
          %get3A_730 = tpu.vector_load %arg6[%get3A_728, %get3A_729] {strides = array<i32>} : memref<100x128xf32, #tpu.memory_space<vmem>>, vector<1x16xf32>,
          %get3A_731 = vector.shape_cast %get3A_730 : vector<1x16xf32> to vector<16xf32>
          %add3A_732 = arith.addf %add3A_688, %get3A_731 : vector<16xf32>
          %get3A_733 = arith.index_cast %add3A_697 : i32 to index
          %get3A_734 = arith.constant 112 : index
          %get3A_735 = tpu.vector_load %arg6[%get3A_733, %get3A_734] {strides = array<i32>} : memref<100x128xf32, #tpu.memory_space<vmem>>, vector<1x16xf32>,
          %get3A_736 = vector.shape_cast %get3A_735 : vector<1x16xf32> to vector<16xf32>
          %add3A_737 = arith.addf %add3A_693, %get3A_736 : vector<16xf32>
          %scan3A_738 = arith.constant 2 : i32
          %scan3A_739 = arith.addi %scan3A_644, %scan3A_738 : i32
          %add3A_740 = arith.constant 50 : i32
          %add3A_741 = arith.addi %add3A_740, %scan3A_739 : i32
          %get3A_742 = arith.index_cast %add3A_741 : i32 to index
          %get3A_743 = arith.constant 0 : index
          %get3A_744 = tpu.vector_load %arg6[%get3A_742, %get3A_743] {strides = array<i32>} : memref<100x128xf32, #tpu.memory_space<vmem>>, vector<1x16xf32>,
          %get3A_745 = vector.shape_cast %get3A_744 : vector<1x16xf32> to vector<16xf32>
          %add3A_746 = arith.addf %add3A_702, %get3A_745 : vector<16xf32>
          %get3A_747 = arith.index_cast %add3A_741 : i32 to index
          %get3A_748 = arith.constant 16 : index
          %get3A_749 = tpu.vector_load %arg6[%get3A_747, %get3A_748] {strides = array<i32>} : memref<100x128xf32, #tpu.memory_space<vmem>>, vector<1x16xf32>,
          %get3A_750 = vector.shape_cast %get3A_749 : vector<1x16xf32> to vector<16xf32>
          %add3A_751 = arith.addf %add3A_707, %get3A_750 : vector<16xf32>
          %get3A_752 = arith.index_cast %add3A_741 : i32 to index
          %get3A_753 = arith.constant 32 : index
          %get3A_754 = tpu.vector_load %arg6[%get3A_752, %get3A_753] {strides = array<i32>} : memref<100x128xf32, #tpu.memory_space<vmem>>, vector<1x16xf32>,
          %get3A_755 = vector.shape_cast %get3A_754 : vector<1x16xf32> to vector<16xf32>
          %add3A_756 = arith.addf %add3A_712, %get3A_755 : vector<16xf32>
          %get3A_757 = arith.index_cast %add3A_741 : i32 to index
          %get3A_758 = arith.constant 48 : index
          %get3A_759 = tpu.vector_load %arg6[%get3A_757, %get3A_758] {strides = array<i32>} : memref<100x128xf32, #tpu.memory_space<vmem>>, vector<1x16xf32>,
          %get3A_760 = vector.shape_cast %get3A_759 : vector<1x16xf32> to vector<16xf32>
          %add3A_761 = arith.addf %add3A_717, %get3A_760 : vector<16xf32>
          %get3A_762 = arith.index_cast %add3A_741 : i32 to index
          %get3A_763 = arith.constant 64 : index
          %get3A_764 = tpu.vector_load %arg6[%get3A_762, %get3A_763] {strides = array<i32>} : memref<100x128xf32, #tpu.memory_space<vmem>>, vector<1x16xf32>,
          %get3A_765 = vector.shape_cast %get3A_764 : vector<1x16xf32> to vector<16xf32>
          %add3A_766 = arith.addf %add3A_722, %get3A_765 : vector<16xf32>
          %get3A_767 = arith.index_cast %add3A_741 : i32 to index
          %get3A_768 = arith.constant 80 : index
          %get3A_769 = tpu.vector_load %arg6[%get3A_767, %get3A_768] {strides = array<i32>} : memref<100x128xf32, #tpu.memory_space<vmem>>, vector<1x16xf32>,
          %get3A_770 = vector.shape_cast %get3A_769 : vector<1x16xf32> to vector<16xf32>
          %add3A_771 = arith.addf %add3A_727, %get3A_770 : vector<16xf32>
          %get3A_772 = arith.index_cast %add3A_741 : i32 to index
          %get3A_773 = arith.constant 96 : index
          %get3A_774 = tpu.vector_load %arg6[%get3A_772, %get3A_773] {strides = array<i32>} : memref<100x128xf32, #tpu.memory_space<vmem>>, vector<1x16xf32>,
          %get3A_775 = vector.shape_cast %get3A_774 : vector<1x16xf32> to vector<16xf32>
          %add3A_776 = arith.addf %add3A_732, %get3A_775 : vector<16xf32>
          %get3A_777 = arith.index_cast %add3A_741 : i32 to index
          %get3A_778 = arith.constant 112 : index
          %get3A_779 = tpu.vector_load %arg6[%get3A_777, %get3A_778] {strides = array<i32>} : memref<100x128xf32, #tpu.memory_space<vmem>>, vector<1x16xf32>,
          %get3A_780 = vector.shape_cast %get3A_779 : vector<1x16xf32> to vector<16xf32>
          %add3A_781 = arith.addf %add3A_737, %get3A_780 : vector<16xf32>
          %scan3A_782 = arith.constant 3 : i32
          %scan3A_783 = arith.addi %scan3A_644, %scan3A_782 : i32
          %add3A_784 = arith.constant 50 : i32
          %add3A_785 = arith.addi %add3A_784, %scan3A_783 : i32
          %get3A_786 = arith.index_cast %add3A_785 : i32 to index
          %get3A_787 = arith.constant 0 : index
          %get3A_788 = tpu.vector_load %arg6[%get3A_786, %get3A_787] {strides = array<i32>} : memref<100x128xf32, #tpu.memory_space<vmem>>, vector<1x16xf32>,
          %get3A_789 = vector.shape_cast %get3A_788 : vector<1x16xf32> to vector<16xf32>
          %add3A_790 = arith.addf %add3A_746, %get3A_789 : vector<16xf32>
          %get3A_791 = arith.index_cast %add3A_785 : i32 to index
          %get3A_792 = arith.constant 16 : index
          %get3A_793 = tpu.vector_load %arg6[%get3A_791, %get3A_792] {strides = array<i32>} : memref<100x128xf32, #tpu.memory_space<vmem>>, vector<1x16xf32>,
          %get3A_794 = vector.shape_cast %get3A_793 : vector<1x16xf32> to vector<16xf32>
          %add3A_795 = arith.addf %add3A_751, %get3A_794 : vector<16xf32>
          %get3A_796 = arith.index_cast %add3A_785 : i32 to index
          %get3A_797 = arith.constant 32 : index
          %get3A_798 = tpu.vector_load %arg6[%get3A_796, %get3A_797] {strides = array<i32>} : memref<100x128xf32, #tpu.memory_space<vmem>>, vector<1x16xf32>,
          %get3A_799 = vector.shape_cast %get3A_798 : vector<1x16xf32> to vector<16xf32>
          %add3A_800 = arith.addf %add3A_756, %get3A_799 : vector<16xf32>
          %get3A_801 = arith.index_cast %add3A_785 : i32 to index
          %get3A_802 = arith.constant 48 : index
          %get3A_803 = tpu.vector_load %arg6[%get3A_801, %get3A_802] {strides = array<i32>} : memref<100x128xf32, #tpu.memory_space<vmem>>, vector<1x16xf32>,
          %get3A_804 = vector.shape_cast %get3A_803 : vector<1x16xf32> to vector<16xf32>
          %add3A_805 = arith.addf %add3A_761, %get3A_804 : vector<16xf32>
          %get3A_806 = arith.index_cast %add3A_785 : i32 to index
          %get3A_807 = arith.constant 64 : index
          %get3A_808 = tpu.vector_load %arg6[%get3A_806, %get3A_807] {strides = array<i32>} : memref<100x128xf32, #tpu.memory_space<vmem>>, vector<1x16xf32>,
          %get3A_809 = vector.shape_cast %get3A_808 : vector<1x16xf32> to vector<16xf32>
          %add3A_810 = arith.addf %add3A_766, %get3A_809 : vector<16xf32>
          %get3A_811 = arith.index_cast %add3A_785 : i32 to index
          %get3A_812 = arith.constant 80 : index
          %get3A_813 = tpu.vector_load %arg6[%get3A_811, %get3A_812] {strides = array<i32>} : memref<100x128xf32, #tpu.memory_space<vmem>>, vector<1x16xf32>,
          %get3A_814 = vector.shape_cast %get3A_813 : vector<1x16xf32> to vector<16xf32>
          %add3A_815 = arith.addf %add3A_771, %get3A_814 : vector<16xf32>
          %get3A_816 = arith.index_cast %add3A_785 : i32 to index
          %get3A_817 = arith.constant 96 : index
          %get3A_818 = tpu.vector_load %arg6[%get3A_816, %get3A_817] {strides = array<i32>} : memref<100x128xf32, #tpu.memory_space<vmem>>, vector<1x16xf32>,
          %get3A_819 = vector.shape_cast %get3A_818 : vector<1x16xf32> to vector<16xf32>
          %add3A_820 = arith.addf %add3A_776, %get3A_819 : vector<16xf32>
          %get3A_821 = arith.index_cast %add3A_785 : i32 to index
          %get3A_822 = arith.constant 112 : index
          %get3A_823 = tpu.vector_load %arg6[%get3A_821, %get3A_822] {strides = array<i32>} : memref<100x128xf32, #tpu.memory_space<vmem>>, vector<1x16xf32>,
          %get3A_824 = vector.shape_cast %get3A_823 : vector<1x16xf32> to vector<16xf32>
          %add3A_825 = arith.addf %add3A_781, %get3A_824 : vector<16xf32>
          %scan3A_826 = arith.constant 4 : i32
          %scan3A_827 = arith.addi %scan3A_644, %scan3A_826 : i32
          %add3A_828 = arith.constant 50 : i32
          %add3A_829 = arith.addi %add3A_828, %scan3A_827 : i32
          %get3A_830 = arith.index_cast %add3A_829 : i32 to index
          %get3A_831 = arith.constant 0 : index
          %get3A_832 = tpu.vector_load %arg6[%get3A_830, %get3A_831] {strides = array<i32>} : memref<100x128xf32, #tpu.memory_space<vmem>>, vector<1x16xf32>,
          %get3A_833 = vector.shape_cast %get3A_832 : vector<1x16xf32> to vector<16xf32>
          %add3A_834 = arith.addf %add3A_790, %get3A_833 : vector<16xf32>
          %get3A_835 = arith.index_cast %add3A_829 : i32 to index
          %get3A_836 = arith.constant 16 : index
          %get3A_837 = tpu.vector_load %arg6[%get3A_835, %get3A_836] {strides = array<i32>} : memref<100x128xf32, #tpu.memory_space<vmem>>, vector<1x16xf32>,
          %get3A_838 = vector.shape_cast %get3A_837 : vector<1x16xf32> to vector<16xf32>
          %add3A_839 = arith.addf %add3A_795, %get3A_838 : vector<16xf32>
          %get3A_840 = arith.index_cast %add3A_829 : i32 to index
          %get3A_841 = arith.constant 32 : index
          %get3A_842 = tpu.vector_load %arg6[%get3A_840, %get3A_841] {strides = array<i32>} : memref<100x128xf32, #tpu.memory_space<vmem>>, vector<1x16xf32>,
          %get3A_843 = vector.shape_cast %get3A_842 : vector<1x16xf32> to vector<16xf32>
          %add3A_844 = arith.addf %add3A_800, %get3A_843 : vector<16xf32>
          %get3A_845 = arith.index_cast %add3A_829 : i32 to index
          %get3A_846 = arith.constant 48 : index
          %get3A_847 = tpu.vector_load %arg6[%get3A_845, %get3A_846] {strides = array<i32>} : memref<100x128xf32, #tpu.memory_space<vmem>>, vector<1x16xf32>,
          %get3A_848 = vector.shape_cast %get3A_847 : vector<1x16xf32> to vector<16xf32>
          %add3A_849 = arith.addf %add3A_805, %get3A_848 : vector<16xf32>
          %get3A_850 = arith.index_cast %add3A_829 : i32 to index
          %get3A_851 = arith.constant 64 : index
          %get3A_852 = tpu.vector_load %arg6[%get3A_850, %get3A_851] {strides = array<i32>} : memref<100x128xf32, #tpu.memory_space<vmem>>, vector<1x16xf32>,
          %get3A_853 = vector.shape_cast %get3A_852 : vector<1x16xf32> to vector<16xf32>
          %add3A_854 = arith.addf %add3A_810, %get3A_853 : vector<16xf32>
          %get3A_855 = arith.index_cast %add3A_829 : i32 to index
          %get3A_856 = arith.constant 80 : index
          %get3A_857 = tpu.vector_load %arg6[%get3A_855, %get3A_856] {strides = array<i32>} : memref<100x128xf32, #tpu.memory_space<vmem>>, vector<1x16xf32>,
          %get3A_858 = vector.shape_cast %get3A_857 : vector<1x16xf32> to vector<16xf32>
          %add3A_859 = arith.addf %add3A_815, %get3A_858 : vector<16xf32>
          %get3A_860 = arith.index_cast %add3A_829 : i32 to index
          %get3A_861 = arith.constant 96 : index
          %get3A_862 = tpu.vector_load %arg6[%get3A_860, %get3A_861] {strides = array<i32>} : memref<100x128xf32, #tpu.memory_space<vmem>>, vector<1x16xf32>,
          %get3A_863 = vector.shape_cast %get3A_862 : vector<1x16xf32> to vector<16xf32>
          %add3A_864 = arith.addf %add3A_820, %get3A_863 : vector<16xf32>
          %get3A_865 = arith.index_cast %add3A_829 : i32 to index
          %get3A_866 = arith.constant 112 : index
          %get3A_867 = tpu.vector_load %arg6[%get3A_865, %get3A_866] {strides = array<i32>} : memref<100x128xf32, #tpu.memory_space<vmem>>, vector<1x16xf32>,
          %get3A_868 = vector.shape_cast %get3A_867 : vector<1x16xf32> to vector<16xf32>
          %add3A_869 = arith.addf %add3A_825, %get3A_868 : vector<16xf32>
          scf.yield %add3A_834, %add3A_839, %add3A_844, %add3A_849, %add3A_854, %add3A_859, %add3A_864, %add3A_869 : vector<16xf32>, vector<16xf32>, vector<16xf32>, vector<16xf32>, vector<16xf32>, vector<16xf32>, vector<16xf32>, vector<16xf32>
        }
        %scan3A_159 = arith.constant 50 : i32
        %mul3A_160 = arith.constant 2 : i32
        %mul3A_161 = arith.muli %mul3A_160, %add3A_72 : i32
        %add3A_162 = arith.constant 1 : i32
        %add3A_163 = arith.addi %mul3A_161, %add3A_162 : i32
        %rem3A_164 = arith.constant 64 : i32
        %rem3A_165 = arith.remsi %add3A_163, %rem3A_164 : i32
        %swap3A_166 = arith.index_cast %rem3A_165 : i32 to index
        %swap3A_167 = arith.constant 0 : index
        %swap3A_168 = tpu.vector_load %arg10[%swap3A_166, %swap3A_167] {strides = array<i32>} : memref<64x128xf32, #tpu.memory_space<vmem>>, vector<1x16xf32>,
        %swap3A_169 = vector.shape_cast %swap3A_168 : vector<1x16xf32> to vector<16xf32>
        %swap3A_170 = vector.shape_cast %scan3A_158#0 : vector<16xf32> to vector<1x16xf32>
        tpu.vector_store %arg10[%swap3A_166, %swap3A_167], %swap3A_170 {strides = array<i32>} : memref<64x128xf32, #tpu.memory_space<vmem>>, vector<1x16xf32>,
        %swap3A_171 = arith.index_cast %rem3A_165 : i32 to index
        %swap3A_172 = arith.constant 16 : index
        %swap3A_173 = tpu.vector_load %arg10[%swap3A_171, %swap3A_172] {strides = array<i32>} : memref<64x128xf32, #tpu.memory_space<vmem>>, vector<1x16xf32>,
        %swap3A_174 = vector.shape_cast %swap3A_173 : vector<1x16xf32> to vector<16xf32>
        %swap3A_175 = vector.shape_cast %scan3A_158#1 : vector<16xf32> to vector<1x16xf32>
        tpu.vector_store %arg10[%swap3A_171, %swap3A_172], %swap3A_175 {strides = array<i32>} : memref<64x128xf32, #tpu.memory_space<vmem>>, vector<1x16xf32>,
        %swap3A_176 = arith.index_cast %rem3A_165 : i32 to index
        %swap3A_177 = arith.constant 32 : index
        %swap3A_178 = tpu.vector_load %arg10[%swap3A_176, %swap3A_177] {strides = array<i32>} : memref<64x128xf32, #tpu.memory_space<vmem>>, vector<1x16xf32>,
        %swap3A_179 = vector.shape_cast %swap3A_178 : vector<1x16xf32> to vector<16xf32>
        %swap3A_180 = vector.shape_cast %scan3A_158#2 : vector<16xf32> to vector<1x16xf32>
        tpu.vector_store %arg10[%swap3A_176, %swap3A_177], %swap3A_180 {strides = array<i32>} : memref<64x128xf32, #tpu.memory_space<vmem>>, vector<1x16xf32>,
        %swap3A_181 = arith.index_cast %rem3A_165 : i32 to index
        %swap3A_182 = arith.constant 48 : index
        %swap3A_183 = tpu.vector_load %arg10[%swap3A_181, %swap3A_182] {strides = array<i32>} : memref<64x128xf32, #tpu.memory_space<vmem>>, vector<1x16xf32>,
        %swap3A_184 = vector.shape_cast %swap3A_183 : vector<1x16xf32> to vector<16xf32>
        %swap3A_185 = vector.shape_cast %scan3A_158#3 : vector<16xf32> to vector<1x16xf32>
        tpu.vector_store %arg10[%swap3A_181, %swap3A_182], %swap3A_185 {strides = array<i32>} : memref<64x128xf32, #tpu.memory_space<vmem>>, vector<1x16xf32>,
        %swap3A_186 = arith.index_cast %rem3A_165 : i32 to index
        %swap3A_187 = arith.constant 64 : index
        %swap3A_188 = tpu.vector_load %arg10[%swap3A_186, %swap3A_187] {strides = array<i32>} : memref<64x128xf32, #tpu.memory_space<vmem>>, vector<1x16xf32>,
        %swap3A_189 = vector.shape_cast %swap3A_188 : vector<1x16xf32> to vector<16xf32>
        %swap3A_190 = vector.shape_cast %scan3A_158#4 : vector<16xf32> to vector<1x16xf32>
        tpu.vector_store %arg10[%swap3A_186, %swap3A_187], %swap3A_190 {strides = array<i32>} : memref<64x128xf32, #tpu.memory_space<vmem>>, vector<1x16xf32>,
        %swap3A_191 = arith.index_cast %rem3A_165 : i32 to index
        %swap3A_192 = arith.constant 80 : index
        %swap3A_193 = tpu.vector_load %arg10[%swap3A_191, %swap3A_192] {strides = array<i32>} : memref<64x128xf32, #tpu.memory_space<vmem>>, vector<1x16xf32>,
        %swap3A_194 = vector.shape_cast %swap3A_193 : vector<1x16xf32> to vector<16xf32>
        %swap3A_195 = vector.shape_cast %scan3A_158#5 : vector<16xf32> to vector<1x16xf32>
        tpu.vector_store %arg10[%swap3A_191, %swap3A_192], %swap3A_195 {strides = array<i32>} : memref<64x128xf32, #tpu.memory_space<vmem>>, vector<1x16xf32>,
        %swap3A_196 = arith.index_cast %rem3A_165 : i32 to index
        %swap3A_197 = arith.constant 96 : index
        %swap3A_198 = tpu.vector_load %arg10[%swap3A_196, %swap3A_197] {strides = array<i32>} : memref<64x128xf32, #tpu.memory_space<vmem>>, vector<1x16xf32>,
        %swap3A_199 = vector.shape_cast %swap3A_198 : vector<1x16xf32> to vector<16xf32>
        %swap3A_200 = vector.shape_cast %scan3A_158#6 : vector<16xf32> to vector<1x16xf32>
        tpu.vector_store %arg10[%swap3A_196, %swap3A_197], %swap3A_200 {strides = array<i32>} : memref<64x128xf32, #tpu.memory_space<vmem>>, vector<1x16xf32>,
        %swap3A_201 = arith.index_cast %rem3A_165 : i32 to index
        %swap3A_202 = arith.constant 112 : index
        %swap3A_203 = tpu.vector_load %arg10[%swap3A_201, %swap3A_202] {strides = array<i32>} : memref<64x128xf32, #tpu.memory_space<vmem>>, vector<1x16xf32>,
        %swap3A_204 = vector.shape_cast %swap3A_203 : vector<1x16xf32> to vector<16xf32>
        %swap3A_205 = vector.shape_cast %scan3A_158#7 : vector<16xf32> to vector<1x16xf32>
        tpu.vector_store %arg10[%swap3A_201, %swap3A_202], %swap3A_205 {strides = array<i32>} : memref<64x128xf32, #tpu.memory_space<vmem>>, vector<1x16xf32>,
        %add3A_206 = arith.constant 1 : i32
        %add3A_207 = arith.addi %mul3A_55, %add3A_206 : i32
        %broadcast_in_dim3A_208 = arith.constant 0.000000e+00 : f32
        %broadcast_in_dim3A_209 = vector.broadcast %broadcast_in_dim3A_208 : f32 to vector<16xf32>
        %broadcast_in_dim3A_210 = arith.constant 0.000000e+00 : f32
        %broadcast_in_dim3A_211 = vector.broadcast %broadcast_in_dim3A_210 : f32 to vector<16xf32>
        %broadcast_in_dim3A_212 = arith.constant 0.000000e+00 : f32
        %broadcast_in_dim3A_213 = vector.broadcast %broadcast_in_dim3A_212 : f32 to vector<16xf32>
        %broadcast_in_dim3A_214 = arith.constant 0.000000e+00 : f32
        %broadcast_in_dim3A_215 = vector.broadcast %broadcast_in_dim3A_214 : f32 to vector<16xf32>
        %broadcast_in_dim3A_216 = arith.constant 0.000000e+00 : f32
        %broadcast_in_dim3A_217 = vector.broadcast %broadcast_in_dim3A_216 : f32 to vector<16xf32>
        %broadcast_in_dim3A_218 = arith.constant 0.000000e+00 : f32
        %broadcast_in_dim3A_219 = vector.broadcast %broadcast_in_dim3A_218 : f32 to vector<16xf32>
        %broadcast_in_dim3A_220 = arith.constant 0.000000e+00 : f32
        %broadcast_in_dim3A_221 = vector.broadcast %broadcast_in_dim3A_220 : f32 to vector<16xf32>
        %broadcast_in_dim3A_222 = arith.constant 0.000000e+00 : f32
        %broadcast_in_dim3A_223 = vector.broadcast %broadcast_in_dim3A_222 : f32 to vector<16xf32>
        %scan3A_224 = arith.constant 0 : i32
        %scan3A_225 = arith.constant 50 : i32
        %scan3A_226 = arith.addi %scan3A_224, %scan3A_225 : i32
        %scan3A_227 = arith.constant 5 : i32
        %scan3A_228:8 = scf.for %scan3A_644 = %scan3A_224 to %scan3A_226 step %scan3A_227 iter_args(%scan3A_645 = %broadcast_in_dim3A_209, %scan3A_646 = %broadcast_in_dim3A_211, %scan3A_647 = %broadcast_in_dim3A_213, %scan3A_648 = %broadcast_in_dim3A_215, %scan3A_649 = %broadcast_in_dim3A_217, %scan3A_650 = %broadcast_in_dim3A_219, %scan3A_651 = %broadcast_in_dim3A_221, %scan3A_652 = %broadcast_in_dim3A_223) -> (vector<16xf32>, vector<16xf32>, vector<16xf32>, vector<16xf32>, vector<16xf32>, vector<16xf32>, vector<16xf32>, vector<16xf32>)  : i32 {
          %add3A_653 = arith.constant 0 : i32
          %add3A_654 = arith.addi %add3A_653, %scan3A_644 : i32
          %get3A = arith.index_cast %add3A_654 : i32 to index
          %get3A_655 = arith.constant 0 : index
          %get3A_656 = tpu.vector_load %arg7[%get3A, %get3A_655] {strides = array<i32>} : memref<100x128xf32, #tpu.memory_space<vmem>>, vector<1x16xf32>,
          %get3A_657 = vector.shape_cast %get3A_656 : vector<1x16xf32> to vector<16xf32>
          %add3A_658 = arith.addf %scan3A_645, %get3A_657 : vector<16xf32>
          %get3A_659 = arith.index_cast %add3A_654 : i32 to index
          %get3A_660 = arith.constant 16 : index
          %get3A_661 = tpu.vector_load %arg7[%get3A_659, %get3A_660] {strides = array<i32>} : memref<100x128xf32, #tpu.memory_space<vmem>>, vector<1x16xf32>,
          %get3A_662 = vector.shape_cast %get3A_661 : vector<1x16xf32> to vector<16xf32>
          %add3A_663 = arith.addf %scan3A_646, %get3A_662 : vector<16xf32>
          %get3A_664 = arith.index_cast %add3A_654 : i32 to index
          %get3A_665 = arith.constant 32 : index
          %get3A_666 = tpu.vector_load %arg7[%get3A_664, %get3A_665] {strides = array<i32>} : memref<100x128xf32, #tpu.memory_space<vmem>>, vector<1x16xf32>,
          %get3A_667 = vector.shape_cast %get3A_666 : vector<1x16xf32> to vector<16xf32>
          %add3A_668 = arith.addf %scan3A_647, %get3A_667 : vector<16xf32>
          %get3A_669 = arith.index_cast %add3A_654 : i32 to index
          %get3A_670 = arith.constant 48 : index
          %get3A_671 = tpu.vector_load %arg7[%get3A_669, %get3A_670] {strides = array<i32>} : memref<100x128xf32, #tpu.memory_space<vmem>>, vector<1x16xf32>,
          %get3A_672 = vector.shape_cast %get3A_671 : vector<1x16xf32> to vector<16xf32>
          %add3A_673 = arith.addf %scan3A_648, %get3A_672 : vector<16xf32>
          %get3A_674 = arith.index_cast %add3A_654 : i32 to index
          %get3A_675 = arith.constant 64 : index
          %get3A_676 = tpu.vector_load %arg7[%get3A_674, %get3A_675] {strides = array<i32>} : memref<100x128xf32, #tpu.memory_space<vmem>>, vector<1x16xf32>,
          %get3A_677 = vector.shape_cast %get3A_676 : vector<1x16xf32> to vector<16xf32>
          %add3A_678 = arith.addf %scan3A_649, %get3A_677 : vector<16xf32>
          %get3A_679 = arith.index_cast %add3A_654 : i32 to index
          %get3A_680 = arith.constant 80 : index
          %get3A_681 = tpu.vector_load %arg7[%get3A_679, %get3A_680] {strides = array<i32>} : memref<100x128xf32, #tpu.memory_space<vmem>>, vector<1x16xf32>,
          %get3A_682 = vector.shape_cast %get3A_681 : vector<1x16xf32> to vector<16xf32>
          %add3A_683 = arith.addf %scan3A_650, %get3A_682 : vector<16xf32>
          %get3A_684 = arith.index_cast %add3A_654 : i32 to index
          %get3A_685 = arith.constant 96 : index
          %get3A_686 = tpu.vector_load %arg7[%get3A_684, %get3A_685] {strides = array<i32>} : memref<100x128xf32, #tpu.memory_space<vmem>>, vector<1x16xf32>,
          %get3A_687 = vector.shape_cast %get3A_686 : vector<1x16xf32> to vector<16xf32>
          %add3A_688 = arith.addf %scan3A_651, %get3A_687 : vector<16xf32>
          %get3A_689 = arith.index_cast %add3A_654 : i32 to index
          %get3A_690 = arith.constant 112 : index
          %get3A_691 = tpu.vector_load %arg7[%get3A_689, %get3A_690] {strides = array<i32>} : memref<100x128xf32, #tpu.memory_space<vmem>>, vector<1x16xf32>,
          %get3A_692 = vector.shape_cast %get3A_691 : vector<1x16xf32> to vector<16xf32>
          %add3A_693 = arith.addf %scan3A_652, %get3A_692 : vector<16xf32>
          %scan3A_694 = arith.constant 1 : i32
          %scan3A_695 = arith.addi %scan3A_644, %scan3A_694 : i32
          %add3A_696 = arith.constant 0 : i32
          %add3A_697 = arith.addi %add3A_696, %scan3A_695 : i32
          %get3A_698 = arith.index_cast %add3A_697 : i32 to index
          %get3A_699 = arith.constant 0 : index
          %get3A_700 = tpu.vector_load %arg7[%get3A_698, %get3A_699] {strides = array<i32>} : memref<100x128xf32, #tpu.memory_space<vmem>>, vector<1x16xf32>,
          %get3A_701 = vector.shape_cast %get3A_700 : vector<1x16xf32> to vector<16xf32>
          %add3A_702 = arith.addf %add3A_658, %get3A_701 : vector<16xf32>
          %get3A_703 = arith.index_cast %add3A_697 : i32 to index
          %get3A_704 = arith.constant 16 : index
          %get3A_705 = tpu.vector_load %arg7[%get3A_703, %get3A_704] {strides = array<i32>} : memref<100x128xf32, #tpu.memory_space<vmem>>, vector<1x16xf32>,
          %get3A_706 = vector.shape_cast %get3A_705 : vector<1x16xf32> to vector<16xf32>
          %add3A_707 = arith.addf %add3A_663, %get3A_706 : vector<16xf32>
          %get3A_708 = arith.index_cast %add3A_697 : i32 to index
          %get3A_709 = arith.constant 32 : index
          %get3A_710 = tpu.vector_load %arg7[%get3A_708, %get3A_709] {strides = array<i32>} : memref<100x128xf32, #tpu.memory_space<vmem>>, vector<1x16xf32>,
          %get3A_711 = vector.shape_cast %get3A_710 : vector<1x16xf32> to vector<16xf32>
          %add3A_712 = arith.addf %add3A_668, %get3A_711 : vector<16xf32>
          %get3A_713 = arith.index_cast %add3A_697 : i32 to index
          %get3A_714 = arith.constant 48 : index
          %get3A_715 = tpu.vector_load %arg7[%get3A_713, %get3A_714] {strides = array<i32>} : memref<100x128xf32, #tpu.memory_space<vmem>>, vector<1x16xf32>,
          %get3A_716 = vector.shape_cast %get3A_715 : vector<1x16xf32> to vector<16xf32>
          %add3A_717 = arith.addf %add3A_673, %get3A_716 : vector<16xf32>
          %get3A_718 = arith.index_cast %add3A_697 : i32 to index
          %get3A_719 = arith.constant 64 : index
          %get3A_720 = tpu.vector_load %arg7[%get3A_718, %get3A_719] {strides = array<i32>} : memref<100x128xf32, #tpu.memory_space<vmem>>, vector<1x16xf32>,
          %get3A_721 = vector.shape_cast %get3A_720 : vector<1x16xf32> to vector<16xf32>
          %add3A_722 = arith.addf %add3A_678, %get3A_721 : vector<16xf32>
          %get3A_723 = arith.index_cast %add3A_697 : i32 to index
          %get3A_724 = arith.constant 80 : index
          %get3A_725 = tpu.vector_load %arg7[%get3A_723, %get3A_724] {strides = array<i32>} : memref<100x128xf32, #tpu.memory_space<vmem>>, vector<1x16xf32>,
          %get3A_726 = vector.shape_cast %get3A_725 : vector<1x16xf32> to vector<16xf32>
          %add3A_727 = arith.addf %add3A_683, %get3A_726 : vector<16xf32>
          %get3A_728 = arith.index_cast %add3A_697 : i32 to index
          %get3A_729 = arith.constant 96 : index
          %get3A_730 = tpu.vector_load %arg7[%get3A_728, %get3A_729] {strides = array<i32>} : memref<100x128xf32, #tpu.memory_space<vmem>>, vector<1x16xf32>,
          %get3A_731 = vector.shape_cast %get3A_730 : vector<1x16xf32> to vector<16xf32>
          %add3A_732 = arith.addf %add3A_688, %get3A_731 : vector<16xf32>
          %get3A_733 = arith.index_cast %add3A_697 : i32 to index
          %get3A_734 = arith.constant 112 : index
          %get3A_735 = tpu.vector_load %arg7[%get3A_733, %get3A_734] {strides = array<i32>} : memref<100x128xf32, #tpu.memory_space<vmem>>, vector<1x16xf32>,
          %get3A_736 = vector.shape_cast %get3A_735 : vector<1x16xf32> to vector<16xf32>
          %add3A_737 = arith.addf %add3A_693, %get3A_736 : vector<16xf32>
          %scan3A_738 = arith.constant 2 : i32
          %scan3A_739 = arith.addi %scan3A_644, %scan3A_738 : i32
          %add3A_740 = arith.constant 0 : i32
          %add3A_741 = arith.addi %add3A_740, %scan3A_739 : i32
          %get3A_742 = arith.index_cast %add3A_741 : i32 to index
          %get3A_743 = arith.constant 0 : index
          %get3A_744 = tpu.vector_load %arg7[%get3A_742, %get3A_743] {strides = array<i32>} : memref<100x128xf32, #tpu.memory_space<vmem>>, vector<1x16xf32>,
          %get3A_745 = vector.shape_cast %get3A_744 : vector<1x16xf32> to vector<16xf32>
          %add3A_746 = arith.addf %add3A_702, %get3A_745 : vector<16xf32>
          %get3A_747 = arith.index_cast %add3A_741 : i32 to index
          %get3A_748 = arith.constant 16 : index
          %get3A_749 = tpu.vector_load %arg7[%get3A_747, %get3A_748] {strides = array<i32>} : memref<100x128xf32, #tpu.memory_space<vmem>>, vector<1x16xf32>,
          %get3A_750 = vector.shape_cast %get3A_749 : vector<1x16xf32> to vector<16xf32>
          %add3A_751 = arith.addf %add3A_707, %get3A_750 : vector<16xf32>
          %get3A_752 = arith.index_cast %add3A_741 : i32 to index
          %get3A_753 = arith.constant 32 : index
          %get3A_754 = tpu.vector_load %arg7[%get3A_752, %get3A_753] {strides = array<i32>} : memref<100x128xf32, #tpu.memory_space<vmem>>, vector<1x16xf32>,
          %get3A_755 = vector.shape_cast %get3A_754 : vector<1x16xf32> to vector<16xf32>
          %add3A_756 = arith.addf %add3A_712, %get3A_755 : vector<16xf32>
          %get3A_757 = arith.index_cast %add3A_741 : i32 to index
          %get3A_758 = arith.constant 48 : index
          %get3A_759 = tpu.vector_load %arg7[%get3A_757, %get3A_758] {strides = array<i32>} : memref<100x128xf32, #tpu.memory_space<vmem>>, vector<1x16xf32>,
          %get3A_760 = vector.shape_cast %get3A_759 : vector<1x16xf32> to vector<16xf32>
          %add3A_761 = arith.addf %add3A_717, %get3A_760 : vector<16xf32>
          %get3A_762 = arith.index_cast %add3A_741 : i32 to index
          %get3A_763 = arith.constant 64 : index
          %get3A_764 = tpu.vector_load %arg7[%get3A_762, %get3A_763] {strides = array<i32>} : memref<100x128xf32, #tpu.memory_space<vmem>>, vector<1x16xf32>,
          %get3A_765 = vector.shape_cast %get3A_764 : vector<1x16xf32> to vector<16xf32>
          %add3A_766 = arith.addf %add3A_722, %get3A_765 : vector<16xf32>
          %get3A_767 = arith.index_cast %add3A_741 : i32 to index
          %get3A_768 = arith.constant 80 : index
          %get3A_769 = tpu.vector_load %arg7[%get3A_767, %get3A_768] {strides = array<i32>} : memref<100x128xf32, #tpu.memory_space<vmem>>, vector<1x16xf32>,
          %get3A_770 = vector.shape_cast %get3A_769 : vector<1x16xf32> to vector<16xf32>
          %add3A_771 = arith.addf %add3A_727, %get3A_770 : vector<16xf32>
          %get3A_772 = arith.index_cast %add3A_741 : i32 to index
          %get3A_773 = arith.constant 96 : index
          %get3A_774 = tpu.vector_load %arg7[%get3A_772, %get3A_773] {strides = array<i32>} : memref<100x128xf32, #tpu.memory_space<vmem>>, vector<1x16xf32>,
          %get3A_775 = vector.shape_cast %get3A_774 : vector<1x16xf32> to vector<16xf32>
          %add3A_776 = arith.addf %add3A_732, %get3A_775 : vector<16xf32>
          %get3A_777 = arith.index_cast %add3A_741 : i32 to index
          %get3A_778 = arith.constant 112 : index
          %get3A_779 = tpu.vector_load %arg7[%get3A_777, %get3A_778] {strides = array<i32>} : memref<100x128xf32, #tpu.memory_space<vmem>>, vector<1x16xf32>,
          %get3A_780 = vector.shape_cast %get3A_779 : vector<1x16xf32> to vector<16xf32>
          %add3A_781 = arith.addf %add3A_737, %get3A_780 : vector<16xf32>
          %scan3A_782 = arith.constant 3 : i32
          %scan3A_783 = arith.addi %scan3A_644, %scan3A_782 : i32
          %add3A_784 = arith.constant 0 : i32
          %add3A_785 = arith.addi %add3A_784, %scan3A_783 : i32
          %get3A_786 = arith.index_cast %add3A_785 : i32 to index
          %get3A_787 = arith.constant 0 : index
          %get3A_788 = tpu.vector_load %arg7[%get3A_786, %get3A_787] {strides = array<i32>} : memref<100x128xf32, #tpu.memory_space<vmem>>, vector<1x16xf32>,
          %get3A_789 = vector.shape_cast %get3A_788 : vector<1x16xf32> to vector<16xf32>
          %add3A_790 = arith.addf %add3A_746, %get3A_789 : vector<16xf32>
          %get3A_791 = arith.index_cast %add3A_785 : i32 to index
          %get3A_792 = arith.constant 16 : index
          %get3A_793 = tpu.vector_load %arg7[%get3A_791, %get3A_792] {strides = array<i32>} : memref<100x128xf32, #tpu.memory_space<vmem>>, vector<1x16xf32>,
          %get3A_794 = vector.shape_cast %get3A_793 : vector<1x16xf32> to vector<16xf32>
          %add3A_795 = arith.addf %add3A_751, %get3A_794 : vector<16xf32>
          %get3A_796 = arith.index_cast %add3A_785 : i32 to index
          %get3A_797 = arith.constant 32 : index
          %get3A_798 = tpu.vector_load %arg7[%get3A_796, %get3A_797] {strides = array<i32>} : memref<100x128xf32, #tpu.memory_space<vmem>>, vector<1x16xf32>,
          %get3A_799 = vector.shape_cast %get3A_798 : vector<1x16xf32> to vector<16xf32>
          %add3A_800 = arith.addf %add3A_756, %get3A_799 : vector<16xf32>
          %get3A_801 = arith.index_cast %add3A_785 : i32 to index
          %get3A_802 = arith.constant 48 : index
          %get3A_803 = tpu.vector_load %arg7[%get3A_801, %get3A_802] {strides = array<i32>} : memref<100x128xf32, #tpu.memory_space<vmem>>, vector<1x16xf32>,
          %get3A_804 = vector.shape_cast %get3A_803 : vector<1x16xf32> to vector<16xf32>
          %add3A_805 = arith.addf %add3A_761, %get3A_804 : vector<16xf32>
          %get3A_806 = arith.index_cast %add3A_785 : i32 to index
          %get3A_807 = arith.constant 64 : index
          %get3A_808 = tpu.vector_load %arg7[%get3A_806, %get3A_807] {strides = array<i32>} : memref<100x128xf32, #tpu.memory_space<vmem>>, vector<1x16xf32>,
          %get3A_809 = vector.shape_cast %get3A_808 : vector<1x16xf32> to vector<16xf32>
          %add3A_810 = arith.addf %add3A_766, %get3A_809 : vector<16xf32>
          %get3A_811 = arith.index_cast %add3A_785 : i32 to index
          %get3A_812 = arith.constant 80 : index
          %get3A_813 = tpu.vector_load %arg7[%get3A_811, %get3A_812] {strides = array<i32>} : memref<100x128xf32, #tpu.memory_space<vmem>>, vector<1x16xf32>,
          %get3A_814 = vector.shape_cast %get3A_813 : vector<1x16xf32> to vector<16xf32>
          %add3A_815 = arith.addf %add3A_771, %get3A_814 : vector<16xf32>
          %get3A_816 = arith.index_cast %add3A_785 : i32 to index
          %get3A_817 = arith.constant 96 : index
          %get3A_818 = tpu.vector_load %arg7[%get3A_816, %get3A_817] {strides = array<i32>} : memref<100x128xf32, #tpu.memory_space<vmem>>, vector<1x16xf32>,
          %get3A_819 = vector.shape_cast %get3A_818 : vector<1x16xf32> to vector<16xf32>
          %add3A_820 = arith.addf %add3A_776, %get3A_819 : vector<16xf32>
          %get3A_821 = arith.index_cast %add3A_785 : i32 to index
          %get3A_822 = arith.constant 112 : index
          %get3A_823 = tpu.vector_load %arg7[%get3A_821, %get3A_822] {strides = array<i32>} : memref<100x128xf32, #tpu.memory_space<vmem>>, vector<1x16xf32>,
          %get3A_824 = vector.shape_cast %get3A_823 : vector<1x16xf32> to vector<16xf32>
          %add3A_825 = arith.addf %add3A_781, %get3A_824 : vector<16xf32>
          %scan3A_826 = arith.constant 4 : i32
          %scan3A_827 = arith.addi %scan3A_644, %scan3A_826 : i32
          %add3A_828 = arith.constant 0 : i32
          %add3A_829 = arith.addi %add3A_828, %scan3A_827 : i32
          %get3A_830 = arith.index_cast %add3A_829 : i32 to index
          %get3A_831 = arith.constant 0 : index
          %get3A_832 = tpu.vector_load %arg7[%get3A_830, %get3A_831] {strides = array<i32>} : memref<100x128xf32, #tpu.memory_space<vmem>>, vector<1x16xf32>,
          %get3A_833 = vector.shape_cast %get3A_832 : vector<1x16xf32> to vector<16xf32>
          %add3A_834 = arith.addf %add3A_790, %get3A_833 : vector<16xf32>
          %get3A_835 = arith.index_cast %add3A_829 : i32 to index
          %get3A_836 = arith.constant 16 : index
          %get3A_837 = tpu.vector_load %arg7[%get3A_835, %get3A_836] {strides = array<i32>} : memref<100x128xf32, #tpu.memory_space<vmem>>, vector<1x16xf32>,
          %get3A_838 = vector.shape_cast %get3A_837 : vector<1x16xf32> to vector<16xf32>
          %add3A_839 = arith.addf %add3A_795, %get3A_838 : vector<16xf32>
          %get3A_840 = arith.index_cast %add3A_829 : i32 to index
          %get3A_841 = arith.constant 32 : index
          %get3A_842 = tpu.vector_load %arg7[%get3A_840, %get3A_841] {strides = array<i32>} : memref<100x128xf32, #tpu.memory_space<vmem>>, vector<1x16xf32>,
          %get3A_843 = vector.shape_cast %get3A_842 : vector<1x16xf32> to vector<16xf32>
          %add3A_844 = arith.addf %add3A_800, %get3A_843 : vector<16xf32>
          %get3A_845 = arith.index_cast %add3A_829 : i32 to index
          %get3A_846 = arith.constant 48 : index
          %get3A_847 = tpu.vector_load %arg7[%get3A_845, %get3A_846] {strides = array<i32>} : memref<100x128xf32, #tpu.memory_space<vmem>>, vector<1x16xf32>,
          %get3A_848 = vector.shape_cast %get3A_847 : vector<1x16xf32> to vector<16xf32>
          %add3A_849 = arith.addf %add3A_805, %get3A_848 : vector<16xf32>
          %get3A_850 = arith.index_cast %add3A_829 : i32 to index
          %get3A_851 = arith.constant 64 : index
          %get3A_852 = tpu.vector_load %arg7[%get3A_850, %get3A_851] {strides = array<i32>} : memref<100x128xf32, #tpu.memory_space<vmem>>, vector<1x16xf32>,
          %get3A_853 = vector.shape_cast %get3A_852 : vector<1x16xf32> to vector<16xf32>
          %add3A_854 = arith.addf %add3A_810, %get3A_853 : vector<16xf32>
          %get3A_855 = arith.index_cast %add3A_829 : i32 to index
          %get3A_856 = arith.constant 80 : index
          %get3A_857 = tpu.vector_load %arg7[%get3A_855, %get3A_856] {strides = array<i32>} : memref<100x128xf32, #tpu.memory_space<vmem>>, vector<1x16xf32>,
          %get3A_858 = vector.shape_cast %get3A_857 : vector<1x16xf32> to vector<16xf32>
          %add3A_859 = arith.addf %add3A_815, %get3A_858 : vector<16xf32>
          %get3A_860 = arith.index_cast %add3A_829 : i32 to index
          %get3A_861 = arith.constant 96 : index
          %get3A_862 = tpu.vector_load %arg7[%get3A_860, %get3A_861] {strides = array<i32>} : memref<100x128xf32, #tpu.memory_space<vmem>>, vector<1x16xf32>,
          %get3A_863 = vector.shape_cast %get3A_862 : vector<1x16xf32> to vector<16xf32>
          %add3A_864 = arith.addf %add3A_820, %get3A_863 : vector<16xf32>
          %get3A_865 = arith.index_cast %add3A_829 : i32 to index
          %get3A_866 = arith.constant 112 : index
          %get3A_867 = tpu.vector_load %arg7[%get3A_865, %get3A_866] {strides = array<i32>} : memref<100x128xf32, #tpu.memory_space<vmem>>, vector<1x16xf32>,
          %get3A_868 = vector.shape_cast %get3A_867 : vector<1x16xf32> to vector<16xf32>
          %add3A_869 = arith.addf %add3A_825, %get3A_868 : vector<16xf32>
          scf.yield %add3A_834, %add3A_839, %add3A_844, %add3A_849, %add3A_854, %add3A_859, %add3A_864, %add3A_869 : vector<16xf32>, vector<16xf32>, vector<16xf32>, vector<16xf32>, vector<16xf32>, vector<16xf32>, vector<16xf32>, vector<16xf32>
        }
        %scan3A_229 = arith.constant 50 : i32
        %mul3A_230 = arith.constant 2 : i32
        %mul3A_231 = arith.muli %mul3A_230, %add3A_207 : i32
        %add3A_232 = arith.constant 0 : i32
        %add3A_233 = arith.addi %mul3A_231, %add3A_232 : i32
        %rem3A_234 = arith.constant 64 : i32
        %rem3A_235 = arith.remsi %add3A_233, %rem3A_234 : i32
        %swap3A_236 = arith.index_cast %rem3A_235 : i32 to index
        %swap3A_237 = arith.constant 0 : index
        %swap3A_238 = tpu.vector_load %arg10[%swap3A_236, %swap3A_237] {strides = array<i32>} : memref<64x128xf32, #tpu.memory_space<vmem>>, vector<1x16xf32>,
        %swap3A_239 = vector.shape_cast %swap3A_238 : vector<1x16xf32> to vector<16xf32>
        %swap3A_240 = vector.shape_cast %scan3A_228#0 : vector<16xf32> to vector<1x16xf32>
        tpu.vector_store %arg10[%swap3A_236, %swap3A_237], %swap3A_240 {strides = array<i32>} : memref<64x128xf32, #tpu.memory_space<vmem>>, vector<1x16xf32>,
        %swap3A_241 = arith.index_cast %rem3A_235 : i32 to index
        %swap3A_242 = arith.constant 16 : index
        %swap3A_243 = tpu.vector_load %arg10[%swap3A_241, %swap3A_242] {strides = array<i32>} : memref<64x128xf32, #tpu.memory_space<vmem>>, vector<1x16xf32>,
        %swap3A_244 = vector.shape_cast %swap3A_243 : vector<1x16xf32> to vector<16xf32>
        %swap3A_245 = vector.shape_cast %scan3A_228#1 : vector<16xf32> to vector<1x16xf32>
        tpu.vector_store %arg10[%swap3A_241, %swap3A_242], %swap3A_245 {strides = array<i32>} : memref<64x128xf32, #tpu.memory_space<vmem>>, vector<1x16xf32>,
        %swap3A_246 = arith.index_cast %rem3A_235 : i32 to index
        %swap3A_247 = arith.constant 32 : index
        %swap3A_248 = tpu.vector_load %arg10[%swap3A_246, %swap3A_247] {strides = array<i32>} : memref<64x128xf32, #tpu.memory_space<vmem>>, vector<1x16xf32>,
        %swap3A_249 = vector.shape_cast %swap3A_248 : vector<1x16xf32> to vector<16xf32>
        %swap3A_250 = vector.shape_cast %scan3A_228#2 : vector<16xf32> to vector<1x16xf32>
        tpu.vector_store %arg10[%swap3A_246, %swap3A_247], %swap3A_250 {strides = array<i32>} : memref<64x128xf32, #tpu.memory_space<vmem>>, vector<1x16xf32>,
        %swap3A_251 = arith.index_cast %rem3A_235 : i32 to index
        %swap3A_252 = arith.constant 48 : index
        %swap3A_253 = tpu.vector_load %arg10[%swap3A_251, %swap3A_252] {strides = array<i32>} : memref<64x128xf32, #tpu.memory_space<vmem>>, vector<1x16xf32>,
        %swap3A_254 = vector.shape_cast %swap3A_253 : vector<1x16xf32> to vector<16xf32>
        %swap3A_255 = vector.shape_cast %scan3A_228#3 : vector<16xf32> to vector<1x16xf32>
        tpu.vector_store %arg10[%swap3A_251, %swap3A_252], %swap3A_255 {strides = array<i32>} : memref<64x128xf32, #tpu.memory_space<vmem>>, vector<1x16xf32>,
        %swap3A_256 = arith.index_cast %rem3A_235 : i32 to index
        %swap3A_257 = arith.constant 64 : index
        %swap3A_258 = tpu.vector_load %arg10[%swap3A_256, %swap3A_257] {strides = array<i32>} : memref<64x128xf32, #tpu.memory_space<vmem>>, vector<1x16xf32>,
        %swap3A_259 = vector.shape_cast %swap3A_258 : vector<1x16xf32> to vector<16xf32>
        %swap3A_260 = vector.shape_cast %scan3A_228#4 : vector<16xf32> to vector<1x16xf32>
        tpu.vector_store %arg10[%swap3A_256, %swap3A_257], %swap3A_260 {strides = array<i32>} : memref<64x128xf32, #tpu.memory_space<vmem>>, vector<1x16xf32>,
        %swap3A_261 = arith.index_cast %rem3A_235 : i32 to index
        %swap3A_262 = arith.constant 80 : index
        %swap3A_263 = tpu.vector_load %arg10[%swap3A_261, %swap3A_262] {strides = array<i32>} : memref<64x128xf32, #tpu.memory_space<vmem>>, vector<1x16xf32>,
        %swap3A_264 = vector.shape_cast %swap3A_263 : vector<1x16xf32> to vector<16xf32>
        %swap3A_265 = vector.shape_cast %scan3A_228#5 : vector<16xf32> to vector<1x16xf32>
        tpu.vector_store %arg10[%swap3A_261, %swap3A_262], %swap3A_265 {strides = array<i32>} : memref<64x128xf32, #tpu.memory_space<vmem>>, vector<1x16xf32>,
        %swap3A_266 = arith.index_cast %rem3A_235 : i32 to index
        %swap3A_267 = arith.constant 96 : index
        %swap3A_268 = tpu.vector_load %arg10[%swap3A_266, %swap3A_267] {strides = array<i32>} : memref<64x128xf32, #tpu.memory_space<vmem>>, vector<1x16xf32>,
        %swap3A_269 = vector.shape_cast %swap3A_268 : vector<1x16xf32> to vector<16xf32>
        %swap3A_270 = vector.shape_cast %scan3A_228#6 : vector<16xf32> to vector<1x16xf32>
        tpu.vector_store %arg10[%swap3A_266, %swap3A_267], %swap3A_270 {strides = array<i32>} : memref<64x128xf32, #tpu.memory_space<vmem>>, vector<1x16xf32>,
        %swap3A_271 = arith.index_cast %rem3A_235 : i32 to index
        %swap3A_272 = arith.constant 112 : index
        %swap3A_273 = tpu.vector_load %arg10[%swap3A_271, %swap3A_272] {strides = array<i32>} : memref<64x128xf32, #tpu.memory_space<vmem>>, vector<1x16xf32>,
        %swap3A_274 = vector.shape_cast %swap3A_273 : vector<1x16xf32> to vector<16xf32>
        %swap3A_275 = vector.shape_cast %scan3A_228#7 : vector<16xf32> to vector<1x16xf32>
        tpu.vector_store %arg10[%swap3A_271, %swap3A_272], %swap3A_275 {strides = array<i32>} : memref<64x128xf32, #tpu.memory_space<vmem>>, vector<1x16xf32>,
        %broadcast_in_dim3A_276 = arith.constant 0.000000e+00 : f32
        %broadcast_in_dim3A_277 = vector.broadcast %broadcast_in_dim3A_276 : f32 to vector<16xf32>
        %broadcast_in_dim3A_278 = arith.constant 0.000000e+00 : f32
        %broadcast_in_dim3A_279 = vector.broadcast %broadcast_in_dim3A_278 : f32 to vector<16xf32>
        %broadcast_in_dim3A_280 = arith.constant 0.000000e+00 : f32
        %broadcast_in_dim3A_281 = vector.broadcast %broadcast_in_dim3A_280 : f32 to vector<16xf32>
        %broadcast_in_dim3A_282 = arith.constant 0.000000e+00 : f32
        %broadcast_in_dim3A_283 = vector.broadcast %broadcast_in_dim3A_282 : f32 to vector<16xf32>
        %broadcast_in_dim3A_284 = arith.constant 0.000000e+00 : f32
        %broadcast_in_dim3A_285 = vector.broadcast %broadcast_in_dim3A_284 : f32 to vector<16xf32>
        %broadcast_in_dim3A_286 = arith.constant 0.000000e+00 : f32
        %broadcast_in_dim3A_287 = vector.broadcast %broadcast_in_dim3A_286 : f32 to vector<16xf32>
        %broadcast_in_dim3A_288 = arith.constant 0.000000e+00 : f32
        %broadcast_in_dim3A_289 = vector.broadcast %broadcast_in_dim3A_288 : f32 to vector<16xf32>
        %broadcast_in_dim3A_290 = arith.constant 0.000000e+00 : f32
        %broadcast_in_dim3A_291 = vector.broadcast %broadcast_in_dim3A_290 : f32 to vector<16xf32>
        %scan3A_292 = arith.constant 0 : i32
        %scan3A_293 = arith.constant 50 : i32
        %scan3A_294 = arith.addi %scan3A_292, %scan3A_293 : i32
        %scan3A_295 = arith.constant 5 : i32
        %scan3A_296:8 = scf.for %scan3A_644 = %scan3A_292 to %scan3A_294 step %scan3A_295 iter_args(%scan3A_645 = %broadcast_in_dim3A_277, %scan3A_646 = %broadcast_in_dim3A_279, %scan3A_647 = %broadcast_in_dim3A_281, %scan3A_648 = %broadcast_in_dim3A_283, %scan3A_649 = %broadcast_in_dim3A_285, %scan3A_650 = %broadcast_in_dim3A_287, %scan3A_651 = %broadcast_in_dim3A_289, %scan3A_652 = %broadcast_in_dim3A_291) -> (vector<16xf32>, vector<16xf32>, vector<16xf32>, vector<16xf32>, vector<16xf32>, vector<16xf32>, vector<16xf32>, vector<16xf32>)  : i32 {
          %add3A_653 = arith.constant 50 : i32
          %add3A_654 = arith.addi %add3A_653, %scan3A_644 : i32
          %get3A = arith.index_cast %add3A_654 : i32 to index
          %get3A_655 = arith.constant 0 : index
          %get3A_656 = tpu.vector_load %arg7[%get3A, %get3A_655] {strides = array<i32>} : memref<100x128xf32, #tpu.memory_space<vmem>>, vector<1x16xf32>,
          %get3A_657 = vector.shape_cast %get3A_656 : vector<1x16xf32> to vector<16xf32>
          %add3A_658 = arith.addf %scan3A_645, %get3A_657 : vector<16xf32>
          %get3A_659 = arith.index_cast %add3A_654 : i32 to index
          %get3A_660 = arith.constant 16 : index
          %get3A_661 = tpu.vector_load %arg7[%get3A_659, %get3A_660] {strides = array<i32>} : memref<100x128xf32, #tpu.memory_space<vmem>>, vector<1x16xf32>,
          %get3A_662 = vector.shape_cast %get3A_661 : vector<1x16xf32> to vector<16xf32>
          %add3A_663 = arith.addf %scan3A_646, %get3A_662 : vector<16xf32>
          %get3A_664 = arith.index_cast %add3A_654 : i32 to index
          %get3A_665 = arith.constant 32 : index
          %get3A_666 = tpu.vector_load %arg7[%get3A_664, %get3A_665] {strides = array<i32>} : memref<100x128xf32, #tpu.memory_space<vmem>>, vector<1x16xf32>,
          %get3A_667 = vector.shape_cast %get3A_666 : vector<1x16xf32> to vector<16xf32>
          %add3A_668 = arith.addf %scan3A_647, %get3A_667 : vector<16xf32>
          %get3A_669 = arith.index_cast %add3A_654 : i32 to index
          %get3A_670 = arith.constant 48 : index
          %get3A_671 = tpu.vector_load %arg7[%get3A_669, %get3A_670] {strides = array<i32>} : memref<100x128xf32, #tpu.memory_space<vmem>>, vector<1x16xf32>,
          %get3A_672 = vector.shape_cast %get3A_671 : vector<1x16xf32> to vector<16xf32>
          %add3A_673 = arith.addf %scan3A_648, %get3A_672 : vector<16xf32>
          %get3A_674 = arith.index_cast %add3A_654 : i32 to index
          %get3A_675 = arith.constant 64 : index
          %get3A_676 = tpu.vector_load %arg7[%get3A_674, %get3A_675] {strides = array<i32>} : memref<100x128xf32, #tpu.memory_space<vmem>>, vector<1x16xf32>,
          %get3A_677 = vector.shape_cast %get3A_676 : vector<1x16xf32> to vector<16xf32>
          %add3A_678 = arith.addf %scan3A_649, %get3A_677 : vector<16xf32>
          %get3A_679 = arith.index_cast %add3A_654 : i32 to index
          %get3A_680 = arith.constant 80 : index
          %get3A_681 = tpu.vector_load %arg7[%get3A_679, %get3A_680] {strides = array<i32>} : memref<100x128xf32, #tpu.memory_space<vmem>>, vector<1x16xf32>,
          %get3A_682 = vector.shape_cast %get3A_681 : vector<1x16xf32> to vector<16xf32>
          %add3A_683 = arith.addf %scan3A_650, %get3A_682 : vector<16xf32>
          %get3A_684 = arith.index_cast %add3A_654 : i32 to index
          %get3A_685 = arith.constant 96 : index
          %get3A_686 = tpu.vector_load %arg7[%get3A_684, %get3A_685] {strides = array<i32>} : memref<100x128xf32, #tpu.memory_space<vmem>>, vector<1x16xf32>,
          %get3A_687 = vector.shape_cast %get3A_686 : vector<1x16xf32> to vector<16xf32>
          %add3A_688 = arith.addf %scan3A_651, %get3A_687 : vector<16xf32>
          %get3A_689 = arith.index_cast %add3A_654 : i32 to index
          %get3A_690 = arith.constant 112 : index
          %get3A_691 = tpu.vector_load %arg7[%get3A_689, %get3A_690] {strides = array<i32>} : memref<100x128xf32, #tpu.memory_space<vmem>>, vector<1x16xf32>,
          %get3A_692 = vector.shape_cast %get3A_691 : vector<1x16xf32> to vector<16xf32>
          %add3A_693 = arith.addf %scan3A_652, %get3A_692 : vector<16xf32>
          %scan3A_694 = arith.constant 1 : i32
          %scan3A_695 = arith.addi %scan3A_644, %scan3A_694 : i32
          %add3A_696 = arith.constant 50 : i32
          %add3A_697 = arith.addi %add3A_696, %scan3A_695 : i32
          %get3A_698 = arith.index_cast %add3A_697 : i32 to index
          %get3A_699 = arith.constant 0 : index
          %get3A_700 = tpu.vector_load %arg7[%get3A_698, %get3A_699] {strides = array<i32>} : memref<100x128xf32, #tpu.memory_space<vmem>>, vector<1x16xf32>,
          %get3A_701 = vector.shape_cast %get3A_700 : vector<1x16xf32> to vector<16xf32>
          %add3A_702 = arith.addf %add3A_658, %get3A_701 : vector<16xf32>
          %get3A_703 = arith.index_cast %add3A_697 : i32 to index
          %get3A_704 = arith.constant 16 : index
          %get3A_705 = tpu.vector_load %arg7[%get3A_703, %get3A_704] {strides = array<i32>} : memref<100x128xf32, #tpu.memory_space<vmem>>, vector<1x16xf32>,
          %get3A_706 = vector.shape_cast %get3A_705 : vector<1x16xf32> to vector<16xf32>
          %add3A_707 = arith.addf %add3A_663, %get3A_706 : vector<16xf32>
          %get3A_708 = arith.index_cast %add3A_697 : i32 to index
          %get3A_709 = arith.constant 32 : index
          %get3A_710 = tpu.vector_load %arg7[%get3A_708, %get3A_709] {strides = array<i32>} : memref<100x128xf32, #tpu.memory_space<vmem>>, vector<1x16xf32>,
          %get3A_711 = vector.shape_cast %get3A_710 : vector<1x16xf32> to vector<16xf32>
          %add3A_712 = arith.addf %add3A_668, %get3A_711 : vector<16xf32>
          %get3A_713 = arith.index_cast %add3A_697 : i32 to index
          %get3A_714 = arith.constant 48 : index
          %get3A_715 = tpu.vector_load %arg7[%get3A_713, %get3A_714] {strides = array<i32>} : memref<100x128xf32, #tpu.memory_space<vmem>>, vector<1x16xf32>,
          %get3A_716 = vector.shape_cast %get3A_715 : vector<1x16xf32> to vector<16xf32>
          %add3A_717 = arith.addf %add3A_673, %get3A_716 : vector<16xf32>
          %get3A_718 = arith.index_cast %add3A_697 : i32 to index
          %get3A_719 = arith.constant 64 : index
          %get3A_720 = tpu.vector_load %arg7[%get3A_718, %get3A_719] {strides = array<i32>} : memref<100x128xf32, #tpu.memory_space<vmem>>, vector<1x16xf32>,
          %get3A_721 = vector.shape_cast %get3A_720 : vector<1x16xf32> to vector<16xf32>
          %add3A_722 = arith.addf %add3A_678, %get3A_721 : vector<16xf32>
          %get3A_723 = arith.index_cast %add3A_697 : i32 to index
          %get3A_724 = arith.constant 80 : index
          %get3A_725 = tpu.vector_load %arg7[%get3A_723, %get3A_724] {strides = array<i32>} : memref<100x128xf32, #tpu.memory_space<vmem>>, vector<1x16xf32>,
          %get3A_726 = vector.shape_cast %get3A_725 : vector<1x16xf32> to vector<16xf32>
          %add3A_727 = arith.addf %add3A_683, %get3A_726 : vector<16xf32>
          %get3A_728 = arith.index_cast %add3A_697 : i32 to index
          %get3A_729 = arith.constant 96 : index
          %get3A_730 = tpu.vector_load %arg7[%get3A_728, %get3A_729] {strides = array<i32>} : memref<100x128xf32, #tpu.memory_space<vmem>>, vector<1x16xf32>,
          %get3A_731 = vector.shape_cast %get3A_730 : vector<1x16xf32> to vector<16xf32>
          %add3A_732 = arith.addf %add3A_688, %get3A_731 : vector<16xf32>
          %get3A_733 = arith.index_cast %add3A_697 : i32 to index
          %get3A_734 = arith.constant 112 : index
          %get3A_735 = tpu.vector_load %arg7[%get3A_733, %get3A_734] {strides = array<i32>} : memref<100x128xf32, #tpu.memory_space<vmem>>, vector<1x16xf32>,
          %get3A_736 = vector.shape_cast %get3A_735 : vector<1x16xf32> to vector<16xf32>
          %add3A_737 = arith.addf %add3A_693, %get3A_736 : vector<16xf32>
          %scan3A_738 = arith.constant 2 : i32
          %scan3A_739 = arith.addi %scan3A_644, %scan3A_738 : i32
          %add3A_740 = arith.constant 50 : i32
          %add3A_741 = arith.addi %add3A_740, %scan3A_739 : i32
          %get3A_742 = arith.index_cast %add3A_741 : i32 to index
          %get3A_743 = arith.constant 0 : index
          %get3A_744 = tpu.vector_load %arg7[%get3A_742, %get3A_743] {strides = array<i32>} : memref<100x128xf32, #tpu.memory_space<vmem>>, vector<1x16xf32>,
          %get3A_745 = vector.shape_cast %get3A_744 : vector<1x16xf32> to vector<16xf32>
          %add3A_746 = arith.addf %add3A_702, %get3A_745 : vector<16xf32>
          %get3A_747 = arith.index_cast %add3A_741 : i32 to index
          %get3A_748 = arith.constant 16 : index
          %get3A_749 = tpu.vector_load %arg7[%get3A_747, %get3A_748] {strides = array<i32>} : memref<100x128xf32, #tpu.memory_space<vmem>>, vector<1x16xf32>,
          %get3A_750 = vector.shape_cast %get3A_749 : vector<1x16xf32> to vector<16xf32>
          %add3A_751 = arith.addf %add3A_707, %get3A_750 : vector<16xf32>
          %get3A_752 = arith.index_cast %add3A_741 : i32 to index
          %get3A_753 = arith.constant 32 : index
          %get3A_754 = tpu.vector_load %arg7[%get3A_752, %get3A_753] {strides = array<i32>} : memref<100x128xf32, #tpu.memory_space<vmem>>, vector<1x16xf32>,
          %get3A_755 = vector.shape_cast %get3A_754 : vector<1x16xf32> to vector<16xf32>
          %add3A_756 = arith.addf %add3A_712, %get3A_755 : vector<16xf32>
          %get3A_757 = arith.index_cast %add3A_741 : i32 to index
          %get3A_758 = arith.constant 48 : index
          %get3A_759 = tpu.vector_load %arg7[%get3A_757, %get3A_758] {strides = array<i32>} : memref<100x128xf32, #tpu.memory_space<vmem>>, vector<1x16xf32>,
          %get3A_760 = vector.shape_cast %get3A_759 : vector<1x16xf32> to vector<16xf32>
          %add3A_761 = arith.addf %add3A_717, %get3A_760 : vector<16xf32>
          %get3A_762 = arith.index_cast %add3A_741 : i32 to index
          %get3A_763 = arith.constant 64 : index
          %get3A_764 = tpu.vector_load %arg7[%get3A_762, %get3A_763] {strides = array<i32>} : memref<100x128xf32, #tpu.memory_space<vmem>>, vector<1x16xf32>,
          %get3A_765 = vector.shape_cast %get3A_764 : vector<1x16xf32> to vector<16xf32>
          %add3A_766 = arith.addf %add3A_722, %get3A_765 : vector<16xf32>
          %get3A_767 = arith.index_cast %add3A_741 : i32 to index
          %get3A_768 = arith.constant 80 : index
          %get3A_769 = tpu.vector_load %arg7[%get3A_767, %get3A_768] {strides = array<i32>} : memref<100x128xf32, #tpu.memory_space<vmem>>, vector<1x16xf32>,
          %get3A_770 = vector.shape_cast %get3A_769 : vector<1x16xf32> to vector<16xf32>
          %add3A_771 = arith.addf %add3A_727, %get3A_770 : vector<16xf32>
          %get3A_772 = arith.index_cast %add3A_741 : i32 to index
          %get3A_773 = arith.constant 96 : index
          %get3A_774 = tpu.vector_load %arg7[%get3A_772, %get3A_773] {strides = array<i32>} : memref<100x128xf32, #tpu.memory_space<vmem>>, vector<1x16xf32>,
          %get3A_775 = vector.shape_cast %get3A_774 : vector<1x16xf32> to vector<16xf32>
          %add3A_776 = arith.addf %add3A_732, %get3A_775 : vector<16xf32>
          %get3A_777 = arith.index_cast %add3A_741 : i32 to index
          %get3A_778 = arith.constant 112 : index
          %get3A_779 = tpu.vector_load %arg7[%get3A_777, %get3A_778] {strides = array<i32>} : memref<100x128xf32, #tpu.memory_space<vmem>>, vector<1x16xf32>,
          %get3A_780 = vector.shape_cast %get3A_779 : vector<1x16xf32> to vector<16xf32>
          %add3A_781 = arith.addf %add3A_737, %get3A_780 : vector<16xf32>
          %scan3A_782 = arith.constant 3 : i32
          %scan3A_783 = arith.addi %scan3A_644, %scan3A_782 : i32
          %add3A_784 = arith.constant 50 : i32
          %add3A_785 = arith.addi %add3A_784, %scan3A_783 : i32
          %get3A_786 = arith.index_cast %add3A_785 : i32 to index
          %get3A_787 = arith.constant 0 : index
          %get3A_788 = tpu.vector_load %arg7[%get3A_786, %get3A_787] {strides = array<i32>} : memref<100x128xf32, #tpu.memory_space<vmem>>, vector<1x16xf32>,
          %get3A_789 = vector.shape_cast %get3A_788 : vector<1x16xf32> to vector<16xf32>
          %add3A_790 = arith.addf %add3A_746, %get3A_789 : vector<16xf32>
          %get3A_791 = arith.index_cast %add3A_785 : i32 to index
          %get3A_792 = arith.constant 16 : index
          %get3A_793 = tpu.vector_load %arg7[%get3A_791, %get3A_792] {strides = array<i32>} : memref<100x128xf32, #tpu.memory_space<vmem>>, vector<1x16xf32>,
          %get3A_794 = vector.shape_cast %get3A_793 : vector<1x16xf32> to vector<16xf32>
          %add3A_795 = arith.addf %add3A_751, %get3A_794 : vector<16xf32>
          %get3A_796 = arith.index_cast %add3A_785 : i32 to index
          %get3A_797 = arith.constant 32 : index
          %get3A_798 = tpu.vector_load %arg7[%get3A_796, %get3A_797] {strides = array<i32>} : memref<100x128xf32, #tpu.memory_space<vmem>>, vector<1x16xf32>,
          %get3A_799 = vector.shape_cast %get3A_798 : vector<1x16xf32> to vector<16xf32>
          %add3A_800 = arith.addf %add3A_756, %get3A_799 : vector<16xf32>
          %get3A_801 = arith.index_cast %add3A_785 : i32 to index
          %get3A_802 = arith.constant 48 : index
          %get3A_803 = tpu.vector_load %arg7[%get3A_801, %get3A_802] {strides = array<i32>} : memref<100x128xf32, #tpu.memory_space<vmem>>, vector<1x16xf32>,
          %get3A_804 = vector.shape_cast %get3A_803 : vector<1x16xf32> to vector<16xf32>
          %add3A_805 = arith.addf %add3A_761, %get3A_804 : vector<16xf32>
          %get3A_806 = arith.index_cast %add3A_785 : i32 to index
          %get3A_807 = arith.constant 64 : index
          %get3A_808 = tpu.vector_load %arg7[%get3A_806, %get3A_807] {strides = array<i32>} : memref<100x128xf32, #tpu.memory_space<vmem>>, vector<1x16xf32>,
          %get3A_809 = vector.shape_cast %get3A_808 : vector<1x16xf32> to vector<16xf32>
          %add3A_810 = arith.addf %add3A_766, %get3A_809 : vector<16xf32>
          %get3A_811 = arith.index_cast %add3A_785 : i32 to index
          %get3A_812 = arith.constant 80 : index
          %get3A_813 = tpu.vector_load %arg7[%get3A_811, %get3A_812] {strides = array<i32>} : memref<100x128xf32, #tpu.memory_space<vmem>>, vector<1x16xf32>,
          %get3A_814 = vector.shape_cast %get3A_813 : vector<1x16xf32> to vector<16xf32>
          %add3A_815 = arith.addf %add3A_771, %get3A_814 : vector<16xf32>
          %get3A_816 = arith.index_cast %add3A_785 : i32 to index
          %get3A_817 = arith.constant 96 : index
          %get3A_818 = tpu.vector_load %arg7[%get3A_816, %get3A_817] {strides = array<i32>} : memref<100x128xf32, #tpu.memory_space<vmem>>, vector<1x16xf32>,
          %get3A_819 = vector.shape_cast %get3A_818 : vector<1x16xf32> to vector<16xf32>
          %add3A_820 = arith.addf %add3A_776, %get3A_819 : vector<16xf32>
          %get3A_821 = arith.index_cast %add3A_785 : i32 to index
          %get3A_822 = arith.constant 112 : index
          %get3A_823 = tpu.vector_load %arg7[%get3A_821, %get3A_822] {strides = array<i32>} : memref<100x128xf32, #tpu.memory_space<vmem>>, vector<1x16xf32>,
          %get3A_824 = vector.shape_cast %get3A_823 : vector<1x16xf32> to vector<16xf32>
          %add3A_825 = arith.addf %add3A_781, %get3A_824 : vector<16xf32>
          %scan3A_826 = arith.constant 4 : i32
          %scan3A_827 = arith.addi %scan3A_644, %scan3A_826 : i32
          %add3A_828 = arith.constant 50 : i32
          %add3A_829 = arith.addi %add3A_828, %scan3A_827 : i32
          %get3A_830 = arith.index_cast %add3A_829 : i32 to index
          %get3A_831 = arith.constant 0 : index
          %get3A_832 = tpu.vector_load %arg7[%get3A_830, %get3A_831] {strides = array<i32>} : memref<100x128xf32, #tpu.memory_space<vmem>>, vector<1x16xf32>,
          %get3A_833 = vector.shape_cast %get3A_832 : vector<1x16xf32> to vector<16xf32>
          %add3A_834 = arith.addf %add3A_790, %get3A_833 : vector<16xf32>
          %get3A_835 = arith.index_cast %add3A_829 : i32 to index
          %get3A_836 = arith.constant 16 : index
          %get3A_837 = tpu.vector_load %arg7[%get3A_835, %get3A_836] {strides = array<i32>} : memref<100x128xf32, #tpu.memory_space<vmem>>, vector<1x16xf32>,
          %get3A_838 = vector.shape_cast %get3A_837 : vector<1x16xf32> to vector<16xf32>
          %add3A_839 = arith.addf %add3A_795, %get3A_838 : vector<16xf32>
          %get3A_840 = arith.index_cast %add3A_829 : i32 to index
          %get3A_841 = arith.constant 32 : index
          %get3A_842 = tpu.vector_load %arg7[%get3A_840, %get3A_841] {strides = array<i32>} : memref<100x128xf32, #tpu.memory_space<vmem>>, vector<1x16xf32>,
          %get3A_843 = vector.shape_cast %get3A_842 : vector<1x16xf32> to vector<16xf32>
          %add3A_844 = arith.addf %add3A_800, %get3A_843 : vector<16xf32>
          %get3A_845 = arith.index_cast %add3A_829 : i32 to index
          %get3A_846 = arith.constant 48 : index
          %get3A_847 = tpu.vector_load %arg7[%get3A_845, %get3A_846] {strides = array<i32>} : memref<100x128xf32, #tpu.memory_space<vmem>>, vector<1x16xf32>,
          %get3A_848 = vector.shape_cast %get3A_847 : vector<1x16xf32> to vector<16xf32>
          %add3A_849 = arith.addf %add3A_805, %get3A_848 : vector<16xf32>
          %get3A_850 = arith.index_cast %add3A_829 : i32 to index
          %get3A_851 = arith.constant 64 : index
          %get3A_852 = tpu.vector_load %arg7[%get3A_850, %get3A_851] {strides = array<i32>} : memref<100x128xf32, #tpu.memory_space<vmem>>, vector<1x16xf32>,
          %get3A_853 = vector.shape_cast %get3A_852 : vector<1x16xf32> to vector<16xf32>
          %add3A_854 = arith.addf %add3A_810, %get3A_853 : vector<16xf32>
          %get3A_855 = arith.index_cast %add3A_829 : i32 to index
          %get3A_856 = arith.constant 80 : index
          %get3A_857 = tpu.vector_load %arg7[%get3A_855, %get3A_856] {strides = array<i32>} : memref<100x128xf32, #tpu.memory_space<vmem>>, vector<1x16xf32>,
          %get3A_858 = vector.shape_cast %get3A_857 : vector<1x16xf32> to vector<16xf32>
          %add3A_859 = arith.addf %add3A_815, %get3A_858 : vector<16xf32>
          %get3A_860 = arith.index_cast %add3A_829 : i32 to index
          %get3A_861 = arith.constant 96 : index
          %get3A_862 = tpu.vector_load %arg7[%get3A_860, %get3A_861] {strides = array<i32>} : memref<100x128xf32, #tpu.memory_space<vmem>>, vector<1x16xf32>,
          %get3A_863 = vector.shape_cast %get3A_862 : vector<1x16xf32> to vector<16xf32>
          %add3A_864 = arith.addf %add3A_820, %get3A_863 : vector<16xf32>
          %get3A_865 = arith.index_cast %add3A_829 : i32 to index
          %get3A_866 = arith.constant 112 : index
          %get3A_867 = tpu.vector_load %arg7[%get3A_865, %get3A_866] {strides = array<i32>} : memref<100x128xf32, #tpu.memory_space<vmem>>, vector<1x16xf32>,
          %get3A_868 = vector.shape_cast %get3A_867 : vector<1x16xf32> to vector<16xf32>
          %add3A_869 = arith.addf %add3A_825, %get3A_868 : vector<16xf32>
          scf.yield %add3A_834, %add3A_839, %add3A_844, %add3A_849, %add3A_854, %add3A_859, %add3A_864, %add3A_869 : vector<16xf32>, vector<16xf32>, vector<16xf32>, vector<16xf32>, vector<16xf32>, vector<16xf32>, vector<16xf32>, vector<16xf32>
        }
        %scan3A_297 = arith.constant 50 : i32
        %mul3A_298 = arith.constant 2 : i32
        %mul3A_299 = arith.muli %mul3A_298, %add3A_207 : i32
        %add3A_300 = arith.constant 1 : i32
        %add3A_301 = arith.addi %mul3A_299, %add3A_300 : i32
        %rem3A_302 = arith.constant 64 : i32
        %rem3A_303 = arith.remsi %add3A_301, %rem3A_302 : i32
        %swap3A_304 = arith.index_cast %rem3A_303 : i32 to index
        %swap3A_305 = arith.constant 0 : index
        %swap3A_306 = tpu.vector_load %arg10[%swap3A_304, %swap3A_305] {strides = array<i32>} : memref<64x128xf32, #tpu.memory_space<vmem>>, vector<1x16xf32>,
        %swap3A_307 = vector.shape_cast %swap3A_306 : vector<1x16xf32> to vector<16xf32>
        %swap3A_308 = vector.shape_cast %scan3A_296#0 : vector<16xf32> to vector<1x16xf32>
        tpu.vector_store %arg10[%swap3A_304, %swap3A_305], %swap3A_308 {strides = array<i32>} : memref<64x128xf32, #tpu.memory_space<vmem>>, vector<1x16xf32>,
        %swap3A_309 = arith.index_cast %rem3A_303 : i32 to index
        %swap3A_310 = arith.constant 16 : index
        %swap3A_311 = tpu.vector_load %arg10[%swap3A_309, %swap3A_310] {strides = array<i32>} : memref<64x128xf32, #tpu.memory_space<vmem>>, vector<1x16xf32>,
        %swap3A_312 = vector.shape_cast %swap3A_311 : vector<1x16xf32> to vector<16xf32>
        %swap3A_313 = vector.shape_cast %scan3A_296#1 : vector<16xf32> to vector<1x16xf32>
        tpu.vector_store %arg10[%swap3A_309, %swap3A_310], %swap3A_313 {strides = array<i32>} : memref<64x128xf32, #tpu.memory_space<vmem>>, vector<1x16xf32>,
        %swap3A_314 = arith.index_cast %rem3A_303 : i32 to index
        %swap3A_315 = arith.constant 32 : index
        %swap3A_316 = tpu.vector_load %arg10[%swap3A_314, %swap3A_315] {strides = array<i32>} : memref<64x128xf32, #tpu.memory_space<vmem>>, vector<1x16xf32>,
        %swap3A_317 = vector.shape_cast %swap3A_316 : vector<1x16xf32> to vector<16xf32>
        %swap3A_318 = vector.shape_cast %scan3A_296#2 : vector<16xf32> to vector<1x16xf32>
        tpu.vector_store %arg10[%swap3A_314, %swap3A_315], %swap3A_318 {strides = array<i32>} : memref<64x128xf32, #tpu.memory_space<vmem>>, vector<1x16xf32>,
        %swap3A_319 = arith.index_cast %rem3A_303 : i32 to index
        %swap3A_320 = arith.constant 48 : index
        %swap3A_321 = tpu.vector_load %arg10[%swap3A_319, %swap3A_320] {strides = array<i32>} : memref<64x128xf32, #tpu.memory_space<vmem>>, vector<1x16xf32>,
        %swap3A_322 = vector.shape_cast %swap3A_321 : vector<1x16xf32> to vector<16xf32>
        %swap3A_323 = vector.shape_cast %scan3A_296#3 : vector<16xf32> to vector<1x16xf32>
        tpu.vector_store %arg10[%swap3A_319, %swap3A_320], %swap3A_323 {strides = array<i32>} : memref<64x128xf32, #tpu.memory_space<vmem>>, vector<1x16xf32>,
        %swap3A_324 = arith.index_cast %rem3A_303 : i32 to index
        %swap3A_325 = arith.constant 64 : index
        %swap3A_326 = tpu.vector_load %arg10[%swap3A_324, %swap3A_325] {strides = array<i32>} : memref<64x128xf32, #tpu.memory_space<vmem>>, vector<1x16xf32>,
        %swap3A_327 = vector.shape_cast %swap3A_326 : vector<1x16xf32> to vector<16xf32>
        %swap3A_328 = vector.shape_cast %scan3A_296#4 : vector<16xf32> to vector<1x16xf32>
        tpu.vector_store %arg10[%swap3A_324, %swap3A_325], %swap3A_328 {strides = array<i32>} : memref<64x128xf32, #tpu.memory_space<vmem>>, vector<1x16xf32>,
        %swap3A_329 = arith.index_cast %rem3A_303 : i32 to index
        %swap3A_330 = arith.constant 80 : index
        %swap3A_331 = tpu.vector_load %arg10[%swap3A_329, %swap3A_330] {strides = array<i32>} : memref<64x128xf32, #tpu.memory_space<vmem>>, vector<1x16xf32>,
        %swap3A_332 = vector.shape_cast %swap3A_331 : vector<1x16xf32> to vector<16xf32>
        %swap3A_333 = vector.shape_cast %scan3A_296#5 : vector<16xf32> to vector<1x16xf32>
        tpu.vector_store %arg10[%swap3A_329, %swap3A_330], %swap3A_333 {strides = array<i32>} : memref<64x128xf32, #tpu.memory_space<vmem>>, vector<1x16xf32>,
        %swap3A_334 = arith.index_cast %rem3A_303 : i32 to index
        %swap3A_335 = arith.constant 96 : index
        %swap3A_336 = tpu.vector_load %arg10[%swap3A_334, %swap3A_335] {strides = array<i32>} : memref<64x128xf32, #tpu.memory_space<vmem>>, vector<1x16xf32>,
        %swap3A_337 = vector.shape_cast %swap3A_336 : vector<1x16xf32> to vector<16xf32>
        %swap3A_338 = vector.shape_cast %scan3A_296#6 : vector<16xf32> to vector<1x16xf32>
        tpu.vector_store %arg10[%swap3A_334, %swap3A_335], %swap3A_338 {strides = array<i32>} : memref<64x128xf32, #tpu.memory_space<vmem>>, vector<1x16xf32>,
        %swap3A_339 = arith.index_cast %rem3A_303 : i32 to index
        %swap3A_340 = arith.constant 112 : index
        %swap3A_341 = tpu.vector_load %arg10[%swap3A_339, %swap3A_340] {strides = array<i32>} : memref<64x128xf32, #tpu.memory_space<vmem>>, vector<1x16xf32>,
        %swap3A_342 = vector.shape_cast %swap3A_341 : vector<1x16xf32> to vector<16xf32>
        %swap3A_343 = vector.shape_cast %scan3A_296#7 : vector<16xf32> to vector<1x16xf32>
        tpu.vector_store %arg10[%swap3A_339, %swap3A_340], %swap3A_343 {strides = array<i32>} : memref<64x128xf32, #tpu.memory_space<vmem>>, vector<1x16xf32>,
        %lt3A = arith.constant 63 : i32
        %lt3A_344 = arith.cmpi slt, %add3A_53, %lt3A : i32
        %convert_element_type3A = arith.extui %lt3A_344 : i1 to i32
        %cond3A = arith.constant 0 : i32
        %cond3A_345 = arith.cmpi ne, %convert_element_type3A, %cond3A : i32
        scf.if %cond3A_345 {
          %add3A_644 = arith.constant 0 : i32
          %add3A_645 = arith.addi %mul3A_55, %add3A_644 : i32
          %add3A_646 = arith.constant 4 : i32
          %add3A_647 = arith.addi %add3A_645, %add3A_646 : i32
          %dma_start3A_648 = arith.constant 0 : i32
          %dma_start3A_649 = tpu.memref_slice %arg5[%add3A_647, %dma_start3A_648] : memref<256x100xi32, #tpu.memory_space<vmem>> -> memref<1x100xi32, #tpu.memory_space<vmem>>
          %dma_start3A_650 = tpu.memref_squeeze %dma_start3A_649 : memref<1x100xi32, #tpu.memory_space<vmem>> -> memref<100xi32, #tpu.memory_space<vmem>>
          %dma_start3A_651 = arith.constant 0 : i32
          %dma_start3A_652 = arith.constant 0 : i32
          %dma_start3A_653 = tpu.memref_slice %arg3[%dma_start3A_651, %dma_start3A_652] : memref<1000000x128xf32, #tpu.memory_space<hbm>> -> memref<1000000x128xf32, #tpu.memory_space<hbm>>
          tpu.enqueue_indirect_dma source(%dma_start3A_653 : memref<1000000x128xf32, #tpu.memory_space<hbm>>) target(%arg6 : memref<100x128xf32, #tpu.memory_space<vmem>>) offsets(%dma_start3A_650 : memref<100xi32, #tpu.memory_space<vmem>>) semaphore(%arg11 : memref<!tpu.dma_semaphore, #tpu.memory_space<semaphore_mem>>)
          %add3A_654 = arith.constant 1 : i32
          %add3A_655 = arith.addi %mul3A_55, %add3A_654 : i32
          %add3A_656 = arith.constant 4 : i32
          %add3A_657 = arith.addi %add3A_655, %add3A_656 : i32
          %dma_start3A_658 = arith.constant 0 : i32
          %dma_start3A_659 = tpu.memref_slice %arg5[%add3A_657, %dma_start3A_658] : memref<256x100xi32, #tpu.memory_space<vmem>> -> memref<1x100xi32, #tpu.memory_space<vmem>>
          %dma_start3A_660 = tpu.memref_squeeze %dma_start3A_659 : memref<1x100xi32, #tpu.memory_space<vmem>> -> memref<100xi32, #tpu.memory_space<vmem>>
          %dma_start3A_661 = arith.constant 0 : i32
          %dma_start3A_662 = arith.constant 0 : i32
          %dma_start3A_663 = tpu.memref_slice %arg3[%dma_start3A_661, %dma_start3A_662] : memref<1000000x128xf32, #tpu.memory_space<hbm>> -> memref<1000000x128xf32, #tpu.memory_space<hbm>>
          tpu.enqueue_indirect_dma source(%dma_start3A_663 : memref<1000000x128xf32, #tpu.memory_space<hbm>>) target(%arg7 : memref<100x128xf32, #tpu.memory_space<vmem>>) offsets(%dma_start3A_660 : memref<100xi32, #tpu.memory_space<vmem>>) semaphore(%arg11 : memref<!tpu.dma_semaphore, #tpu.memory_space<semaphore_mem>>)
        } else {
        }
        %add3A_346 = arith.constant 2 : i32
        %add3A_347 = arith.addi %mul3A_55, %add3A_346 : i32
        %dma_wait3A_348 = arith.constant 0 : i32
        %dma_wait3A_349 = tpu.memref_slice %arg5[%add3A_347, %dma_wait3A_348] : memref<256x100xi32, #tpu.memory_space<vmem>> -> memref<1x100xi32, #tpu.memory_space<vmem>>
        %dma_wait3A_350 = tpu.memref_squeeze %dma_wait3A_349 : memref<1x100xi32, #tpu.memory_space<vmem>> -> memref<100xi32, #tpu.memory_space<vmem>>
        %dma_wait3A_351 = arith.constant 0 : i32
        %dma_wait3A_352 = arith.constant 0 : i32
        %dma_wait3A_353 = tpu.memref_slice %arg3[%dma_wait3A_351, %dma_wait3A_352] : memref<1000000x128xf32, #tpu.memory_space<hbm>> -> memref<1000000x128xf32, #tpu.memory_space<hbm>>
        tpu.wait_indirect_dma semaphore(%arg12 : memref<!tpu.dma_semaphore, #tpu.memory_space<semaphore_mem>>) src(%dma_wait3A_353 : memref<1000000x128xf32, #tpu.memory_space<hbm>>) dst(%arg8 : memref<100x128xf32, #tpu.memory_space<vmem>>)
        %add3A_354 = arith.constant 3 : i32
        %add3A_355 = arith.addi %mul3A_55, %add3A_354 : i32
        %dma_wait3A_356 = arith.constant 0 : i32
        %dma_wait3A_357 = tpu.memref_slice %arg5[%add3A_355, %dma_wait3A_356] : memref<256x100xi32, #tpu.memory_space<vmem>> -> memref<1x100xi32, #tpu.memory_space<vmem>>
        %dma_wait3A_358 = tpu.memref_squeeze %dma_wait3A_357 : memref<1x100xi32, #tpu.memory_space<vmem>> -> memref<100xi32, #tpu.memory_space<vmem>>
        %dma_wait3A_359 = arith.constant 0 : i32
        %dma_wait3A_360 = arith.constant 0 : i32
        %dma_wait3A_361 = tpu.memref_slice %arg3[%dma_wait3A_359, %dma_wait3A_360] : memref<1000000x128xf32, #tpu.memory_space<hbm>> -> memref<1000000x128xf32, #tpu.memory_space<hbm>>
        tpu.wait_indirect_dma semaphore(%arg12 : memref<!tpu.dma_semaphore, #tpu.memory_space<semaphore_mem>>) src(%dma_wait3A_361 : memref<1000000x128xf32, #tpu.memory_space<hbm>>) dst(%arg9 : memref<100x128xf32, #tpu.memory_space<vmem>>)
        %add3A_362 = arith.constant 2 : i32
        %add3A_363 = arith.addi %mul3A_55, %add3A_362 : i32
        %broadcast_in_dim3A_364 = arith.constant 0.000000e+00 : f32
        %broadcast_in_dim3A_365 = vector.broadcast %broadcast_in_dim3A_364 : f32 to vector<16xf32>
        %broadcast_in_dim3A_366 = arith.constant 0.000000e+00 : f32
        %broadcast_in_dim3A_367 = vector.broadcast %broadcast_in_dim3A_366 : f32 to vector<16xf32>
        %broadcast_in_dim3A_368 = arith.constant 0.000000e+00 : f32
        %broadcast_in_dim3A_369 = vector.broadcast %broadcast_in_dim3A_368 : f32 to vector<16xf32>
        %broadcast_in_dim3A_370 = arith.constant 0.000000e+00 : f32
        %broadcast_in_dim3A_371 = vector.broadcast %broadcast_in_dim3A_370 : f32 to vector<16xf32>
        %broadcast_in_dim3A_372 = arith.constant 0.000000e+00 : f32
        %broadcast_in_dim3A_373 = vector.broadcast %broadcast_in_dim3A_372 : f32 to vector<16xf32>
        %broadcast_in_dim3A_374 = arith.constant 0.000000e+00 : f32
        %broadcast_in_dim3A_375 = vector.broadcast %broadcast_in_dim3A_374 : f32 to vector<16xf32>
        %broadcast_in_dim3A_376 = arith.constant 0.000000e+00 : f32
        %broadcast_in_dim3A_377 = vector.broadcast %broadcast_in_dim3A_376 : f32 to vector<16xf32>
        %broadcast_in_dim3A_378 = arith.constant 0.000000e+00 : f32
        %broadcast_in_dim3A_379 = vector.broadcast %broadcast_in_dim3A_378 : f32 to vector<16xf32>
        %scan3A_380 = arith.constant 0 : i32
        %scan3A_381 = arith.constant 50 : i32
        %scan3A_382 = arith.addi %scan3A_380, %scan3A_381 : i32
        %scan3A_383 = arith.constant 5 : i32
        %scan3A_384:8 = scf.for %scan3A_644 = %scan3A_380 to %scan3A_382 step %scan3A_383 iter_args(%scan3A_645 = %broadcast_in_dim3A_365, %scan3A_646 = %broadcast_in_dim3A_367, %scan3A_647 = %broadcast_in_dim3A_369, %scan3A_648 = %broadcast_in_dim3A_371, %scan3A_649 = %broadcast_in_dim3A_373, %scan3A_650 = %broadcast_in_dim3A_375, %scan3A_651 = %broadcast_in_dim3A_377, %scan3A_652 = %broadcast_in_dim3A_379) -> (vector<16xf32>, vector<16xf32>, vector<16xf32>, vector<16xf32>, vector<16xf32>, vector<16xf32>, vector<16xf32>, vector<16xf32>)  : i32 {
          %add3A_653 = arith.constant 0 : i32
          %add3A_654 = arith.addi %add3A_653, %scan3A_644 : i32
          %get3A = arith.index_cast %add3A_654 : i32 to index
          %get3A_655 = arith.constant 0 : index
          %get3A_656 = tpu.vector_load %arg8[%get3A, %get3A_655] {strides = array<i32>} : memref<100x128xf32, #tpu.memory_space<vmem>>, vector<1x16xf32>,
          %get3A_657 = vector.shape_cast %get3A_656 : vector<1x16xf32> to vector<16xf32>
          %add3A_658 = arith.addf %scan3A_645, %get3A_657 : vector<16xf32>
          %get3A_659 = arith.index_cast %add3A_654 : i32 to index
          %get3A_660 = arith.constant 16 : index
          %get3A_661 = tpu.vector_load %arg8[%get3A_659, %get3A_660] {strides = array<i32>} : memref<100x128xf32, #tpu.memory_space<vmem>>, vector<1x16xf32>,
          %get3A_662 = vector.shape_cast %get3A_661 : vector<1x16xf32> to vector<16xf32>
          %add3A_663 = arith.addf %scan3A_646, %get3A_662 : vector<16xf32>
          %get3A_664 = arith.index_cast %add3A_654 : i32 to index
          %get3A_665 = arith.constant 32 : index
          %get3A_666 = tpu.vector_load %arg8[%get3A_664, %get3A_665] {strides = array<i32>} : memref<100x128xf32, #tpu.memory_space<vmem>>, vector<1x16xf32>,
          %get3A_667 = vector.shape_cast %get3A_666 : vector<1x16xf32> to vector<16xf32>
          %add3A_668 = arith.addf %scan3A_647, %get3A_667 : vector<16xf32>
          %get3A_669 = arith.index_cast %add3A_654 : i32 to index
          %get3A_670 = arith.constant 48 : index
          %get3A_671 = tpu.vector_load %arg8[%get3A_669, %get3A_670] {strides = array<i32>} : memref<100x128xf32, #tpu.memory_space<vmem>>, vector<1x16xf32>,
          %get3A_672 = vector.shape_cast %get3A_671 : vector<1x16xf32> to vector<16xf32>
          %add3A_673 = arith.addf %scan3A_648, %get3A_672 : vector<16xf32>
          %get3A_674 = arith.index_cast %add3A_654 : i32 to index
          %get3A_675 = arith.constant 64 : index
          %get3A_676 = tpu.vector_load %arg8[%get3A_674, %get3A_675] {strides = array<i32>} : memref<100x128xf32, #tpu.memory_space<vmem>>, vector<1x16xf32>,
          %get3A_677 = vector.shape_cast %get3A_676 : vector<1x16xf32> to vector<16xf32>
          %add3A_678 = arith.addf %scan3A_649, %get3A_677 : vector<16xf32>
          %get3A_679 = arith.index_cast %add3A_654 : i32 to index
          %get3A_680 = arith.constant 80 : index
          %get3A_681 = tpu.vector_load %arg8[%get3A_679, %get3A_680] {strides = array<i32>} : memref<100x128xf32, #tpu.memory_space<vmem>>, vector<1x16xf32>,
          %get3A_682 = vector.shape_cast %get3A_681 : vector<1x16xf32> to vector<16xf32>
          %add3A_683 = arith.addf %scan3A_650, %get3A_682 : vector<16xf32>
          %get3A_684 = arith.index_cast %add3A_654 : i32 to index
          %get3A_685 = arith.constant 96 : index
          %get3A_686 = tpu.vector_load %arg8[%get3A_684, %get3A_685] {strides = array<i32>} : memref<100x128xf32, #tpu.memory_space<vmem>>, vector<1x16xf32>,
          %get3A_687 = vector.shape_cast %get3A_686 : vector<1x16xf32> to vector<16xf32>
          %add3A_688 = arith.addf %scan3A_651, %get3A_687 : vector<16xf32>
          %get3A_689 = arith.index_cast %add3A_654 : i32 to index
          %get3A_690 = arith.constant 112 : index
          %get3A_691 = tpu.vector_load %arg8[%get3A_689, %get3A_690] {strides = array<i32>} : memref<100x128xf32, #tpu.memory_space<vmem>>, vector<1x16xf32>,
          %get3A_692 = vector.shape_cast %get3A_691 : vector<1x16xf32> to vector<16xf32>
          %add3A_693 = arith.addf %scan3A_652, %get3A_692 : vector<16xf32>
          %scan3A_694 = arith.constant 1 : i32
          %scan3A_695 = arith.addi %scan3A_644, %scan3A_694 : i32
          %add3A_696 = arith.constant 0 : i32
          %add3A_697 = arith.addi %add3A_696, %scan3A_695 : i32
          %get3A_698 = arith.index_cast %add3A_697 : i32 to index
          %get3A_699 = arith.constant 0 : index
          %get3A_700 = tpu.vector_load %arg8[%get3A_698, %get3A_699] {strides = array<i32>} : memref<100x128xf32, #tpu.memory_space<vmem>>, vector<1x16xf32>,
          %get3A_701 = vector.shape_cast %get3A_700 : vector<1x16xf32> to vector<16xf32>
          %add3A_702 = arith.addf %add3A_658, %get3A_701 : vector<16xf32>
          %get3A_703 = arith.index_cast %add3A_697 : i32 to index
          %get3A_704 = arith.constant 16 : index
          %get3A_705 = tpu.vector_load %arg8[%get3A_703, %get3A_704] {strides = array<i32>} : memref<100x128xf32, #tpu.memory_space<vmem>>, vector<1x16xf32>,
          %get3A_706 = vector.shape_cast %get3A_705 : vector<1x16xf32> to vector<16xf32>
          %add3A_707 = arith.addf %add3A_663, %get3A_706 : vector<16xf32>
          %get3A_708 = arith.index_cast %add3A_697 : i32 to index
          %get3A_709 = arith.constant 32 : index
          %get3A_710 = tpu.vector_load %arg8[%get3A_708, %get3A_709] {strides = array<i32>} : memref<100x128xf32, #tpu.memory_space<vmem>>, vector<1x16xf32>,
          %get3A_711 = vector.shape_cast %get3A_710 : vector<1x16xf32> to vector<16xf32>
          %add3A_712 = arith.addf %add3A_668, %get3A_711 : vector<16xf32>
          %get3A_713 = arith.index_cast %add3A_697 : i32 to index
          %get3A_714 = arith.constant 48 : index
          %get3A_715 = tpu.vector_load %arg8[%get3A_713, %get3A_714] {strides = array<i32>} : memref<100x128xf32, #tpu.memory_space<vmem>>, vector<1x16xf32>,
          %get3A_716 = vector.shape_cast %get3A_715 : vector<1x16xf32> to vector<16xf32>
          %add3A_717 = arith.addf %add3A_673, %get3A_716 : vector<16xf32>
          %get3A_718 = arith.index_cast %add3A_697 : i32 to index
          %get3A_719 = arith.constant 64 : index
          %get3A_720 = tpu.vector_load %arg8[%get3A_718, %get3A_719] {strides = array<i32>} : memref<100x128xf32, #tpu.memory_space<vmem>>, vector<1x16xf32>,
          %get3A_721 = vector.shape_cast %get3A_720 : vector<1x16xf32> to vector<16xf32>
          %add3A_722 = arith.addf %add3A_678, %get3A_721 : vector<16xf32>
          %get3A_723 = arith.index_cast %add3A_697 : i32 to index
          %get3A_724 = arith.constant 80 : index
          %get3A_725 = tpu.vector_load %arg8[%get3A_723, %get3A_724] {strides = array<i32>} : memref<100x128xf32, #tpu.memory_space<vmem>>, vector<1x16xf32>,
          %get3A_726 = vector.shape_cast %get3A_725 : vector<1x16xf32> to vector<16xf32>
          %add3A_727 = arith.addf %add3A_683, %get3A_726 : vector<16xf32>
          %get3A_728 = arith.index_cast %add3A_697 : i32 to index
          %get3A_729 = arith.constant 96 : index
          %get3A_730 = tpu.vector_load %arg8[%get3A_728, %get3A_729] {strides = array<i32>} : memref<100x128xf32, #tpu.memory_space<vmem>>, vector<1x16xf32>,
          %get3A_731 = vector.shape_cast %get3A_730 : vector<1x16xf32> to vector<16xf32>
          %add3A_732 = arith.addf %add3A_688, %get3A_731 : vector<16xf32>
          %get3A_733 = arith.index_cast %add3A_697 : i32 to index
          %get3A_734 = arith.constant 112 : index
          %get3A_735 = tpu.vector_load %arg8[%get3A_733, %get3A_734] {strides = array<i32>} : memref<100x128xf32, #tpu.memory_space<vmem>>, vector<1x16xf32>,
          %get3A_736 = vector.shape_cast %get3A_735 : vector<1x16xf32> to vector<16xf32>
          %add3A_737 = arith.addf %add3A_693, %get3A_736 : vector<16xf32>
          %scan3A_738 = arith.constant 2 : i32
          %scan3A_739 = arith.addi %scan3A_644, %scan3A_738 : i32
          %add3A_740 = arith.constant 0 : i32
          %add3A_741 = arith.addi %add3A_740, %scan3A_739 : i32
          %get3A_742 = arith.index_cast %add3A_741 : i32 to index
          %get3A_743 = arith.constant 0 : index
          %get3A_744 = tpu.vector_load %arg8[%get3A_742, %get3A_743] {strides = array<i32>} : memref<100x128xf32, #tpu.memory_space<vmem>>, vector<1x16xf32>,
          %get3A_745 = vector.shape_cast %get3A_744 : vector<1x16xf32> to vector<16xf32>
          %add3A_746 = arith.addf %add3A_702, %get3A_745 : vector<16xf32>
          %get3A_747 = arith.index_cast %add3A_741 : i32 to index
          %get3A_748 = arith.constant 16 : index
          %get3A_749 = tpu.vector_load %arg8[%get3A_747, %get3A_748] {strides = array<i32>} : memref<100x128xf32, #tpu.memory_space<vmem>>, vector<1x16xf32>,
          %get3A_750 = vector.shape_cast %get3A_749 : vector<1x16xf32> to vector<16xf32>
          %add3A_751 = arith.addf %add3A_707, %get3A_750 : vector<16xf32>
          %get3A_752 = arith.index_cast %add3A_741 : i32 to index
          %get3A_753 = arith.constant 32 : index
          %get3A_754 = tpu.vector_load %arg8[%get3A_752, %get3A_753] {strides = array<i32>} : memref<100x128xf32, #tpu.memory_space<vmem>>, vector<1x16xf32>,
          %get3A_755 = vector.shape_cast %get3A_754 : vector<1x16xf32> to vector<16xf32>
          %add3A_756 = arith.addf %add3A_712, %get3A_755 : vector<16xf32>
          %get3A_757 = arith.index_cast %add3A_741 : i32 to index
          %get3A_758 = arith.constant 48 : index
          %get3A_759 = tpu.vector_load %arg8[%get3A_757, %get3A_758] {strides = array<i32>} : memref<100x128xf32, #tpu.memory_space<vmem>>, vector<1x16xf32>,
          %get3A_760 = vector.shape_cast %get3A_759 : vector<1x16xf32> to vector<16xf32>
          %add3A_761 = arith.addf %add3A_717, %get3A_760 : vector<16xf32>
          %get3A_762 = arith.index_cast %add3A_741 : i32 to index
          %get3A_763 = arith.constant 64 : index
          %get3A_764 = tpu.vector_load %arg8[%get3A_762, %get3A_763] {strides = array<i32>} : memref<100x128xf32, #tpu.memory_space<vmem>>, vector<1x16xf32>,
          %get3A_765 = vector.shape_cast %get3A_764 : vector<1x16xf32> to vector<16xf32>
          %add3A_766 = arith.addf %add3A_722, %get3A_765 : vector<16xf32>
          %get3A_767 = arith.index_cast %add3A_741 : i32 to index
          %get3A_768 = arith.constant 80 : index
          %get3A_769 = tpu.vector_load %arg8[%get3A_767, %get3A_768] {strides = array<i32>} : memref<100x128xf32, #tpu.memory_space<vmem>>, vector<1x16xf32>,
          %get3A_770 = vector.shape_cast %get3A_769 : vector<1x16xf32> to vector<16xf32>
          %add3A_771 = arith.addf %add3A_727, %get3A_770 : vector<16xf32>
          %get3A_772 = arith.index_cast %add3A_741 : i32 to index
          %get3A_773 = arith.constant 96 : index
          %get3A_774 = tpu.vector_load %arg8[%get3A_772, %get3A_773] {strides = array<i32>} : memref<100x128xf32, #tpu.memory_space<vmem>>, vector<1x16xf32>,
          %get3A_775 = vector.shape_cast %get3A_774 : vector<1x16xf32> to vector<16xf32>
          %add3A_776 = arith.addf %add3A_732, %get3A_775 : vector<16xf32>
          %get3A_777 = arith.index_cast %add3A_741 : i32 to index
          %get3A_778 = arith.constant 112 : index
          %get3A_779 = tpu.vector_load %arg8[%get3A_777, %get3A_778] {strides = array<i32>} : memref<100x128xf32, #tpu.memory_space<vmem>>, vector<1x16xf32>,
          %get3A_780 = vector.shape_cast %get3A_779 : vector<1x16xf32> to vector<16xf32>
          %add3A_781 = arith.addf %add3A_737, %get3A_780 : vector<16xf32>
          %scan3A_782 = arith.constant 3 : i32
          %scan3A_783 = arith.addi %scan3A_644, %scan3A_782 : i32
          %add3A_784 = arith.constant 0 : i32
          %add3A_785 = arith.addi %add3A_784, %scan3A_783 : i32
          %get3A_786 = arith.index_cast %add3A_785 : i32 to index
          %get3A_787 = arith.constant 0 : index
          %get3A_788 = tpu.vector_load %arg8[%get3A_786, %get3A_787] {strides = array<i32>} : memref<100x128xf32, #tpu.memory_space<vmem>>, vector<1x16xf32>,
          %get3A_789 = vector.shape_cast %get3A_788 : vector<1x16xf32> to vector<16xf32>
          %add3A_790 = arith.addf %add3A_746, %get3A_789 : vector<16xf32>
          %get3A_791 = arith.index_cast %add3A_785 : i32 to index
          %get3A_792 = arith.constant 16 : index
          %get3A_793 = tpu.vector_load %arg8[%get3A_791, %get3A_792] {strides = array<i32>} : memref<100x128xf32, #tpu.memory_space<vmem>>, vector<1x16xf32>,
          %get3A_794 = vector.shape_cast %get3A_793 : vector<1x16xf32> to vector<16xf32>
          %add3A_795 = arith.addf %add3A_751, %get3A_794 : vector<16xf32>
          %get3A_796 = arith.index_cast %add3A_785 : i32 to index
          %get3A_797 = arith.constant 32 : index
          %get3A_798 = tpu.vector_load %arg8[%get3A_796, %get3A_797] {strides = array<i32>} : memref<100x128xf32, #tpu.memory_space<vmem>>, vector<1x16xf32>,
          %get3A_799 = vector.shape_cast %get3A_798 : vector<1x16xf32> to vector<16xf32>
          %add3A_800 = arith.addf %add3A_756, %get3A_799 : vector<16xf32>
          %get3A_801 = arith.index_cast %add3A_785 : i32 to index
          %get3A_802 = arith.constant 48 : index
          %get3A_803 = tpu.vector_load %arg8[%get3A_801, %get3A_802] {strides = array<i32>} : memref<100x128xf32, #tpu.memory_space<vmem>>, vector<1x16xf32>,
          %get3A_804 = vector.shape_cast %get3A_803 : vector<1x16xf32> to vector<16xf32>
          %add3A_805 = arith.addf %add3A_761, %get3A_804 : vector<16xf32>
          %get3A_806 = arith.index_cast %add3A_785 : i32 to index
          %get3A_807 = arith.constant 64 : index
          %get3A_808 = tpu.vector_load %arg8[%get3A_806, %get3A_807] {strides = array<i32>} : memref<100x128xf32, #tpu.memory_space<vmem>>, vector<1x16xf32>,
          %get3A_809 = vector.shape_cast %get3A_808 : vector<1x16xf32> to vector<16xf32>
          %add3A_810 = arith.addf %add3A_766, %get3A_809 : vector<16xf32>
          %get3A_811 = arith.index_cast %add3A_785 : i32 to index
          %get3A_812 = arith.constant 80 : index
          %get3A_813 = tpu.vector_load %arg8[%get3A_811, %get3A_812] {strides = array<i32>} : memref<100x128xf32, #tpu.memory_space<vmem>>, vector<1x16xf32>,
          %get3A_814 = vector.shape_cast %get3A_813 : vector<1x16xf32> to vector<16xf32>
          %add3A_815 = arith.addf %add3A_771, %get3A_814 : vector<16xf32>
          %get3A_816 = arith.index_cast %add3A_785 : i32 to index
          %get3A_817 = arith.constant 96 : index
          %get3A_818 = tpu.vector_load %arg8[%get3A_816, %get3A_817] {strides = array<i32>} : memref<100x128xf32, #tpu.memory_space<vmem>>, vector<1x16xf32>,
          %get3A_819 = vector.shape_cast %get3A_818 : vector<1x16xf32> to vector<16xf32>
          %add3A_820 = arith.addf %add3A_776, %get3A_819 : vector<16xf32>
          %get3A_821 = arith.index_cast %add3A_785 : i32 to index
          %get3A_822 = arith.constant 112 : index
          %get3A_823 = tpu.vector_load %arg8[%get3A_821, %get3A_822] {strides = array<i32>} : memref<100x128xf32, #tpu.memory_space<vmem>>, vector<1x16xf32>,
          %get3A_824 = vector.shape_cast %get3A_823 : vector<1x16xf32> to vector<16xf32>
          %add3A_825 = arith.addf %add3A_781, %get3A_824 : vector<16xf32>
          %scan3A_826 = arith.constant 4 : i32
          %scan3A_827 = arith.addi %scan3A_644, %scan3A_826 : i32
          %add3A_828 = arith.constant 0 : i32
          %add3A_829 = arith.addi %add3A_828, %scan3A_827 : i32
          %get3A_830 = arith.index_cast %add3A_829 : i32 to index
          %get3A_831 = arith.constant 0 : index
          %get3A_832 = tpu.vector_load %arg8[%get3A_830, %get3A_831] {strides = array<i32>} : memref<100x128xf32, #tpu.memory_space<vmem>>, vector<1x16xf32>,
          %get3A_833 = vector.shape_cast %get3A_832 : vector<1x16xf32> to vector<16xf32>
          %add3A_834 = arith.addf %add3A_790, %get3A_833 : vector<16xf32>
          %get3A_835 = arith.index_cast %add3A_829 : i32 to index
          %get3A_836 = arith.constant 16 : index
          %get3A_837 = tpu.vector_load %arg8[%get3A_835, %get3A_836] {strides = array<i32>} : memref<100x128xf32, #tpu.memory_space<vmem>>, vector<1x16xf32>,
          %get3A_838 = vector.shape_cast %get3A_837 : vector<1x16xf32> to vector<16xf32>
          %add3A_839 = arith.addf %add3A_795, %get3A_838 : vector<16xf32>
          %get3A_840 = arith.index_cast %add3A_829 : i32 to index
          %get3A_841 = arith.constant 32 : index
          %get3A_842 = tpu.vector_load %arg8[%get3A_840, %get3A_841] {strides = array<i32>} : memref<100x128xf32, #tpu.memory_space<vmem>>, vector<1x16xf32>,
          %get3A_843 = vector.shape_cast %get3A_842 : vector<1x16xf32> to vector<16xf32>
          %add3A_844 = arith.addf %add3A_800, %get3A_843 : vector<16xf32>
          %get3A_845 = arith.index_cast %add3A_829 : i32 to index
          %get3A_846 = arith.constant 48 : index
          %get3A_847 = tpu.vector_load %arg8[%get3A_845, %get3A_846] {strides = array<i32>} : memref<100x128xf32, #tpu.memory_space<vmem>>, vector<1x16xf32>,
          %get3A_848 = vector.shape_cast %get3A_847 : vector<1x16xf32> to vector<16xf32>
          %add3A_849 = arith.addf %add3A_805, %get3A_848 : vector<16xf32>
          %get3A_850 = arith.index_cast %add3A_829 : i32 to index
          %get3A_851 = arith.constant 64 : index
          %get3A_852 = tpu.vector_load %arg8[%get3A_850, %get3A_851] {strides = array<i32>} : memref<100x128xf32, #tpu.memory_space<vmem>>, vector<1x16xf32>,
          %get3A_853 = vector.shape_cast %get3A_852 : vector<1x16xf32> to vector<16xf32>
          %add3A_854 = arith.addf %add3A_810, %get3A_853 : vector<16xf32>
          %get3A_855 = arith.index_cast %add3A_829 : i32 to index
          %get3A_856 = arith.constant 80 : index
          %get3A_857 = tpu.vector_load %arg8[%get3A_855, %get3A_856] {strides = array<i32>} : memref<100x128xf32, #tpu.memory_space<vmem>>, vector<1x16xf32>,
          %get3A_858 = vector.shape_cast %get3A_857 : vector<1x16xf32> to vector<16xf32>
          %add3A_859 = arith.addf %add3A_815, %get3A_858 : vector<16xf32>
          %get3A_860 = arith.index_cast %add3A_829 : i32 to index
          %get3A_861 = arith.constant 96 : index
          %get3A_862 = tpu.vector_load %arg8[%get3A_860, %get3A_861] {strides = array<i32>} : memref<100x128xf32, #tpu.memory_space<vmem>>, vector<1x16xf32>,
          %get3A_863 = vector.shape_cast %get3A_862 : vector<1x16xf32> to vector<16xf32>
          %add3A_864 = arith.addf %add3A_820, %get3A_863 : vector<16xf32>
          %get3A_865 = arith.index_cast %add3A_829 : i32 to index
          %get3A_866 = arith.constant 112 : index
          %get3A_867 = tpu.vector_load %arg8[%get3A_865, %get3A_866] {strides = array<i32>} : memref<100x128xf32, #tpu.memory_space<vmem>>, vector<1x16xf32>,
          %get3A_868 = vector.shape_cast %get3A_867 : vector<1x16xf32> to vector<16xf32>
          %add3A_869 = arith.addf %add3A_825, %get3A_868 : vector<16xf32>
          scf.yield %add3A_834, %add3A_839, %add3A_844, %add3A_849, %add3A_854, %add3A_859, %add3A_864, %add3A_869 : vector<16xf32>, vector<16xf32>, vector<16xf32>, vector<16xf32>, vector<16xf32>, vector<16xf32>, vector<16xf32>, vector<16xf32>
        }
        %scan3A_385 = arith.constant 50 : i32
        %mul3A_386 = arith.constant 2 : i32
        %mul3A_387 = arith.muli %mul3A_386, %add3A_363 : i32
        %add3A_388 = arith.constant 0 : i32
        %add3A_389 = arith.addi %mul3A_387, %add3A_388 : i32
        %rem3A_390 = arith.constant 64 : i32
        %rem3A_391 = arith.remsi %add3A_389, %rem3A_390 : i32
        %swap3A_392 = arith.index_cast %rem3A_391 : i32 to index
        %swap3A_393 = arith.constant 0 : index
        %swap3A_394 = tpu.vector_load %arg10[%swap3A_392, %swap3A_393] {strides = array<i32>} : memref<64x128xf32, #tpu.memory_space<vmem>>, vector<1x16xf32>,
        %swap3A_395 = vector.shape_cast %swap3A_394 : vector<1x16xf32> to vector<16xf32>
        %swap3A_396 = vector.shape_cast %scan3A_384#0 : vector<16xf32> to vector<1x16xf32>
        tpu.vector_store %arg10[%swap3A_392, %swap3A_393], %swap3A_396 {strides = array<i32>} : memref<64x128xf32, #tpu.memory_space<vmem>>, vector<1x16xf32>,
        %swap3A_397 = arith.index_cast %rem3A_391 : i32 to index
        %swap3A_398 = arith.constant 16 : index
        %swap3A_399 = tpu.vector_load %arg10[%swap3A_397, %swap3A_398] {strides = array<i32>} : memref<64x128xf32, #tpu.memory_space<vmem>>, vector<1x16xf32>,
        %swap3A_400 = vector.shape_cast %swap3A_399 : vector<1x16xf32> to vector<16xf32>
        %swap3A_401 = vector.shape_cast %scan3A_384#1 : vector<16xf32> to vector<1x16xf32>
        tpu.vector_store %arg10[%swap3A_397, %swap3A_398], %swap3A_401 {strides = array<i32>} : memref<64x128xf32, #tpu.memory_space<vmem>>, vector<1x16xf32>,
        %swap3A_402 = arith.index_cast %rem3A_391 : i32 to index
        %swap3A_403 = arith.constant 32 : index
        %swap3A_404 = tpu.vector_load %arg10[%swap3A_402, %swap3A_403] {strides = array<i32>} : memref<64x128xf32, #tpu.memory_space<vmem>>, vector<1x16xf32>,
        %swap3A_405 = vector.shape_cast %swap3A_404 : vector<1x16xf32> to vector<16xf32>
        %swap3A_406 = vector.shape_cast %scan3A_384#2 : vector<16xf32> to vector<1x16xf32>
        tpu.vector_store %arg10[%swap3A_402, %swap3A_403], %swap3A_406 {strides = array<i32>} : memref<64x128xf32, #tpu.memory_space<vmem>>, vector<1x16xf32>,
        %swap3A_407 = arith.index_cast %rem3A_391 : i32 to index
        %swap3A_408 = arith.constant 48 : index
        %swap3A_409 = tpu.vector_load %arg10[%swap3A_407, %swap3A_408] {strides = array<i32>} : memref<64x128xf32, #tpu.memory_space<vmem>>, vector<1x16xf32>,
        %swap3A_410 = vector.shape_cast %swap3A_409 : vector<1x16xf32> to vector<16xf32>
        %swap3A_411 = vector.shape_cast %scan3A_384#3 : vector<16xf32> to vector<1x16xf32>
        tpu.vector_store %arg10[%swap3A_407, %swap3A_408], %swap3A_411 {strides = array<i32>} : memref<64x128xf32, #tpu.memory_space<vmem>>, vector<1x16xf32>,
        %swap3A_412 = arith.index_cast %rem3A_391 : i32 to index
        %swap3A_413 = arith.constant 64 : index
        %swap3A_414 = tpu.vector_load %arg10[%swap3A_412, %swap3A_413] {strides = array<i32>} : memref<64x128xf32, #tpu.memory_space<vmem>>, vector<1x16xf32>,
        %swap3A_415 = vector.shape_cast %swap3A_414 : vector<1x16xf32> to vector<16xf32>
        %swap3A_416 = vector.shape_cast %scan3A_384#4 : vector<16xf32> to vector<1x16xf32>
        tpu.vector_store %arg10[%swap3A_412, %swap3A_413], %swap3A_416 {strides = array<i32>} : memref<64x128xf32, #tpu.memory_space<vmem>>, vector<1x16xf32>,
        %swap3A_417 = arith.index_cast %rem3A_391 : i32 to index
        %swap3A_418 = arith.constant 80 : index
        %swap3A_419 = tpu.vector_load %arg10[%swap3A_417, %swap3A_418] {strides = array<i32>} : memref<64x128xf32, #tpu.memory_space<vmem>>, vector<1x16xf32>,
        %swap3A_420 = vector.shape_cast %swap3A_419 : vector<1x16xf32> to vector<16xf32>
        %swap3A_421 = vector.shape_cast %scan3A_384#5 : vector<16xf32> to vector<1x16xf32>
        tpu.vector_store %arg10[%swap3A_417, %swap3A_418], %swap3A_421 {strides = array<i32>} : memref<64x128xf32, #tpu.memory_space<vmem>>, vector<1x16xf32>,
        %swap3A_422 = arith.index_cast %rem3A_391 : i32 to index
        %swap3A_423 = arith.constant 96 : index
        %swap3A_424 = tpu.vector_load %arg10[%swap3A_422, %swap3A_423] {strides = array<i32>} : memref<64x128xf32, #tpu.memory_space<vmem>>, vector<1x16xf32>,
        %swap3A_425 = vector.shape_cast %swap3A_424 : vector<1x16xf32> to vector<16xf32>
        %swap3A_426 = vector.shape_cast %scan3A_384#6 : vector<16xf32> to vector<1x16xf32>
        tpu.vector_store %arg10[%swap3A_422, %swap3A_423], %swap3A_426 {strides = array<i32>} : memref<64x128xf32, #tpu.memory_space<vmem>>, vector<1x16xf32>,
        %swap3A_427 = arith.index_cast %rem3A_391 : i32 to index
        %swap3A_428 = arith.constant 112 : index
        %swap3A_429 = tpu.vector_load %arg10[%swap3A_427, %swap3A_428] {strides = array<i32>} : memref<64x128xf32, #tpu.memory_space<vmem>>, vector<1x16xf32>,
        %swap3A_430 = vector.shape_cast %swap3A_429 : vector<1x16xf32> to vector<16xf32>
        %swap3A_431 = vector.shape_cast %scan3A_384#7 : vector<16xf32> to vector<1x16xf32>
        tpu.vector_store %arg10[%swap3A_427, %swap3A_428], %swap3A_431 {strides = array<i32>} : memref<64x128xf32, #tpu.memory_space<vmem>>, vector<1x16xf32>,
        %broadcast_in_dim3A_432 = arith.constant 0.000000e+00 : f32
        %broadcast_in_dim3A_433 = vector.broadcast %broadcast_in_dim3A_432 : f32 to vector<16xf32>
        %broadcast_in_dim3A_434 = arith.constant 0.000000e+00 : f32
        %broadcast_in_dim3A_435 = vector.broadcast %broadcast_in_dim3A_434 : f32 to vector<16xf32>
        %broadcast_in_dim3A_436 = arith.constant 0.000000e+00 : f32
        %broadcast_in_dim3A_437 = vector.broadcast %broadcast_in_dim3A_436 : f32 to vector<16xf32>
        %broadcast_in_dim3A_438 = arith.constant 0.000000e+00 : f32
        %broadcast_in_dim3A_439 = vector.broadcast %broadcast_in_dim3A_438 : f32 to vector<16xf32>
        %broadcast_in_dim3A_440 = arith.constant 0.000000e+00 : f32
        %broadcast_in_dim3A_441 = vector.broadcast %broadcast_in_dim3A_440 : f32 to vector<16xf32>
        %broadcast_in_dim3A_442 = arith.constant 0.000000e+00 : f32
        %broadcast_in_dim3A_443 = vector.broadcast %broadcast_in_dim3A_442 : f32 to vector<16xf32>
        %broadcast_in_dim3A_444 = arith.constant 0.000000e+00 : f32
        %broadcast_in_dim3A_445 = vector.broadcast %broadcast_in_dim3A_444 : f32 to vector<16xf32>
        %broadcast_in_dim3A_446 = arith.constant 0.000000e+00 : f32
        %broadcast_in_dim3A_447 = vector.broadcast %broadcast_in_dim3A_446 : f32 to vector<16xf32>
        %scan3A_448 = arith.constant 0 : i32
        %scan3A_449 = arith.constant 50 : i32
        %scan3A_450 = arith.addi %scan3A_448, %scan3A_449 : i32
        %scan3A_451 = arith.constant 5 : i32
        %scan3A_452:8 = scf.for %scan3A_644 = %scan3A_448 to %scan3A_450 step %scan3A_451 iter_args(%scan3A_645 = %broadcast_in_dim3A_433, %scan3A_646 = %broadcast_in_dim3A_435, %scan3A_647 = %broadcast_in_dim3A_437, %scan3A_648 = %broadcast_in_dim3A_439, %scan3A_649 = %broadcast_in_dim3A_441, %scan3A_650 = %broadcast_in_dim3A_443, %scan3A_651 = %broadcast_in_dim3A_445, %scan3A_652 = %broadcast_in_dim3A_447) -> (vector<16xf32>, vector<16xf32>, vector<16xf32>, vector<16xf32>, vector<16xf32>, vector<16xf32>, vector<16xf32>, vector<16xf32>)  : i32 {
          %add3A_653 = arith.constant 50 : i32
          %add3A_654 = arith.addi %add3A_653, %scan3A_644 : i32
          %get3A = arith.index_cast %add3A_654 : i32 to index
          %get3A_655 = arith.constant 0 : index
          %get3A_656 = tpu.vector_load %arg8[%get3A, %get3A_655] {strides = array<i32>} : memref<100x128xf32, #tpu.memory_space<vmem>>, vector<1x16xf32>,
          %get3A_657 = vector.shape_cast %get3A_656 : vector<1x16xf32> to vector<16xf32>
          %add3A_658 = arith.addf %scan3A_645, %get3A_657 : vector<16xf32>
          %get3A_659 = arith.index_cast %add3A_654 : i32 to index
          %get3A_660 = arith.constant 16 : index
          %get3A_661 = tpu.vector_load %arg8[%get3A_659, %get3A_660] {strides = array<i32>} : memref<100x128xf32, #tpu.memory_space<vmem>>, vector<1x16xf32>,
          %get3A_662 = vector.shape_cast %get3A_661 : vector<1x16xf32> to vector<16xf32>
          %add3A_663 = arith.addf %scan3A_646, %get3A_662 : vector<16xf32>
          %get3A_664 = arith.index_cast %add3A_654 : i32 to index
          %get3A_665 = arith.constant 32 : index
          %get3A_666 = tpu.vector_load %arg8[%get3A_664, %get3A_665] {strides = array<i32>} : memref<100x128xf32, #tpu.memory_space<vmem>>, vector<1x16xf32>,
          %get3A_667 = vector.shape_cast %get3A_666 : vector<1x16xf32> to vector<16xf32>
          %add3A_668 = arith.addf %scan3A_647, %get3A_667 : vector<16xf32>
          %get3A_669 = arith.index_cast %add3A_654 : i32 to index
          %get3A_670 = arith.constant 48 : index
          %get3A_671 = tpu.vector_load %arg8[%get3A_669, %get3A_670] {strides = array<i32>} : memref<100x128xf32, #tpu.memory_space<vmem>>, vector<1x16xf32>,
          %get3A_672 = vector.shape_cast %get3A_671 : vector<1x16xf32> to vector<16xf32>
          %add3A_673 = arith.addf %scan3A_648, %get3A_672 : vector<16xf32>
          %get3A_674 = arith.index_cast %add3A_654 : i32 to index
          %get3A_675 = arith.constant 64 : index
          %get3A_676 = tpu.vector_load %arg8[%get3A_674, %get3A_675] {strides = array<i32>} : memref<100x128xf32, #tpu.memory_space<vmem>>, vector<1x16xf32>,
          %get3A_677 = vector.shape_cast %get3A_676 : vector<1x16xf32> to vector<16xf32>
          %add3A_678 = arith.addf %scan3A_649, %get3A_677 : vector<16xf32>
          %get3A_679 = arith.index_cast %add3A_654 : i32 to index
          %get3A_680 = arith.constant 80 : index
          %get3A_681 = tpu.vector_load %arg8[%get3A_679, %get3A_680] {strides = array<i32>} : memref<100x128xf32, #tpu.memory_space<vmem>>, vector<1x16xf32>,
          %get3A_682 = vector.shape_cast %get3A_681 : vector<1x16xf32> to vector<16xf32>
          %add3A_683 = arith.addf %scan3A_650, %get3A_682 : vector<16xf32>
          %get3A_684 = arith.index_cast %add3A_654 : i32 to index
          %get3A_685 = arith.constant 96 : index
          %get3A_686 = tpu.vector_load %arg8[%get3A_684, %get3A_685] {strides = array<i32>} : memref<100x128xf32, #tpu.memory_space<vmem>>, vector<1x16xf32>,
          %get3A_687 = vector.shape_cast %get3A_686 : vector<1x16xf32> to vector<16xf32>
          %add3A_688 = arith.addf %scan3A_651, %get3A_687 : vector<16xf32>
          %get3A_689 = arith.index_cast %add3A_654 : i32 to index
          %get3A_690 = arith.constant 112 : index
          %get3A_691 = tpu.vector_load %arg8[%get3A_689, %get3A_690] {strides = array<i32>} : memref<100x128xf32, #tpu.memory_space<vmem>>, vector<1x16xf32>,
          %get3A_692 = vector.shape_cast %get3A_691 : vector<1x16xf32> to vector<16xf32>
          %add3A_693 = arith.addf %scan3A_652, %get3A_692 : vector<16xf32>
          %scan3A_694 = arith.constant 1 : i32
          %scan3A_695 = arith.addi %scan3A_644, %scan3A_694 : i32
          %add3A_696 = arith.constant 50 : i32
          %add3A_697 = arith.addi %add3A_696, %scan3A_695 : i32
          %get3A_698 = arith.index_cast %add3A_697 : i32 to index
          %get3A_699 = arith.constant 0 : index
          %get3A_700 = tpu.vector_load %arg8[%get3A_698, %get3A_699] {strides = array<i32>} : memref<100x128xf32, #tpu.memory_space<vmem>>, vector<1x16xf32>,
          %get3A_701 = vector.shape_cast %get3A_700 : vector<1x16xf32> to vector<16xf32>
          %add3A_702 = arith.addf %add3A_658, %get3A_701 : vector<16xf32>
          %get3A_703 = arith.index_cast %add3A_697 : i32 to index
          %get3A_704 = arith.constant 16 : index
          %get3A_705 = tpu.vector_load %arg8[%get3A_703, %get3A_704] {strides = array<i32>} : memref<100x128xf32, #tpu.memory_space<vmem>>, vector<1x16xf32>,
          %get3A_706 = vector.shape_cast %get3A_705 : vector<1x16xf32> to vector<16xf32>
          %add3A_707 = arith.addf %add3A_663, %get3A_706 : vector<16xf32>
          %get3A_708 = arith.index_cast %add3A_697 : i32 to index
          %get3A_709 = arith.constant 32 : index
          %get3A_710 = tpu.vector_load %arg8[%get3A_708, %get3A_709] {strides = array<i32>} : memref<100x128xf32, #tpu.memory_space<vmem>>, vector<1x16xf32>,
          %get3A_711 = vector.shape_cast %get3A_710 : vector<1x16xf32> to vector<16xf32>
          %add3A_712 = arith.addf %add3A_668, %get3A_711 : vector<16xf32>
          %get3A_713 = arith.index_cast %add3A_697 : i32 to index
          %get3A_714 = arith.constant 48 : index
          %get3A_715 = tpu.vector_load %arg8[%get3A_713, %get3A_714] {strides = array<i32>} : memref<100x128xf32, #tpu.memory_space<vmem>>, vector<1x16xf32>,
          %get3A_716 = vector.shape_cast %get3A_715 : vector<1x16xf32> to vector<16xf32>
          %add3A_717 = arith.addf %add3A_673, %get3A_716 : vector<16xf32>
          %get3A_718 = arith.index_cast %add3A_697 : i32 to index
          %get3A_719 = arith.constant 64 : index
          %get3A_720 = tpu.vector_load %arg8[%get3A_718, %get3A_719] {strides = array<i32>} : memref<100x128xf32, #tpu.memory_space<vmem>>, vector<1x16xf32>,
          %get3A_721 = vector.shape_cast %get3A_720 : vector<1x16xf32> to vector<16xf32>
          %add3A_722 = arith.addf %add3A_678, %get3A_721 : vector<16xf32>
          %get3A_723 = arith.index_cast %add3A_697 : i32 to index
          %get3A_724 = arith.constant 80 : index
          %get3A_725 = tpu.vector_load %arg8[%get3A_723, %get3A_724] {strides = array<i32>} : memref<100x128xf32, #tpu.memory_space<vmem>>, vector<1x16xf32>,
          %get3A_726 = vector.shape_cast %get3A_725 : vector<1x16xf32> to vector<16xf32>
          %add3A_727 = arith.addf %add3A_683, %get3A_726 : vector<16xf32>
          %get3A_728 = arith.index_cast %add3A_697 : i32 to index
          %get3A_729 = arith.constant 96 : index
          %get3A_730 = tpu.vector_load %arg8[%get3A_728, %get3A_729] {strides = array<i32>} : memref<100x128xf32, #tpu.memory_space<vmem>>, vector<1x16xf32>,
          %get3A_731 = vector.shape_cast %get3A_730 : vector<1x16xf32> to vector<16xf32>
          %add3A_732 = arith.addf %add3A_688, %get3A_731 : vector<16xf32>
          %get3A_733 = arith.index_cast %add3A_697 : i32 to index
          %get3A_734 = arith.constant 112 : index
          %get3A_735 = tpu.vector_load %arg8[%get3A_733, %get3A_734] {strides = array<i32>} : memref<100x128xf32, #tpu.memory_space<vmem>>, vector<1x16xf32>,
          %get3A_736 = vector.shape_cast %get3A_735 : vector<1x16xf32> to vector<16xf32>
          %add3A_737 = arith.addf %add3A_693, %get3A_736 : vector<16xf32>
          %scan3A_738 = arith.constant 2 : i32
          %scan3A_739 = arith.addi %scan3A_644, %scan3A_738 : i32
          %add3A_740 = arith.constant 50 : i32
          %add3A_741 = arith.addi %add3A_740, %scan3A_739 : i32
          %get3A_742 = arith.index_cast %add3A_741 : i32 to index
          %get3A_743 = arith.constant 0 : index
          %get3A_744 = tpu.vector_load %arg8[%get3A_742, %get3A_743] {strides = array<i32>} : memref<100x128xf32, #tpu.memory_space<vmem>>, vector<1x16xf32>,
          %get3A_745 = vector.shape_cast %get3A_744 : vector<1x16xf32> to vector<16xf32>
          %add3A_746 = arith.addf %add3A_702, %get3A_745 : vector<16xf32>
          %get3A_747 = arith.index_cast %add3A_741 : i32 to index
          %get3A_748 = arith.constant 16 : index
          %get3A_749 = tpu.vector_load %arg8[%get3A_747, %get3A_748] {strides = array<i32>} : memref<100x128xf32, #tpu.memory_space<vmem>>, vector<1x16xf32>,
          %get3A_750 = vector.shape_cast %get3A_749 : vector<1x16xf32> to vector<16xf32>
          %add3A_751 = arith.addf %add3A_707, %get3A_750 : vector<16xf32>
          %get3A_752 = arith.index_cast %add3A_741 : i32 to index
          %get3A_753 = arith.constant 32 : index
          %get3A_754 = tpu.vector_load %arg8[%get3A_752, %get3A_753] {strides = array<i32>} : memref<100x128xf32, #tpu.memory_space<vmem>>, vector<1x16xf32>,
          %get3A_755 = vector.shape_cast %get3A_754 : vector<1x16xf32> to vector<16xf32>
          %add3A_756 = arith.addf %add3A_712, %get3A_755 : vector<16xf32>
          %get3A_757 = arith.index_cast %add3A_741 : i32 to index
          %get3A_758 = arith.constant 48 : index
          %get3A_759 = tpu.vector_load %arg8[%get3A_757, %get3A_758] {strides = array<i32>} : memref<100x128xf32, #tpu.memory_space<vmem>>, vector<1x16xf32>,
          %get3A_760 = vector.shape_cast %get3A_759 : vector<1x16xf32> to vector<16xf32>
          %add3A_761 = arith.addf %add3A_717, %get3A_760 : vector<16xf32>
          %get3A_762 = arith.index_cast %add3A_741 : i32 to index
          %get3A_763 = arith.constant 64 : index
          %get3A_764 = tpu.vector_load %arg8[%get3A_762, %get3A_763] {strides = array<i32>} : memref<100x128xf32, #tpu.memory_space<vmem>>, vector<1x16xf32>,
          %get3A_765 = vector.shape_cast %get3A_764 : vector<1x16xf32> to vector<16xf32>
          %add3A_766 = arith.addf %add3A_722, %get3A_765 : vector<16xf32>
          %get3A_767 = arith.index_cast %add3A_741 : i32 to index
          %get3A_768 = arith.constant 80 : index
          %get3A_769 = tpu.vector_load %arg8[%get3A_767, %get3A_768] {strides = array<i32>} : memref<100x128xf32, #tpu.memory_space<vmem>>, vector<1x16xf32>,
          %get3A_770 = vector.shape_cast %get3A_769 : vector<1x16xf32> to vector<16xf32>
          %add3A_771 = arith.addf %add3A_727, %get3A_770 : vector<16xf32>
          %get3A_772 = arith.index_cast %add3A_741 : i32 to index
          %get3A_773 = arith.constant 96 : index
          %get3A_774 = tpu.vector_load %arg8[%get3A_772, %get3A_773] {strides = array<i32>} : memref<100x128xf32, #tpu.memory_space<vmem>>, vector<1x16xf32>,
          %get3A_775 = vector.shape_cast %get3A_774 : vector<1x16xf32> to vector<16xf32>
          %add3A_776 = arith.addf %add3A_732, %get3A_775 : vector<16xf32>
          %get3A_777 = arith.index_cast %add3A_741 : i32 to index
          %get3A_778 = arith.constant 112 : index
          %get3A_779 = tpu.vector_load %arg8[%get3A_777, %get3A_778] {strides = array<i32>} : memref<100x128xf32, #tpu.memory_space<vmem>>, vector<1x16xf32>,
          %get3A_780 = vector.shape_cast %get3A_779 : vector<1x16xf32> to vector<16xf32>
          %add3A_781 = arith.addf %add3A_737, %get3A_780 : vector<16xf32>
          %scan3A_782 = arith.constant 3 : i32
          %scan3A_783 = arith.addi %scan3A_644, %scan3A_782 : i32
          %add3A_784 = arith.constant 50 : i32
          %add3A_785 = arith.addi %add3A_784, %scan3A_783 : i32
          %get3A_786 = arith.index_cast %add3A_785 : i32 to index
          %get3A_787 = arith.constant 0 : index
          %get3A_788 = tpu.vector_load %arg8[%get3A_786, %get3A_787] {strides = array<i32>} : memref<100x128xf32, #tpu.memory_space<vmem>>, vector<1x16xf32>,
          %get3A_789 = vector.shape_cast %get3A_788 : vector<1x16xf32> to vector<16xf32>
          %add3A_790 = arith.addf %add3A_746, %get3A_789 : vector<16xf32>
          %get3A_791 = arith.index_cast %add3A_785 : i32 to index
          %get3A_792 = arith.constant 16 : index
          %get3A_793 = tpu.vector_load %arg8[%get3A_791, %get3A_792] {strides = array<i32>} : memref<100x128xf32, #tpu.memory_space<vmem>>, vector<1x16xf32>,
          %get3A_794 = vector.shape_cast %get3A_793 : vector<1x16xf32> to vector<16xf32>
          %add3A_795 = arith.addf %add3A_751, %get3A_794 : vector<16xf32>
          %get3A_796 = arith.index_cast %add3A_785 : i32 to index
          %get3A_797 = arith.constant 32 : index
          %get3A_798 = tpu.vector_load %arg8[%get3A_796, %get3A_797] {strides = array<i32>} : memref<100x128xf32, #tpu.memory_space<vmem>>, vector<1x16xf32>,
          %get3A_799 = vector.shape_cast %get3A_798 : vector<1x16xf32> to vector<16xf32>
          %add3A_800 = arith.addf %add3A_756, %get3A_799 : vector<16xf32>
          %get3A_801 = arith.index_cast %add3A_785 : i32 to index
          %get3A_802 = arith.constant 48 : index
          %get3A_803 = tpu.vector_load %arg8[%get3A_801, %get3A_802] {strides = array<i32>} : memref<100x128xf32, #tpu.memory_space<vmem>>, vector<1x16xf32>,
          %get3A_804 = vector.shape_cast %get3A_803 : vector<1x16xf32> to vector<16xf32>
          %add3A_805 = arith.addf %add3A_761, %get3A_804 : vector<16xf32>
          %get3A_806 = arith.index_cast %add3A_785 : i32 to index
          %get3A_807 = arith.constant 64 : index
          %get3A_808 = tpu.vector_load %arg8[%get3A_806, %get3A_807] {strides = array<i32>} : memref<100x128xf32, #tpu.memory_space<vmem>>, vector<1x16xf32>,
          %get3A_809 = vector.shape_cast %get3A_808 : vector<1x16xf32> to vector<16xf32>
          %add3A_810 = arith.addf %add3A_766, %get3A_809 : vector<16xf32>
          %get3A_811 = arith.index_cast %add3A_785 : i32 to index
          %get3A_812 = arith.constant 80 : index
          %get3A_813 = tpu.vector_load %arg8[%get3A_811, %get3A_812] {strides = array<i32>} : memref<100x128xf32, #tpu.memory_space<vmem>>, vector<1x16xf32>,
          %get3A_814 = vector.shape_cast %get3A_813 : vector<1x16xf32> to vector<16xf32>
          %add3A_815 = arith.addf %add3A_771, %get3A_814 : vector<16xf32>
          %get3A_816 = arith.index_cast %add3A_785 : i32 to index
          %get3A_817 = arith.constant 96 : index
          %get3A_818 = tpu.vector_load %arg8[%get3A_816, %get3A_817] {strides = array<i32>} : memref<100x128xf32, #tpu.memory_space<vmem>>, vector<1x16xf32>,
          %get3A_819 = vector.shape_cast %get3A_818 : vector<1x16xf32> to vector<16xf32>
          %add3A_820 = arith.addf %add3A_776, %get3A_819 : vector<16xf32>
          %get3A_821 = arith.index_cast %add3A_785 : i32 to index
          %get3A_822 = arith.constant 112 : index
          %get3A_823 = tpu.vector_load %arg8[%get3A_821, %get3A_822] {strides = array<i32>} : memref<100x128xf32, #tpu.memory_space<vmem>>, vector<1x16xf32>,
          %get3A_824 = vector.shape_cast %get3A_823 : vector<1x16xf32> to vector<16xf32>
          %add3A_825 = arith.addf %add3A_781, %get3A_824 : vector<16xf32>
          %scan3A_826 = arith.constant 4 : i32
          %scan3A_827 = arith.addi %scan3A_644, %scan3A_826 : i32
          %add3A_828 = arith.constant 50 : i32
          %add3A_829 = arith.addi %add3A_828, %scan3A_827 : i32
          %get3A_830 = arith.index_cast %add3A_829 : i32 to index
          %get3A_831 = arith.constant 0 : index
          %get3A_832 = tpu.vector_load %arg8[%get3A_830, %get3A_831] {strides = array<i32>} : memref<100x128xf32, #tpu.memory_space<vmem>>, vector<1x16xf32>,
          %get3A_833 = vector.shape_cast %get3A_832 : vector<1x16xf32> to vector<16xf32>
          %add3A_834 = arith.addf %add3A_790, %get3A_833 : vector<16xf32>
          %get3A_835 = arith.index_cast %add3A_829 : i32 to index
          %get3A_836 = arith.constant 16 : index
          %get3A_837 = tpu.vector_load %arg8[%get3A_835, %get3A_836] {strides = array<i32>} : memref<100x128xf32, #tpu.memory_space<vmem>>, vector<1x16xf32>,
          %get3A_838 = vector.shape_cast %get3A_837 : vector<1x16xf32> to vector<16xf32>
          %add3A_839 = arith.addf %add3A_795, %get3A_838 : vector<16xf32>
          %get3A_840 = arith.index_cast %add3A_829 : i32 to index
          %get3A_841 = arith.constant 32 : index
          %get3A_842 = tpu.vector_load %arg8[%get3A_840, %get3A_841] {strides = array<i32>} : memref<100x128xf32, #tpu.memory_space<vmem>>, vector<1x16xf32>,
          %get3A_843 = vector.shape_cast %get3A_842 : vector<1x16xf32> to vector<16xf32>
          %add3A_844 = arith.addf %add3A_800, %get3A_843 : vector<16xf32>
          %get3A_845 = arith.index_cast %add3A_829 : i32 to index
          %get3A_846 = arith.constant 48 : index
          %get3A_847 = tpu.vector_load %arg8[%get3A_845, %get3A_846] {strides = array<i32>} : memref<100x128xf32, #tpu.memory_space<vmem>>, vector<1x16xf32>,
          %get3A_848 = vector.shape_cast %get3A_847 : vector<1x16xf32> to vector<16xf32>
          %add3A_849 = arith.addf %add3A_805, %get3A_848 : vector<16xf32>
          %get3A_850 = arith.index_cast %add3A_829 : i32 to index
          %get3A_851 = arith.constant 64 : index
          %get3A_852 = tpu.vector_load %arg8[%get3A_850, %get3A_851] {strides = array<i32>} : memref<100x128xf32, #tpu.memory_space<vmem>>, vector<1x16xf32>,
          %get3A_853 = vector.shape_cast %get3A_852 : vector<1x16xf32> to vector<16xf32>
          %add3A_854 = arith.addf %add3A_810, %get3A_853 : vector<16xf32>
          %get3A_855 = arith.index_cast %add3A_829 : i32 to index
          %get3A_856 = arith.constant 80 : index
          %get3A_857 = tpu.vector_load %arg8[%get3A_855, %get3A_856] {strides = array<i32>} : memref<100x128xf32, #tpu.memory_space<vmem>>, vector<1x16xf32>,
          %get3A_858 = vector.shape_cast %get3A_857 : vector<1x16xf32> to vector<16xf32>
          %add3A_859 = arith.addf %add3A_815, %get3A_858 : vector<16xf32>
          %get3A_860 = arith.index_cast %add3A_829 : i32 to index
          %get3A_861 = arith.constant 96 : index
          %get3A_862 = tpu.vector_load %arg8[%get3A_860, %get3A_861] {strides = array<i32>} : memref<100x128xf32, #tpu.memory_space<vmem>>, vector<1x16xf32>,
          %get3A_863 = vector.shape_cast %get3A_862 : vector<1x16xf32> to vector<16xf32>
          %add3A_864 = arith.addf %add3A_820, %get3A_863 : vector<16xf32>
          %get3A_865 = arith.index_cast %add3A_829 : i32 to index
          %get3A_866 = arith.constant 112 : index
          %get3A_867 = tpu.vector_load %arg8[%get3A_865, %get3A_866] {strides = array<i32>} : memref<100x128xf32, #tpu.memory_space<vmem>>, vector<1x16xf32>,
          %get3A_868 = vector.shape_cast %get3A_867 : vector<1x16xf32> to vector<16xf32>
          %add3A_869 = arith.addf %add3A_825, %get3A_868 : vector<16xf32>
          scf.yield %add3A_834, %add3A_839, %add3A_844, %add3A_849, %add3A_854, %add3A_859, %add3A_864, %add3A_869 : vector<16xf32>, vector<16xf32>, vector<16xf32>, vector<16xf32>, vector<16xf32>, vector<16xf32>, vector<16xf32>, vector<16xf32>
        }
        %scan3A_453 = arith.constant 50 : i32
        %mul3A_454 = arith.constant 2 : i32
        %mul3A_455 = arith.muli %mul3A_454, %add3A_363 : i32
        %add3A_456 = arith.constant 1 : i32
        %add3A_457 = arith.addi %mul3A_455, %add3A_456 : i32
        %rem3A_458 = arith.constant 64 : i32
        %rem3A_459 = arith.remsi %add3A_457, %rem3A_458 : i32
        %swap3A_460 = arith.index_cast %rem3A_459 : i32 to index
        %swap3A_461 = arith.constant 0 : index
        %swap3A_462 = tpu.vector_load %arg10[%swap3A_460, %swap3A_461] {strides = array<i32>} : memref<64x128xf32, #tpu.memory_space<vmem>>, vector<1x16xf32>,
        %swap3A_463 = vector.shape_cast %swap3A_462 : vector<1x16xf32> to vector<16xf32>
        %swap3A_464 = vector.shape_cast %scan3A_452#0 : vector<16xf32> to vector<1x16xf32>
        tpu.vector_store %arg10[%swap3A_460, %swap3A_461], %swap3A_464 {strides = array<i32>} : memref<64x128xf32, #tpu.memory_space<vmem>>, vector<1x16xf32>,
        %swap3A_465 = arith.index_cast %rem3A_459 : i32 to index
        %swap3A_466 = arith.constant 16 : index
        %swap3A_467 = tpu.vector_load %arg10[%swap3A_465, %swap3A_466] {strides = array<i32>} : memref<64x128xf32, #tpu.memory_space<vmem>>, vector<1x16xf32>,
        %swap3A_468 = vector.shape_cast %swap3A_467 : vector<1x16xf32> to vector<16xf32>
        %swap3A_469 = vector.shape_cast %scan3A_452#1 : vector<16xf32> to vector<1x16xf32>
        tpu.vector_store %arg10[%swap3A_465, %swap3A_466], %swap3A_469 {strides = array<i32>} : memref<64x128xf32, #tpu.memory_space<vmem>>, vector<1x16xf32>,
        %swap3A_470 = arith.index_cast %rem3A_459 : i32 to index
        %swap3A_471 = arith.constant 32 : index
        %swap3A_472 = tpu.vector_load %arg10[%swap3A_470, %swap3A_471] {strides = array<i32>} : memref<64x128xf32, #tpu.memory_space<vmem>>, vector<1x16xf32>,
        %swap3A_473 = vector.shape_cast %swap3A_472 : vector<1x16xf32> to vector<16xf32>
        %swap3A_474 = vector.shape_cast %scan3A_452#2 : vector<16xf32> to vector<1x16xf32>
        tpu.vector_store %arg10[%swap3A_470, %swap3A_471], %swap3A_474 {strides = array<i32>} : memref<64x128xf32, #tpu.memory_space<vmem>>, vector<1x16xf32>,
        %swap3A_475 = arith.index_cast %rem3A_459 : i32 to index
        %swap3A_476 = arith.constant 48 : index
        %swap3A_477 = tpu.vector_load %arg10[%swap3A_475, %swap3A_476] {strides = array<i32>} : memref<64x128xf32, #tpu.memory_space<vmem>>, vector<1x16xf32>,
        %swap3A_478 = vector.shape_cast %swap3A_477 : vector<1x16xf32> to vector<16xf32>
        %swap3A_479 = vector.shape_cast %scan3A_452#3 : vector<16xf32> to vector<1x16xf32>
        tpu.vector_store %arg10[%swap3A_475, %swap3A_476], %swap3A_479 {strides = array<i32>} : memref<64x128xf32, #tpu.memory_space<vmem>>, vector<1x16xf32>,
        %swap3A_480 = arith.index_cast %rem3A_459 : i32 to index
        %swap3A_481 = arith.constant 64 : index
        %swap3A_482 = tpu.vector_load %arg10[%swap3A_480, %swap3A_481] {strides = array<i32>} : memref<64x128xf32, #tpu.memory_space<vmem>>, vector<1x16xf32>,
        %swap3A_483 = vector.shape_cast %swap3A_482 : vector<1x16xf32> to vector<16xf32>
        %swap3A_484 = vector.shape_cast %scan3A_452#4 : vector<16xf32> to vector<1x16xf32>
        tpu.vector_store %arg10[%swap3A_480, %swap3A_481], %swap3A_484 {strides = array<i32>} : memref<64x128xf32, #tpu.memory_space<vmem>>, vector<1x16xf32>,
        %swap3A_485 = arith.index_cast %rem3A_459 : i32 to index
        %swap3A_486 = arith.constant 80 : index
        %swap3A_487 = tpu.vector_load %arg10[%swap3A_485, %swap3A_486] {strides = array<i32>} : memref<64x128xf32, #tpu.memory_space<vmem>>, vector<1x16xf32>,
        %swap3A_488 = vector.shape_cast %swap3A_487 : vector<1x16xf32> to vector<16xf32>
        %swap3A_489 = vector.shape_cast %scan3A_452#5 : vector<16xf32> to vector<1x16xf32>
        tpu.vector_store %arg10[%swap3A_485, %swap3A_486], %swap3A_489 {strides = array<i32>} : memref<64x128xf32, #tpu.memory_space<vmem>>, vector<1x16xf32>,
        %swap3A_490 = arith.index_cast %rem3A_459 : i32 to index
        %swap3A_491 = arith.constant 96 : index
        %swap3A_492 = tpu.vector_load %arg10[%swap3A_490, %swap3A_491] {strides = array<i32>} : memref<64x128xf32, #tpu.memory_space<vmem>>, vector<1x16xf32>,
        %swap3A_493 = vector.shape_cast %swap3A_492 : vector<1x16xf32> to vector<16xf32>
        %swap3A_494 = vector.shape_cast %scan3A_452#6 : vector<16xf32> to vector<1x16xf32>
        tpu.vector_store %arg10[%swap3A_490, %swap3A_491], %swap3A_494 {strides = array<i32>} : memref<64x128xf32, #tpu.memory_space<vmem>>, vector<1x16xf32>,
        %swap3A_495 = arith.index_cast %rem3A_459 : i32 to index
        %swap3A_496 = arith.constant 112 : index
        %swap3A_497 = tpu.vector_load %arg10[%swap3A_495, %swap3A_496] {strides = array<i32>} : memref<64x128xf32, #tpu.memory_space<vmem>>, vector<1x16xf32>,
        %swap3A_498 = vector.shape_cast %swap3A_497 : vector<1x16xf32> to vector<16xf32>
        %swap3A_499 = vector.shape_cast %scan3A_452#7 : vector<16xf32> to vector<1x16xf32>
        tpu.vector_store %arg10[%swap3A_495, %swap3A_496], %swap3A_499 {strides = array<i32>} : memref<64x128xf32, #tpu.memory_space<vmem>>, vector<1x16xf32>,
        %add3A_500 = arith.constant 3 : i32
        %add3A_501 = arith.addi %mul3A_55, %add3A_500 : i32
        %broadcast_in_dim3A_502 = arith.constant 0.000000e+00 : f32
        %broadcast_in_dim3A_503 = vector.broadcast %broadcast_in_dim3A_502 : f32 to vector<16xf32>
        %broadcast_in_dim3A_504 = arith.constant 0.000000e+00 : f32
        %broadcast_in_dim3A_505 = vector.broadcast %broadcast_in_dim3A_504 : f32 to vector<16xf32>
        %broadcast_in_dim3A_506 = arith.constant 0.000000e+00 : f32
        %broadcast_in_dim3A_507 = vector.broadcast %broadcast_in_dim3A_506 : f32 to vector<16xf32>
        %broadcast_in_dim3A_508 = arith.constant 0.000000e+00 : f32
        %broadcast_in_dim3A_509 = vector.broadcast %broadcast_in_dim3A_508 : f32 to vector<16xf32>
        %broadcast_in_dim3A_510 = arith.constant 0.000000e+00 : f32
        %broadcast_in_dim3A_511 = vector.broadcast %broadcast_in_dim3A_510 : f32 to vector<16xf32>
        %broadcast_in_dim3A_512 = arith.constant 0.000000e+00 : f32
        %broadcast_in_dim3A_513 = vector.broadcast %broadcast_in_dim3A_512 : f32 to vector<16xf32>
        %broadcast_in_dim3A_514 = arith.constant 0.000000e+00 : f32
        %broadcast_in_dim3A_515 = vector.broadcast %broadcast_in_dim3A_514 : f32 to vector<16xf32>
        %broadcast_in_dim3A_516 = arith.constant 0.000000e+00 : f32
        %broadcast_in_dim3A_517 = vector.broadcast %broadcast_in_dim3A_516 : f32 to vector<16xf32>
        %scan3A_518 = arith.constant 0 : i32
        %scan3A_519 = arith.constant 50 : i32
        %scan3A_520 = arith.addi %scan3A_518, %scan3A_519 : i32
        %scan3A_521 = arith.constant 5 : i32
        %scan3A_522:8 = scf.for %scan3A_644 = %scan3A_518 to %scan3A_520 step %scan3A_521 iter_args(%scan3A_645 = %broadcast_in_dim3A_503, %scan3A_646 = %broadcast_in_dim3A_505, %scan3A_647 = %broadcast_in_dim3A_507, %scan3A_648 = %broadcast_in_dim3A_509, %scan3A_649 = %broadcast_in_dim3A_511, %scan3A_650 = %broadcast_in_dim3A_513, %scan3A_651 = %broadcast_in_dim3A_515, %scan3A_652 = %broadcast_in_dim3A_517) -> (vector<16xf32>, vector<16xf32>, vector<16xf32>, vector<16xf32>, vector<16xf32>, vector<16xf32>, vector<16xf32>, vector<16xf32>)  : i32 {
          %add3A_653 = arith.constant 0 : i32
          %add3A_654 = arith.addi %add3A_653, %scan3A_644 : i32
          %get3A = arith.index_cast %add3A_654 : i32 to index
          %get3A_655 = arith.constant 0 : index
          %get3A_656 = tpu.vector_load %arg9[%get3A, %get3A_655] {strides = array<i32>} : memref<100x128xf32, #tpu.memory_space<vmem>>, vector<1x16xf32>,
          %get3A_657 = vector.shape_cast %get3A_656 : vector<1x16xf32> to vector<16xf32>
          %add3A_658 = arith.addf %scan3A_645, %get3A_657 : vector<16xf32>
          %get3A_659 = arith.index_cast %add3A_654 : i32 to index
          %get3A_660 = arith.constant 16 : index
          %get3A_661 = tpu.vector_load %arg9[%get3A_659, %get3A_660] {strides = array<i32>} : memref<100x128xf32, #tpu.memory_space<vmem>>, vector<1x16xf32>,
          %get3A_662 = vector.shape_cast %get3A_661 : vector<1x16xf32> to vector<16xf32>
          %add3A_663 = arith.addf %scan3A_646, %get3A_662 : vector<16xf32>
          %get3A_664 = arith.index_cast %add3A_654 : i32 to index
          %get3A_665 = arith.constant 32 : index
          %get3A_666 = tpu.vector_load %arg9[%get3A_664, %get3A_665] {strides = array<i32>} : memref<100x128xf32, #tpu.memory_space<vmem>>, vector<1x16xf32>,
          %get3A_667 = vector.shape_cast %get3A_666 : vector<1x16xf32> to vector<16xf32>
          %add3A_668 = arith.addf %scan3A_647, %get3A_667 : vector<16xf32>
          %get3A_669 = arith.index_cast %add3A_654 : i32 to index
          %get3A_670 = arith.constant 48 : index
          %get3A_671 = tpu.vector_load %arg9[%get3A_669, %get3A_670] {strides = array<i32>} : memref<100x128xf32, #tpu.memory_space<vmem>>, vector<1x16xf32>,
          %get3A_672 = vector.shape_cast %get3A_671 : vector<1x16xf32> to vector<16xf32>
          %add3A_673 = arith.addf %scan3A_648, %get3A_672 : vector<16xf32>
          %get3A_674 = arith.index_cast %add3A_654 : i32 to index
          %get3A_675 = arith.constant 64 : index
          %get3A_676 = tpu.vector_load %arg9[%get3A_674, %get3A_675] {strides = array<i32>} : memref<100x128xf32, #tpu.memory_space<vmem>>, vector<1x16xf32>,
          %get3A_677 = vector.shape_cast %get3A_676 : vector<1x16xf32> to vector<16xf32>
          %add3A_678 = arith.addf %scan3A_649, %get3A_677 : vector<16xf32>
          %get3A_679 = arith.index_cast %add3A_654 : i32 to index
          %get3A_680 = arith.constant 80 : index
          %get3A_681 = tpu.vector_load %arg9[%get3A_679, %get3A_680] {strides = array<i32>} : memref<100x128xf32, #tpu.memory_space<vmem>>, vector<1x16xf32>,
          %get3A_682 = vector.shape_cast %get3A_681 : vector<1x16xf32> to vector<16xf32>
          %add3A_683 = arith.addf %scan3A_650, %get3A_682 : vector<16xf32>
          %get3A_684 = arith.index_cast %add3A_654 : i32 to index
          %get3A_685 = arith.constant 96 : index
          %get3A_686 = tpu.vector_load %arg9[%get3A_684, %get3A_685] {strides = array<i32>} : memref<100x128xf32, #tpu.memory_space<vmem>>, vector<1x16xf32>,
          %get3A_687 = vector.shape_cast %get3A_686 : vector<1x16xf32> to vector<16xf32>
          %add3A_688 = arith.addf %scan3A_651, %get3A_687 : vector<16xf32>
          %get3A_689 = arith.index_cast %add3A_654 : i32 to index
          %get3A_690 = arith.constant 112 : index
          %get3A_691 = tpu.vector_load %arg9[%get3A_689, %get3A_690] {strides = array<i32>} : memref<100x128xf32, #tpu.memory_space<vmem>>, vector<1x16xf32>,
          %get3A_692 = vector.shape_cast %get3A_691 : vector<1x16xf32> to vector<16xf32>
          %add3A_693 = arith.addf %scan3A_652, %get3A_692 : vector<16xf32>
          %scan3A_694 = arith.constant 1 : i32
          %scan3A_695 = arith.addi %scan3A_644, %scan3A_694 : i32
          %add3A_696 = arith.constant 0 : i32
          %add3A_697 = arith.addi %add3A_696, %scan3A_695 : i32
          %get3A_698 = arith.index_cast %add3A_697 : i32 to index
          %get3A_699 = arith.constant 0 : index
          %get3A_700 = tpu.vector_load %arg9[%get3A_698, %get3A_699] {strides = array<i32>} : memref<100x128xf32, #tpu.memory_space<vmem>>, vector<1x16xf32>,
          %get3A_701 = vector.shape_cast %get3A_700 : vector<1x16xf32> to vector<16xf32>
          %add3A_702 = arith.addf %add3A_658, %get3A_701 : vector<16xf32>
          %get3A_703 = arith.index_cast %add3A_697 : i32 to index
          %get3A_704 = arith.constant 16 : index
          %get3A_705 = tpu.vector_load %arg9[%get3A_703, %get3A_704] {strides = array<i32>} : memref<100x128xf32, #tpu.memory_space<vmem>>, vector<1x16xf32>,
          %get3A_706 = vector.shape_cast %get3A_705 : vector<1x16xf32> to vector<16xf32>
          %add3A_707 = arith.addf %add3A_663, %get3A_706 : vector<16xf32>
          %get3A_708 = arith.index_cast %add3A_697 : i32 to index
          %get3A_709 = arith.constant 32 : index
          %get3A_710 = tpu.vector_load %arg9[%get3A_708, %get3A_709] {strides = array<i32>} : memref<100x128xf32, #tpu.memory_space<vmem>>, vector<1x16xf32>,
          %get3A_711 = vector.shape_cast %get3A_710 : vector<1x16xf32> to vector<16xf32>
          %add3A_712 = arith.addf %add3A_668, %get3A_711 : vector<16xf32>
          %get3A_713 = arith.index_cast %add3A_697 : i32 to index
          %get3A_714 = arith.constant 48 : index
          %get3A_715 = tpu.vector_load %arg9[%get3A_713, %get3A_714] {strides = array<i32>} : memref<100x128xf32, #tpu.memory_space<vmem>>, vector<1x16xf32>,
          %get3A_716 = vector.shape_cast %get3A_715 : vector<1x16xf32> to vector<16xf32>
          %add3A_717 = arith.addf %add3A_673, %get3A_716 : vector<16xf32>
          %get3A_718 = arith.index_cast %add3A_697 : i32 to index
          %get3A_719 = arith.constant 64 : index
          %get3A_720 = tpu.vector_load %arg9[%get3A_718, %get3A_719] {strides = array<i32>} : memref<100x128xf32, #tpu.memory_space<vmem>>, vector<1x16xf32>,
          %get3A_721 = vector.shape_cast %get3A_720 : vector<1x16xf32> to vector<16xf32>
          %add3A_722 = arith.addf %add3A_678, %get3A_721 : vector<16xf32>
          %get3A_723 = arith.index_cast %add3A_697 : i32 to index
          %get3A_724 = arith.constant 80 : index
          %get3A_725 = tpu.vector_load %arg9[%get3A_723, %get3A_724] {strides = array<i32>} : memref<100x128xf32, #tpu.memory_space<vmem>>, vector<1x16xf32>,
          %get3A_726 = vector.shape_cast %get3A_725 : vector<1x16xf32> to vector<16xf32>
          %add3A_727 = arith.addf %add3A_683, %get3A_726 : vector<16xf32>
          %get3A_728 = arith.index_cast %add3A_697 : i32 to index
          %get3A_729 = arith.constant 96 : index
          %get3A_730 = tpu.vector_load %arg9[%get3A_728, %get3A_729] {strides = array<i32>} : memref<100x128xf32, #tpu.memory_space<vmem>>, vector<1x16xf32>,
          %get3A_731 = vector.shape_cast %get3A_730 : vector<1x16xf32> to vector<16xf32>
          %add3A_732 = arith.addf %add3A_688, %get3A_731 : vector<16xf32>
          %get3A_733 = arith.index_cast %add3A_697 : i32 to index
          %get3A_734 = arith.constant 112 : index
          %get3A_735 = tpu.vector_load %arg9[%get3A_733, %get3A_734] {strides = array<i32>} : memref<100x128xf32, #tpu.memory_space<vmem>>, vector<1x16xf32>,
          %get3A_736 = vector.shape_cast %get3A_735 : vector<1x16xf32> to vector<16xf32>
          %add3A_737 = arith.addf %add3A_693, %get3A_736 : vector<16xf32>
          %scan3A_738 = arith.constant 2 : i32
          %scan3A_739 = arith.addi %scan3A_644, %scan3A_738 : i32
          %add3A_740 = arith.constant 0 : i32
          %add3A_741 = arith.addi %add3A_740, %scan3A_739 : i32
          %get3A_742 = arith.index_cast %add3A_741 : i32 to index
          %get3A_743 = arith.constant 0 : index
          %get3A_744 = tpu.vector_load %arg9[%get3A_742, %get3A_743] {strides = array<i32>} : memref<100x128xf32, #tpu.memory_space<vmem>>, vector<1x16xf32>,
          %get3A_745 = vector.shape_cast %get3A_744 : vector<1x16xf32> to vector<16xf32>
          %add3A_746 = arith.addf %add3A_702, %get3A_745 : vector<16xf32>
          %get3A_747 = arith.index_cast %add3A_741 : i32 to index
          %get3A_748 = arith.constant 16 : index
          %get3A_749 = tpu.vector_load %arg9[%get3A_747, %get3A_748] {strides = array<i32>} : memref<100x128xf32, #tpu.memory_space<vmem>>, vector<1x16xf32>,
          %get3A_750 = vector.shape_cast %get3A_749 : vector<1x16xf32> to vector<16xf32>
          %add3A_751 = arith.addf %add3A_707, %get3A_750 : vector<16xf32>
          %get3A_752 = arith.index_cast %add3A_741 : i32 to index
          %get3A_753 = arith.constant 32 : index
          %get3A_754 = tpu.vector_load %arg9[%get3A_752, %get3A_753] {strides = array<i32>} : memref<100x128xf32, #tpu.memory_space<vmem>>, vector<1x16xf32>,
          %get3A_755 = vector.shape_cast %get3A_754 : vector<1x16xf32> to vector<16xf32>
          %add3A_756 = arith.addf %add3A_712, %get3A_755 : vector<16xf32>
          %get3A_757 = arith.index_cast %add3A_741 : i32 to index
          %get3A_758 = arith.constant 48 : index
          %get3A_759 = tpu.vector_load %arg9[%get3A_757, %get3A_758] {strides = array<i32>} : memref<100x128xf32, #tpu.memory_space<vmem>>, vector<1x16xf32>,
          %get3A_760 = vector.shape_cast %get3A_759 : vector<1x16xf32> to vector<16xf32>
          %add3A_761 = arith.addf %add3A_717, %get3A_760 : vector<16xf32>
          %get3A_762 = arith.index_cast %add3A_741 : i32 to index
          %get3A_763 = arith.constant 64 : index
          %get3A_764 = tpu.vector_load %arg9[%get3A_762, %get3A_763] {strides = array<i32>} : memref<100x128xf32, #tpu.memory_space<vmem>>, vector<1x16xf32>,
          %get3A_765 = vector.shape_cast %get3A_764 : vector<1x16xf32> to vector<16xf32>
          %add3A_766 = arith.addf %add3A_722, %get3A_765 : vector<16xf32>
          %get3A_767 = arith.index_cast %add3A_741 : i32 to index
          %get3A_768 = arith.constant 80 : index
          %get3A_769 = tpu.vector_load %arg9[%get3A_767, %get3A_768] {strides = array<i32>} : memref<100x128xf32, #tpu.memory_space<vmem>>, vector<1x16xf32>,
          %get3A_770 = vector.shape_cast %get3A_769 : vector<1x16xf32> to vector<16xf32>
          %add3A_771 = arith.addf %add3A_727, %get3A_770 : vector<16xf32>
          %get3A_772 = arith.index_cast %add3A_741 : i32 to index
          %get3A_773 = arith.constant 96 : index
          %get3A_774 = tpu.vector_load %arg9[%get3A_772, %get3A_773] {strides = array<i32>} : memref<100x128xf32, #tpu.memory_space<vmem>>, vector<1x16xf32>,
          %get3A_775 = vector.shape_cast %get3A_774 : vector<1x16xf32> to vector<16xf32>
          %add3A_776 = arith.addf %add3A_732, %get3A_775 : vector<16xf32>
          %get3A_777 = arith.index_cast %add3A_741 : i32 to index
          %get3A_778 = arith.constant 112 : index
          %get3A_779 = tpu.vector_load %arg9[%get3A_777, %get3A_778] {strides = array<i32>} : memref<100x128xf32, #tpu.memory_space<vmem>>, vector<1x16xf32>,
          %get3A_780 = vector.shape_cast %get3A_779 : vector<1x16xf32> to vector<16xf32>
          %add3A_781 = arith.addf %add3A_737, %get3A_780 : vector<16xf32>
          %scan3A_782 = arith.constant 3 : i32
          %scan3A_783 = arith.addi %scan3A_644, %scan3A_782 : i32
          %add3A_784 = arith.constant 0 : i32
          %add3A_785 = arith.addi %add3A_784, %scan3A_783 : i32
          %get3A_786 = arith.index_cast %add3A_785 : i32 to index
          %get3A_787 = arith.constant 0 : index
          %get3A_788 = tpu.vector_load %arg9[%get3A_786, %get3A_787] {strides = array<i32>} : memref<100x128xf32, #tpu.memory_space<vmem>>, vector<1x16xf32>,
          %get3A_789 = vector.shape_cast %get3A_788 : vector<1x16xf32> to vector<16xf32>
          %add3A_790 = arith.addf %add3A_746, %get3A_789 : vector<16xf32>
          %get3A_791 = arith.index_cast %add3A_785 : i32 to index
          %get3A_792 = arith.constant 16 : index
          %get3A_793 = tpu.vector_load %arg9[%get3A_791, %get3A_792] {strides = array<i32>} : memref<100x128xf32, #tpu.memory_space<vmem>>, vector<1x16xf32>,
          %get3A_794 = vector.shape_cast %get3A_793 : vector<1x16xf32> to vector<16xf32>
          %add3A_795 = arith.addf %add3A_751, %get3A_794 : vector<16xf32>
          %get3A_796 = arith.index_cast %add3A_785 : i32 to index
          %get3A_797 = arith.constant 32 : index
          %get3A_798 = tpu.vector_load %arg9[%get3A_796, %get3A_797] {strides = array<i32>} : memref<100x128xf32, #tpu.memory_space<vmem>>, vector<1x16xf32>,
          %get3A_799 = vector.shape_cast %get3A_798 : vector<1x16xf32> to vector<16xf32>
          %add3A_800 = arith.addf %add3A_756, %get3A_799 : vector<16xf32>
          %get3A_801 = arith.index_cast %add3A_785 : i32 to index
          %get3A_802 = arith.constant 48 : index
          %get3A_803 = tpu.vector_load %arg9[%get3A_801, %get3A_802] {strides = array<i32>} : memref<100x128xf32, #tpu.memory_space<vmem>>, vector<1x16xf32>,
          %get3A_804 = vector.shape_cast %get3A_803 : vector<1x16xf32> to vector<16xf32>
          %add3A_805 = arith.addf %add3A_761, %get3A_804 : vector<16xf32>
          %get3A_806 = arith.index_cast %add3A_785 : i32 to index
          %get3A_807 = arith.constant 64 : index
          %get3A_808 = tpu.vector_load %arg9[%get3A_806, %get3A_807] {strides = array<i32>} : memref<100x128xf32, #tpu.memory_space<vmem>>, vector<1x16xf32>,
          %get3A_809 = vector.shape_cast %get3A_808 : vector<1x16xf32> to vector<16xf32>
          %add3A_810 = arith.addf %add3A_766, %get3A_809 : vector<16xf32>
          %get3A_811 = arith.index_cast %add3A_785 : i32 to index
          %get3A_812 = arith.constant 80 : index
          %get3A_813 = tpu.vector_load %arg9[%get3A_811, %get3A_812] {strides = array<i32>} : memref<100x128xf32, #tpu.memory_space<vmem>>, vector<1x16xf32>,
          %get3A_814 = vector.shape_cast %get3A_813 : vector<1x16xf32> to vector<16xf32>
          %add3A_815 = arith.addf %add3A_771, %get3A_814 : vector<16xf32>
          %get3A_816 = arith.index_cast %add3A_785 : i32 to index
          %get3A_817 = arith.constant 96 : index
          %get3A_818 = tpu.vector_load %arg9[%get3A_816, %get3A_817] {strides = array<i32>} : memref<100x128xf32, #tpu.memory_space<vmem>>, vector<1x16xf32>,
          %get3A_819 = vector.shape_cast %get3A_818 : vector<1x16xf32> to vector<16xf32>
          %add3A_820 = arith.addf %add3A_776, %get3A_819 : vector<16xf32>
          %get3A_821 = arith.index_cast %add3A_785 : i32 to index
          %get3A_822 = arith.constant 112 : index
          %get3A_823 = tpu.vector_load %arg9[%get3A_821, %get3A_822] {strides = array<i32>} : memref<100x128xf32, #tpu.memory_space<vmem>>, vector<1x16xf32>,
          %get3A_824 = vector.shape_cast %get3A_823 : vector<1x16xf32> to vector<16xf32>
          %add3A_825 = arith.addf %add3A_781, %get3A_824 : vector<16xf32>
          %scan3A_826 = arith.constant 4 : i32
          %scan3A_827 = arith.addi %scan3A_644, %scan3A_826 : i32
          %add3A_828 = arith.constant 0 : i32
          %add3A_829 = arith.addi %add3A_828, %scan3A_827 : i32
          %get3A_830 = arith.index_cast %add3A_829 : i32 to index
          %get3A_831 = arith.constant 0 : index
          %get3A_832 = tpu.vector_load %arg9[%get3A_830, %get3A_831] {strides = array<i32>} : memref<100x128xf32, #tpu.memory_space<vmem>>, vector<1x16xf32>,
          %get3A_833 = vector.shape_cast %get3A_832 : vector<1x16xf32> to vector<16xf32>
          %add3A_834 = arith.addf %add3A_790, %get3A_833 : vector<16xf32>
          %get3A_835 = arith.index_cast %add3A_829 : i32 to index
          %get3A_836 = arith.constant 16 : index
          %get3A_837 = tpu.vector_load %arg9[%get3A_835, %get3A_836] {strides = array<i32>} : memref<100x128xf32, #tpu.memory_space<vmem>>, vector<1x16xf32>,
          %get3A_838 = vector.shape_cast %get3A_837 : vector<1x16xf32> to vector<16xf32>
          %add3A_839 = arith.addf %add3A_795, %get3A_838 : vector<16xf32>
          %get3A_840 = arith.index_cast %add3A_829 : i32 to index
          %get3A_841 = arith.constant 32 : index
          %get3A_842 = tpu.vector_load %arg9[%get3A_840, %get3A_841] {strides = array<i32>} : memref<100x128xf32, #tpu.memory_space<vmem>>, vector<1x16xf32>,
          %get3A_843 = vector.shape_cast %get3A_842 : vector<1x16xf32> to vector<16xf32>
          %add3A_844 = arith.addf %add3A_800, %get3A_843 : vector<16xf32>
          %get3A_845 = arith.index_cast %add3A_829 : i32 to index
          %get3A_846 = arith.constant 48 : index
          %get3A_847 = tpu.vector_load %arg9[%get3A_845, %get3A_846] {strides = array<i32>} : memref<100x128xf32, #tpu.memory_space<vmem>>, vector<1x16xf32>,
          %get3A_848 = vector.shape_cast %get3A_847 : vector<1x16xf32> to vector<16xf32>
          %add3A_849 = arith.addf %add3A_805, %get3A_848 : vector<16xf32>
          %get3A_850 = arith.index_cast %add3A_829 : i32 to index
          %get3A_851 = arith.constant 64 : index
          %get3A_852 = tpu.vector_load %arg9[%get3A_850, %get3A_851] {strides = array<i32>} : memref<100x128xf32, #tpu.memory_space<vmem>>, vector<1x16xf32>,
          %get3A_853 = vector.shape_cast %get3A_852 : vector<1x16xf32> to vector<16xf32>
          %add3A_854 = arith.addf %add3A_810, %get3A_853 : vector<16xf32>
          %get3A_855 = arith.index_cast %add3A_829 : i32 to index
          %get3A_856 = arith.constant 80 : index
          %get3A_857 = tpu.vector_load %arg9[%get3A_855, %get3A_856] {strides = array<i32>} : memref<100x128xf32, #tpu.memory_space<vmem>>, vector<1x16xf32>,
          %get3A_858 = vector.shape_cast %get3A_857 : vector<1x16xf32> to vector<16xf32>
          %add3A_859 = arith.addf %add3A_815, %get3A_858 : vector<16xf32>
          %get3A_860 = arith.index_cast %add3A_829 : i32 to index
          %get3A_861 = arith.constant 96 : index
          %get3A_862 = tpu.vector_load %arg9[%get3A_860, %get3A_861] {strides = array<i32>} : memref<100x128xf32, #tpu.memory_space<vmem>>, vector<1x16xf32>,
          %get3A_863 = vector.shape_cast %get3A_862 : vector<1x16xf32> to vector<16xf32>
          %add3A_864 = arith.addf %add3A_820, %get3A_863 : vector<16xf32>
          %get3A_865 = arith.index_cast %add3A_829 : i32 to index
          %get3A_866 = arith.constant 112 : index
          %get3A_867 = tpu.vector_load %arg9[%get3A_865, %get3A_866] {strides = array<i32>} : memref<100x128xf32, #tpu.memory_space<vmem>>, vector<1x16xf32>,
          %get3A_868 = vector.shape_cast %get3A_867 : vector<1x16xf32> to vector<16xf32>
          %add3A_869 = arith.addf %add3A_825, %get3A_868 : vector<16xf32>
          scf.yield %add3A_834, %add3A_839, %add3A_844, %add3A_849, %add3A_854, %add3A_859, %add3A_864, %add3A_869 : vector<16xf32>, vector<16xf32>, vector<16xf32>, vector<16xf32>, vector<16xf32>, vector<16xf32>, vector<16xf32>, vector<16xf32>
        }
        %scan3A_523 = arith.constant 50 : i32
        %mul3A_524 = arith.constant 2 : i32
        %mul3A_525 = arith.muli %mul3A_524, %add3A_501 : i32
        %add3A_526 = arith.constant 0 : i32
        %add3A_527 = arith.addi %mul3A_525, %add3A_526 : i32
        %rem3A_528 = arith.constant 64 : i32
        %rem3A_529 = arith.remsi %add3A_527, %rem3A_528 : i32
        %swap3A_530 = arith.index_cast %rem3A_529 : i32 to index
        %swap3A_531 = arith.constant 0 : index
        %swap3A_532 = tpu.vector_load %arg10[%swap3A_530, %swap3A_531] {strides = array<i32>} : memref<64x128xf32, #tpu.memory_space<vmem>>, vector<1x16xf32>,
        %swap3A_533 = vector.shape_cast %swap3A_532 : vector<1x16xf32> to vector<16xf32>
        %swap3A_534 = vector.shape_cast %scan3A_522#0 : vector<16xf32> to vector<1x16xf32>
        tpu.vector_store %arg10[%swap3A_530, %swap3A_531], %swap3A_534 {strides = array<i32>} : memref<64x128xf32, #tpu.memory_space<vmem>>, vector<1x16xf32>,
        %swap3A_535 = arith.index_cast %rem3A_529 : i32 to index
        %swap3A_536 = arith.constant 16 : index
        %swap3A_537 = tpu.vector_load %arg10[%swap3A_535, %swap3A_536] {strides = array<i32>} : memref<64x128xf32, #tpu.memory_space<vmem>>, vector<1x16xf32>,
        %swap3A_538 = vector.shape_cast %swap3A_537 : vector<1x16xf32> to vector<16xf32>
        %swap3A_539 = vector.shape_cast %scan3A_522#1 : vector<16xf32> to vector<1x16xf32>
        tpu.vector_store %arg10[%swap3A_535, %swap3A_536], %swap3A_539 {strides = array<i32>} : memref<64x128xf32, #tpu.memory_space<vmem>>, vector<1x16xf32>,
        %swap3A_540 = arith.index_cast %rem3A_529 : i32 to index
        %swap3A_541 = arith.constant 32 : index
        %swap3A_542 = tpu.vector_load %arg10[%swap3A_540, %swap3A_541] {strides = array<i32>} : memref<64x128xf32, #tpu.memory_space<vmem>>, vector<1x16xf32>,
        %swap3A_543 = vector.shape_cast %swap3A_542 : vector<1x16xf32> to vector<16xf32>
        %swap3A_544 = vector.shape_cast %scan3A_522#2 : vector<16xf32> to vector<1x16xf32>
        tpu.vector_store %arg10[%swap3A_540, %swap3A_541], %swap3A_544 {strides = array<i32>} : memref<64x128xf32, #tpu.memory_space<vmem>>, vector<1x16xf32>,
        %swap3A_545 = arith.index_cast %rem3A_529 : i32 to index
        %swap3A_546 = arith.constant 48 : index
        %swap3A_547 = tpu.vector_load %arg10[%swap3A_545, %swap3A_546] {strides = array<i32>} : memref<64x128xf32, #tpu.memory_space<vmem>>, vector<1x16xf32>,
        %swap3A_548 = vector.shape_cast %swap3A_547 : vector<1x16xf32> to vector<16xf32>
        %swap3A_549 = vector.shape_cast %scan3A_522#3 : vector<16xf32> to vector<1x16xf32>
        tpu.vector_store %arg10[%swap3A_545, %swap3A_546], %swap3A_549 {strides = array<i32>} : memref<64x128xf32, #tpu.memory_space<vmem>>, vector<1x16xf32>,
        %swap3A_550 = arith.index_cast %rem3A_529 : i32 to index
        %swap3A_551 = arith.constant 64 : index
        %swap3A_552 = tpu.vector_load %arg10[%swap3A_550, %swap3A_551] {strides = array<i32>} : memref<64x128xf32, #tpu.memory_space<vmem>>, vector<1x16xf32>,
        %swap3A_553 = vector.shape_cast %swap3A_552 : vector<1x16xf32> to vector<16xf32>
        %swap3A_554 = vector.shape_cast %scan3A_522#4 : vector<16xf32> to vector<1x16xf32>
        tpu.vector_store %arg10[%swap3A_550, %swap3A_551], %swap3A_554 {strides = array<i32>} : memref<64x128xf32, #tpu.memory_space<vmem>>, vector<1x16xf32>,
        %swap3A_555 = arith.index_cast %rem3A_529 : i32 to index
        %swap3A_556 = arith.constant 80 : index
        %swap3A_557 = tpu.vector_load %arg10[%swap3A_555, %swap3A_556] {strides = array<i32>} : memref<64x128xf32, #tpu.memory_space<vmem>>, vector<1x16xf32>,
        %swap3A_558 = vector.shape_cast %swap3A_557 : vector<1x16xf32> to vector<16xf32>
        %swap3A_559 = vector.shape_cast %scan3A_522#5 : vector<16xf32> to vector<1x16xf32>
        tpu.vector_store %arg10[%swap3A_555, %swap3A_556], %swap3A_559 {strides = array<i32>} : memref<64x128xf32, #tpu.memory_space<vmem>>, vector<1x16xf32>,
        %swap3A_560 = arith.index_cast %rem3A_529 : i32 to index
        %swap3A_561 = arith.constant 96 : index
        %swap3A_562 = tpu.vector_load %arg10[%swap3A_560, %swap3A_561] {strides = array<i32>} : memref<64x128xf32, #tpu.memory_space<vmem>>, vector<1x16xf32>,
        %swap3A_563 = vector.shape_cast %swap3A_562 : vector<1x16xf32> to vector<16xf32>
        %swap3A_564 = vector.shape_cast %scan3A_522#6 : vector<16xf32> to vector<1x16xf32>
        tpu.vector_store %arg10[%swap3A_560, %swap3A_561], %swap3A_564 {strides = array<i32>} : memref<64x128xf32, #tpu.memory_space<vmem>>, vector<1x16xf32>,
        %swap3A_565 = arith.index_cast %rem3A_529 : i32 to index
        %swap3A_566 = arith.constant 112 : index
        %swap3A_567 = tpu.vector_load %arg10[%swap3A_565, %swap3A_566] {strides = array<i32>} : memref<64x128xf32, #tpu.memory_space<vmem>>, vector<1x16xf32>,
        %swap3A_568 = vector.shape_cast %swap3A_567 : vector<1x16xf32> to vector<16xf32>
        %swap3A_569 = vector.shape_cast %scan3A_522#7 : vector<16xf32> to vector<1x16xf32>
        tpu.vector_store %arg10[%swap3A_565, %swap3A_566], %swap3A_569 {strides = array<i32>} : memref<64x128xf32, #tpu.memory_space<vmem>>, vector<1x16xf32>,
        %broadcast_in_dim3A_570 = arith.constant 0.000000e+00 : f32
        %broadcast_in_dim3A_571 = vector.broadcast %broadcast_in_dim3A_570 : f32 to vector<16xf32>
        %broadcast_in_dim3A_572 = arith.constant 0.000000e+00 : f32
        %broadcast_in_dim3A_573 = vector.broadcast %broadcast_in_dim3A_572 : f32 to vector<16xf32>
        %broadcast_in_dim3A_574 = arith.constant 0.000000e+00 : f32
        %broadcast_in_dim3A_575 = vector.broadcast %broadcast_in_dim3A_574 : f32 to vector<16xf32>
        %broadcast_in_dim3A_576 = arith.constant 0.000000e+00 : f32
        %broadcast_in_dim3A_577 = vector.broadcast %broadcast_in_dim3A_576 : f32 to vector<16xf32>
        %broadcast_in_dim3A_578 = arith.constant 0.000000e+00 : f32
        %broadcast_in_dim3A_579 = vector.broadcast %broadcast_in_dim3A_578 : f32 to vector<16xf32>
        %broadcast_in_dim3A_580 = arith.constant 0.000000e+00 : f32
        %broadcast_in_dim3A_581 = vector.broadcast %broadcast_in_dim3A_580 : f32 to vector<16xf32>
        %broadcast_in_dim3A_582 = arith.constant 0.000000e+00 : f32
        %broadcast_in_dim3A_583 = vector.broadcast %broadcast_in_dim3A_582 : f32 to vector<16xf32>
        %broadcast_in_dim3A_584 = arith.constant 0.000000e+00 : f32
        %broadcast_in_dim3A_585 = vector.broadcast %broadcast_in_dim3A_584 : f32 to vector<16xf32>
        %scan3A_586 = arith.constant 0 : i32
        %scan3A_587 = arith.constant 50 : i32
        %scan3A_588 = arith.addi %scan3A_586, %scan3A_587 : i32
        %scan3A_589 = arith.constant 5 : i32
        %scan3A_590:8 = scf.for %scan3A_644 = %scan3A_586 to %scan3A_588 step %scan3A_589 iter_args(%scan3A_645 = %broadcast_in_dim3A_571, %scan3A_646 = %broadcast_in_dim3A_573, %scan3A_647 = %broadcast_in_dim3A_575, %scan3A_648 = %broadcast_in_dim3A_577, %scan3A_649 = %broadcast_in_dim3A_579, %scan3A_650 = %broadcast_in_dim3A_581, %scan3A_651 = %broadcast_in_dim3A_583, %scan3A_652 = %broadcast_in_dim3A_585) -> (vector<16xf32>, vector<16xf32>, vector<16xf32>, vector<16xf32>, vector<16xf32>, vector<16xf32>, vector<16xf32>, vector<16xf32>)  : i32 {
          %add3A_653 = arith.constant 50 : i32
          %add3A_654 = arith.addi %add3A_653, %scan3A_644 : i32
          %get3A = arith.index_cast %add3A_654 : i32 to index
          %get3A_655 = arith.constant 0 : index
          %get3A_656 = tpu.vector_load %arg9[%get3A, %get3A_655] {strides = array<i32>} : memref<100x128xf32, #tpu.memory_space<vmem>>, vector<1x16xf32>,
          %get3A_657 = vector.shape_cast %get3A_656 : vector<1x16xf32> to vector<16xf32>
          %add3A_658 = arith.addf %scan3A_645, %get3A_657 : vector<16xf32>
          %get3A_659 = arith.index_cast %add3A_654 : i32 to index
          %get3A_660 = arith.constant 16 : index
          %get3A_661 = tpu.vector_load %arg9[%get3A_659, %get3A_660] {strides = array<i32>} : memref<100x128xf32, #tpu.memory_space<vmem>>, vector<1x16xf32>,
          %get3A_662 = vector.shape_cast %get3A_661 : vector<1x16xf32> to vector<16xf32>
          %add3A_663 = arith.addf %scan3A_646, %get3A_662 : vector<16xf32>
          %get3A_664 = arith.index_cast %add3A_654 : i32 to index
          %get3A_665 = arith.constant 32 : index
          %get3A_666 = tpu.vector_load %arg9[%get3A_664, %get3A_665] {strides = array<i32>} : memref<100x128xf32, #tpu.memory_space<vmem>>, vector<1x16xf32>,
          %get3A_667 = vector.shape_cast %get3A_666 : vector<1x16xf32> to vector<16xf32>
          %add3A_668 = arith.addf %scan3A_647, %get3A_667 : vector<16xf32>
          %get3A_669 = arith.index_cast %add3A_654 : i32 to index
          %get3A_670 = arith.constant 48 : index
          %get3A_671 = tpu.vector_load %arg9[%get3A_669, %get3A_670] {strides = array<i32>} : memref<100x128xf32, #tpu.memory_space<vmem>>, vector<1x16xf32>,
          %get3A_672 = vector.shape_cast %get3A_671 : vector<1x16xf32> to vector<16xf32>
          %add3A_673 = arith.addf %scan3A_648, %get3A_672 : vector<16xf32>
          %get3A_674 = arith.index_cast %add3A_654 : i32 to index
          %get3A_675 = arith.constant 64 : index
          %get3A_676 = tpu.vector_load %arg9[%get3A_674, %get3A_675] {strides = array<i32>} : memref<100x128xf32, #tpu.memory_space<vmem>>, vector<1x16xf32>,
          %get3A_677 = vector.shape_cast %get3A_676 : vector<1x16xf32> to vector<16xf32>
          %add3A_678 = arith.addf %scan3A_649, %get3A_677 : vector<16xf32>
          %get3A_679 = arith.index_cast %add3A_654 : i32 to index
          %get3A_680 = arith.constant 80 : index
          %get3A_681 = tpu.vector_load %arg9[%get3A_679, %get3A_680] {strides = array<i32>} : memref<100x128xf32, #tpu.memory_space<vmem>>, vector<1x16xf32>,
          %get3A_682 = vector.shape_cast %get3A_681 : vector<1x16xf32> to vector<16xf32>
          %add3A_683 = arith.addf %scan3A_650, %get3A_682 : vector<16xf32>
          %get3A_684 = arith.index_cast %add3A_654 : i32 to index
          %get3A_685 = arith.constant 96 : index
          %get3A_686 = tpu.vector_load %arg9[%get3A_684, %get3A_685] {strides = array<i32>} : memref<100x128xf32, #tpu.memory_space<vmem>>, vector<1x16xf32>,
          %get3A_687 = vector.shape_cast %get3A_686 : vector<1x16xf32> to vector<16xf32>
          %add3A_688 = arith.addf %scan3A_651, %get3A_687 : vector<16xf32>
          %get3A_689 = arith.index_cast %add3A_654 : i32 to index
          %get3A_690 = arith.constant 112 : index
          %get3A_691 = tpu.vector_load %arg9[%get3A_689, %get3A_690] {strides = array<i32>} : memref<100x128xf32, #tpu.memory_space<vmem>>, vector<1x16xf32>,
          %get3A_692 = vector.shape_cast %get3A_691 : vector<1x16xf32> to vector<16xf32>
          %add3A_693 = arith.addf %scan3A_652, %get3A_692 : vector<16xf32>
          %scan3A_694 = arith.constant 1 : i32
          %scan3A_695 = arith.addi %scan3A_644, %scan3A_694 : i32
          %add3A_696 = arith.constant 50 : i32
          %add3A_697 = arith.addi %add3A_696, %scan3A_695 : i32
          %get3A_698 = arith.index_cast %add3A_697 : i32 to index
          %get3A_699 = arith.constant 0 : index
          %get3A_700 = tpu.vector_load %arg9[%get3A_698, %get3A_699] {strides = array<i32>} : memref<100x128xf32, #tpu.memory_space<vmem>>, vector<1x16xf32>,
          %get3A_701 = vector.shape_cast %get3A_700 : vector<1x16xf32> to vector<16xf32>
          %add3A_702 = arith.addf %add3A_658, %get3A_701 : vector<16xf32>
          %get3A_703 = arith.index_cast %add3A_697 : i32 to index
          %get3A_704 = arith.constant 16 : index
          %get3A_705 = tpu.vector_load %arg9[%get3A_703, %get3A_704] {strides = array<i32>} : memref<100x128xf32, #tpu.memory_space<vmem>>, vector<1x16xf32>,
          %get3A_706 = vector.shape_cast %get3A_705 : vector<1x16xf32> to vector<16xf32>
          %add3A_707 = arith.addf %add3A_663, %get3A_706 : vector<16xf32>
          %get3A_708 = arith.index_cast %add3A_697 : i32 to index
          %get3A_709 = arith.constant 32 : index
          %get3A_710 = tpu.vector_load %arg9[%get3A_708, %get3A_709] {strides = array<i32>} : memref<100x128xf32, #tpu.memory_space<vmem>>, vector<1x16xf32>,
          %get3A_711 = vector.shape_cast %get3A_710 : vector<1x16xf32> to vector<16xf32>
          %add3A_712 = arith.addf %add3A_668, %get3A_711 : vector<16xf32>
          %get3A_713 = arith.index_cast %add3A_697 : i32 to index
          %get3A_714 = arith.constant 48 : index
          %get3A_715 = tpu.vector_load %arg9[%get3A_713, %get3A_714] {strides = array<i32>} : memref<100x128xf32, #tpu.memory_space<vmem>>, vector<1x16xf32>,
          %get3A_716 = vector.shape_cast %get3A_715 : vector<1x16xf32> to vector<16xf32>
          %add3A_717 = arith.addf %add3A_673, %get3A_716 : vector<16xf32>
          %get3A_718 = arith.index_cast %add3A_697 : i32 to index
          %get3A_719 = arith.constant 64 : index
          %get3A_720 = tpu.vector_load %arg9[%get3A_718, %get3A_719] {strides = array<i32>} : memref<100x128xf32, #tpu.memory_space<vmem>>, vector<1x16xf32>,
          %get3A_721 = vector.shape_cast %get3A_720 : vector<1x16xf32> to vector<16xf32>
          %add3A_722 = arith.addf %add3A_678, %get3A_721 : vector<16xf32>
          %get3A_723 = arith.index_cast %add3A_697 : i32 to index
          %get3A_724 = arith.constant 80 : index
          %get3A_725 = tpu.vector_load %arg9[%get3A_723, %get3A_724] {strides = array<i32>} : memref<100x128xf32, #tpu.memory_space<vmem>>, vector<1x16xf32>,
          %get3A_726 = vector.shape_cast %get3A_725 : vector<1x16xf32> to vector<16xf32>
          %add3A_727 = arith.addf %add3A_683, %get3A_726 : vector<16xf32>
          %get3A_728 = arith.index_cast %add3A_697 : i32 to index
          %get3A_729 = arith.constant 96 : index
          %get3A_730 = tpu.vector_load %arg9[%get3A_728, %get3A_729] {strides = array<i32>} : memref<100x128xf32, #tpu.memory_space<vmem>>, vector<1x16xf32>,
          %get3A_731 = vector.shape_cast %get3A_730 : vector<1x16xf32> to vector<16xf32>
          %add3A_732 = arith.addf %add3A_688, %get3A_731 : vector<16xf32>
          %get3A_733 = arith.index_cast %add3A_697 : i32 to index
          %get3A_734 = arith.constant 112 : index
          %get3A_735 = tpu.vector_load %arg9[%get3A_733, %get3A_734] {strides = array<i32>} : memref<100x128xf32, #tpu.memory_space<vmem>>, vector<1x16xf32>,
          %get3A_736 = vector.shape_cast %get3A_735 : vector<1x16xf32> to vector<16xf32>
          %add3A_737 = arith.addf %add3A_693, %get3A_736 : vector<16xf32>
          %scan3A_738 = arith.constant 2 : i32
          %scan3A_739 = arith.addi %scan3A_644, %scan3A_738 : i32
          %add3A_740 = arith.constant 50 : i32
          %add3A_741 = arith.addi %add3A_740, %scan3A_739 : i32
          %get3A_742 = arith.index_cast %add3A_741 : i32 to index
          %get3A_743 = arith.constant 0 : index
          %get3A_744 = tpu.vector_load %arg9[%get3A_742, %get3A_743] {strides = array<i32>} : memref<100x128xf32, #tpu.memory_space<vmem>>, vector<1x16xf32>,
          %get3A_745 = vector.shape_cast %get3A_744 : vector<1x16xf32> to vector<16xf32>
          %add3A_746 = arith.addf %add3A_702, %get3A_745 : vector<16xf32>
          %get3A_747 = arith.index_cast %add3A_741 : i32 to index
          %get3A_748 = arith.constant 16 : index
          %get3A_749 = tpu.vector_load %arg9[%get3A_747, %get3A_748] {strides = array<i32>} : memref<100x128xf32, #tpu.memory_space<vmem>>, vector<1x16xf32>,
          %get3A_750 = vector.shape_cast %get3A_749 : vector<1x16xf32> to vector<16xf32>
          %add3A_751 = arith.addf %add3A_707, %get3A_750 : vector<16xf32>
          %get3A_752 = arith.index_cast %add3A_741 : i32 to index
          %get3A_753 = arith.constant 32 : index
          %get3A_754 = tpu.vector_load %arg9[%get3A_752, %get3A_753] {strides = array<i32>} : memref<100x128xf32, #tpu.memory_space<vmem>>, vector<1x16xf32>,
          %get3A_755 = vector.shape_cast %get3A_754 : vector<1x16xf32> to vector<16xf32>
          %add3A_756 = arith.addf %add3A_712, %get3A_755 : vector<16xf32>
          %get3A_757 = arith.index_cast %add3A_741 : i32 to index
          %get3A_758 = arith.constant 48 : index
          %get3A_759 = tpu.vector_load %arg9[%get3A_757, %get3A_758] {strides = array<i32>} : memref<100x128xf32, #tpu.memory_space<vmem>>, vector<1x16xf32>,
          %get3A_760 = vector.shape_cast %get3A_759 : vector<1x16xf32> to vector<16xf32>
          %add3A_761 = arith.addf %add3A_717, %get3A_760 : vector<16xf32>
          %get3A_762 = arith.index_cast %add3A_741 : i32 to index
          %get3A_763 = arith.constant 64 : index
          %get3A_764 = tpu.vector_load %arg9[%get3A_762, %get3A_763] {strides = array<i32>} : memref<100x128xf32, #tpu.memory_space<vmem>>, vector<1x16xf32>,
          %get3A_765 = vector.shape_cast %get3A_764 : vector<1x16xf32> to vector<16xf32>
          %add3A_766 = arith.addf %add3A_722, %get3A_765 : vector<16xf32>
          %get3A_767 = arith.index_cast %add3A_741 : i32 to index
          %get3A_768 = arith.constant 80 : index
          %get3A_769 = tpu.vector_load %arg9[%get3A_767, %get3A_768] {strides = array<i32>} : memref<100x128xf32, #tpu.memory_space<vmem>>, vector<1x16xf32>,
          %get3A_770 = vector.shape_cast %get3A_769 : vector<1x16xf32> to vector<16xf32>
          %add3A_771 = arith.addf %add3A_727, %get3A_770 : vector<16xf32>
          %get3A_772 = arith.index_cast %add3A_741 : i32 to index
          %get3A_773 = arith.constant 96 : index
          %get3A_774 = tpu.vector_load %arg9[%get3A_772, %get3A_773] {strides = array<i32>} : memref<100x128xf32, #tpu.memory_space<vmem>>, vector<1x16xf32>,
          %get3A_775 = vector.shape_cast %get3A_774 : vector<1x16xf32> to vector<16xf32>
          %add3A_776 = arith.addf %add3A_732, %get3A_775 : vector<16xf32>
          %get3A_777 = arith.index_cast %add3A_741 : i32 to index
          %get3A_778 = arith.constant 112 : index
          %get3A_779 = tpu.vector_load %arg9[%get3A_777, %get3A_778] {strides = array<i32>} : memref<100x128xf32, #tpu.memory_space<vmem>>, vector<1x16xf32>,
          %get3A_780 = vector.shape_cast %get3A_779 : vector<1x16xf32> to vector<16xf32>
          %add3A_781 = arith.addf %add3A_737, %get3A_780 : vector<16xf32>
          %scan3A_782 = arith.constant 3 : i32
          %scan3A_783 = arith.addi %scan3A_644, %scan3A_782 : i32
          %add3A_784 = arith.constant 50 : i32
          %add3A_785 = arith.addi %add3A_784, %scan3A_783 : i32
          %get3A_786 = arith.index_cast %add3A_785 : i32 to index
          %get3A_787 = arith.constant 0 : index
          %get3A_788 = tpu.vector_load %arg9[%get3A_786, %get3A_787] {strides = array<i32>} : memref<100x128xf32, #tpu.memory_space<vmem>>, vector<1x16xf32>,
          %get3A_789 = vector.shape_cast %get3A_788 : vector<1x16xf32> to vector<16xf32>
          %add3A_790 = arith.addf %add3A_746, %get3A_789 : vector<16xf32>
          %get3A_791 = arith.index_cast %add3A_785 : i32 to index
          %get3A_792 = arith.constant 16 : index
          %get3A_793 = tpu.vector_load %arg9[%get3A_791, %get3A_792] {strides = array<i32>} : memref<100x128xf32, #tpu.memory_space<vmem>>, vector<1x16xf32>,
          %get3A_794 = vector.shape_cast %get3A_793 : vector<1x16xf32> to vector<16xf32>
          %add3A_795 = arith.addf %add3A_751, %get3A_794 : vector<16xf32>
          %get3A_796 = arith.index_cast %add3A_785 : i32 to index
          %get3A_797 = arith.constant 32 : index
          %get3A_798 = tpu.vector_load %arg9[%get3A_796, %get3A_797] {strides = array<i32>} : memref<100x128xf32, #tpu.memory_space<vmem>>, vector<1x16xf32>,
          %get3A_799 = vector.shape_cast %get3A_798 : vector<1x16xf32> to vector<16xf32>
          %add3A_800 = arith.addf %add3A_756, %get3A_799 : vector<16xf32>
          %get3A_801 = arith.index_cast %add3A_785 : i32 to index
          %get3A_802 = arith.constant 48 : index
          %get3A_803 = tpu.vector_load %arg9[%get3A_801, %get3A_802] {strides = array<i32>} : memref<100x128xf32, #tpu.memory_space<vmem>>, vector<1x16xf32>,
          %get3A_804 = vector.shape_cast %get3A_803 : vector<1x16xf32> to vector<16xf32>
          %add3A_805 = arith.addf %add3A_761, %get3A_804 : vector<16xf32>
          %get3A_806 = arith.index_cast %add3A_785 : i32 to index
          %get3A_807 = arith.constant 64 : index
          %get3A_808 = tpu.vector_load %arg9[%get3A_806, %get3A_807] {strides = array<i32>} : memref<100x128xf32, #tpu.memory_space<vmem>>, vector<1x16xf32>,
          %get3A_809 = vector.shape_cast %get3A_808 : vector<1x16xf32> to vector<16xf32>
          %add3A_810 = arith.addf %add3A_766, %get3A_809 : vector<16xf32>
          %get3A_811 = arith.index_cast %add3A_785 : i32 to index
          %get3A_812 = arith.constant 80 : index
          %get3A_813 = tpu.vector_load %arg9[%get3A_811, %get3A_812] {strides = array<i32>} : memref<100x128xf32, #tpu.memory_space<vmem>>, vector<1x16xf32>,
          %get3A_814 = vector.shape_cast %get3A_813 : vector<1x16xf32> to vector<16xf32>
          %add3A_815 = arith.addf %add3A_771, %get3A_814 : vector<16xf32>
          %get3A_816 = arith.index_cast %add3A_785 : i32 to index
          %get3A_817 = arith.constant 96 : index
          %get3A_818 = tpu.vector_load %arg9[%get3A_816, %get3A_817] {strides = array<i32>} : memref<100x128xf32, #tpu.memory_space<vmem>>, vector<1x16xf32>,
          %get3A_819 = vector.shape_cast %get3A_818 : vector<1x16xf32> to vector<16xf32>
          %add3A_820 = arith.addf %add3A_776, %get3A_819 : vector<16xf32>
          %get3A_821 = arith.index_cast %add3A_785 : i32 to index
          %get3A_822 = arith.constant 112 : index
          %get3A_823 = tpu.vector_load %arg9[%get3A_821, %get3A_822] {strides = array<i32>} : memref<100x128xf32, #tpu.memory_space<vmem>>, vector<1x16xf32>,
          %get3A_824 = vector.shape_cast %get3A_823 : vector<1x16xf32> to vector<16xf32>
          %add3A_825 = arith.addf %add3A_781, %get3A_824 : vector<16xf32>
          %scan3A_826 = arith.constant 4 : i32
          %scan3A_827 = arith.addi %scan3A_644, %scan3A_826 : i32
          %add3A_828 = arith.constant 50 : i32
          %add3A_829 = arith.addi %add3A_828, %scan3A_827 : i32
          %get3A_830 = arith.index_cast %add3A_829 : i32 to index
          %get3A_831 = arith.constant 0 : index
          %get3A_832 = tpu.vector_load %arg9[%get3A_830, %get3A_831] {strides = array<i32>} : memref<100x128xf32, #tpu.memory_space<vmem>>, vector<1x16xf32>,
          %get3A_833 = vector.shape_cast %get3A_832 : vector<1x16xf32> to vector<16xf32>
          %add3A_834 = arith.addf %add3A_790, %get3A_833 : vector<16xf32>
          %get3A_835 = arith.index_cast %add3A_829 : i32 to index
          %get3A_836 = arith.constant 16 : index
          %get3A_837 = tpu.vector_load %arg9[%get3A_835, %get3A_836] {strides = array<i32>} : memref<100x128xf32, #tpu.memory_space<vmem>>, vector<1x16xf32>,
          %get3A_838 = vector.shape_cast %get3A_837 : vector<1x16xf32> to vector<16xf32>
          %add3A_839 = arith.addf %add3A_795, %get3A_838 : vector<16xf32>
          %get3A_840 = arith.index_cast %add3A_829 : i32 to index
          %get3A_841 = arith.constant 32 : index
          %get3A_842 = tpu.vector_load %arg9[%get3A_840, %get3A_841] {strides = array<i32>} : memref<100x128xf32, #tpu.memory_space<vmem>>, vector<1x16xf32>,
          %get3A_843 = vector.shape_cast %get3A_842 : vector<1x16xf32> to vector<16xf32>
          %add3A_844 = arith.addf %add3A_800, %get3A_843 : vector<16xf32>
          %get3A_845 = arith.index_cast %add3A_829 : i32 to index
          %get3A_846 = arith.constant 48 : index
          %get3A_847 = tpu.vector_load %arg9[%get3A_845, %get3A_846] {strides = array<i32>} : memref<100x128xf32, #tpu.memory_space<vmem>>, vector<1x16xf32>,
          %get3A_848 = vector.shape_cast %get3A_847 : vector<1x16xf32> to vector<16xf32>
          %add3A_849 = arith.addf %add3A_805, %get3A_848 : vector<16xf32>
          %get3A_850 = arith.index_cast %add3A_829 : i32 to index
          %get3A_851 = arith.constant 64 : index
          %get3A_852 = tpu.vector_load %arg9[%get3A_850, %get3A_851] {strides = array<i32>} : memref<100x128xf32, #tpu.memory_space<vmem>>, vector<1x16xf32>,
          %get3A_853 = vector.shape_cast %get3A_852 : vector<1x16xf32> to vector<16xf32>
          %add3A_854 = arith.addf %add3A_810, %get3A_853 : vector<16xf32>
          %get3A_855 = arith.index_cast %add3A_829 : i32 to index
          %get3A_856 = arith.constant 80 : index
          %get3A_857 = tpu.vector_load %arg9[%get3A_855, %get3A_856] {strides = array<i32>} : memref<100x128xf32, #tpu.memory_space<vmem>>, vector<1x16xf32>,
          %get3A_858 = vector.shape_cast %get3A_857 : vector<1x16xf32> to vector<16xf32>
          %add3A_859 = arith.addf %add3A_815, %get3A_858 : vector<16xf32>
          %get3A_860 = arith.index_cast %add3A_829 : i32 to index
          %get3A_861 = arith.constant 96 : index
          %get3A_862 = tpu.vector_load %arg9[%get3A_860, %get3A_861] {strides = array<i32>} : memref<100x128xf32, #tpu.memory_space<vmem>>, vector<1x16xf32>,
          %get3A_863 = vector.shape_cast %get3A_862 : vector<1x16xf32> to vector<16xf32>
          %add3A_864 = arith.addf %add3A_820, %get3A_863 : vector<16xf32>
          %get3A_865 = arith.index_cast %add3A_829 : i32 to index
          %get3A_866 = arith.constant 112 : index
          %get3A_867 = tpu.vector_load %arg9[%get3A_865, %get3A_866] {strides = array<i32>} : memref<100x128xf32, #tpu.memory_space<vmem>>, vector<1x16xf32>,
          %get3A_868 = vector.shape_cast %get3A_867 : vector<1x16xf32> to vector<16xf32>
          %add3A_869 = arith.addf %add3A_825, %get3A_868 : vector<16xf32>
          scf.yield %add3A_834, %add3A_839, %add3A_844, %add3A_849, %add3A_854, %add3A_859, %add3A_864, %add3A_869 : vector<16xf32>, vector<16xf32>, vector<16xf32>, vector<16xf32>, vector<16xf32>, vector<16xf32>, vector<16xf32>, vector<16xf32>
        }
        %scan3A_591 = arith.constant 50 : i32
        %mul3A_592 = arith.constant 2 : i32
        %mul3A_593 = arith.muli %mul3A_592, %add3A_501 : i32
        %add3A_594 = arith.constant 1 : i32
        %add3A_595 = arith.addi %mul3A_593, %add3A_594 : i32
        %rem3A_596 = arith.constant 64 : i32
        %rem3A_597 = arith.remsi %add3A_595, %rem3A_596 : i32
        %swap3A_598 = arith.index_cast %rem3A_597 : i32 to index
        %swap3A_599 = arith.constant 0 : index
        %swap3A_600 = tpu.vector_load %arg10[%swap3A_598, %swap3A_599] {strides = array<i32>} : memref<64x128xf32, #tpu.memory_space<vmem>>, vector<1x16xf32>,
        %swap3A_601 = vector.shape_cast %swap3A_600 : vector<1x16xf32> to vector<16xf32>
        %swap3A_602 = vector.shape_cast %scan3A_590#0 : vector<16xf32> to vector<1x16xf32>
        tpu.vector_store %arg10[%swap3A_598, %swap3A_599], %swap3A_602 {strides = array<i32>} : memref<64x128xf32, #tpu.memory_space<vmem>>, vector<1x16xf32>,
        %swap3A_603 = arith.index_cast %rem3A_597 : i32 to index
        %swap3A_604 = arith.constant 16 : index
        %swap3A_605 = tpu.vector_load %arg10[%swap3A_603, %swap3A_604] {strides = array<i32>} : memref<64x128xf32, #tpu.memory_space<vmem>>, vector<1x16xf32>,
        %swap3A_606 = vector.shape_cast %swap3A_605 : vector<1x16xf32> to vector<16xf32>
        %swap3A_607 = vector.shape_cast %scan3A_590#1 : vector<16xf32> to vector<1x16xf32>
        tpu.vector_store %arg10[%swap3A_603, %swap3A_604], %swap3A_607 {strides = array<i32>} : memref<64x128xf32, #tpu.memory_space<vmem>>, vector<1x16xf32>,
        %swap3A_608 = arith.index_cast %rem3A_597 : i32 to index
        %swap3A_609 = arith.constant 32 : index
        %swap3A_610 = tpu.vector_load %arg10[%swap3A_608, %swap3A_609] {strides = array<i32>} : memref<64x128xf32, #tpu.memory_space<vmem>>, vector<1x16xf32>,
        %swap3A_611 = vector.shape_cast %swap3A_610 : vector<1x16xf32> to vector<16xf32>
        %swap3A_612 = vector.shape_cast %scan3A_590#2 : vector<16xf32> to vector<1x16xf32>
        tpu.vector_store %arg10[%swap3A_608, %swap3A_609], %swap3A_612 {strides = array<i32>} : memref<64x128xf32, #tpu.memory_space<vmem>>, vector<1x16xf32>,
        %swap3A_613 = arith.index_cast %rem3A_597 : i32 to index
        %swap3A_614 = arith.constant 48 : index
        %swap3A_615 = tpu.vector_load %arg10[%swap3A_613, %swap3A_614] {strides = array<i32>} : memref<64x128xf32, #tpu.memory_space<vmem>>, vector<1x16xf32>,
        %swap3A_616 = vector.shape_cast %swap3A_615 : vector<1x16xf32> to vector<16xf32>
        %swap3A_617 = vector.shape_cast %scan3A_590#3 : vector<16xf32> to vector<1x16xf32>
        tpu.vector_store %arg10[%swap3A_613, %swap3A_614], %swap3A_617 {strides = array<i32>} : memref<64x128xf32, #tpu.memory_space<vmem>>, vector<1x16xf32>,
        %swap3A_618 = arith.index_cast %rem3A_597 : i32 to index
        %swap3A_619 = arith.constant 64 : index
        %swap3A_620 = tpu.vector_load %arg10[%swap3A_618, %swap3A_619] {strides = array<i32>} : memref<64x128xf32, #tpu.memory_space<vmem>>, vector<1x16xf32>,
        %swap3A_621 = vector.shape_cast %swap3A_620 : vector<1x16xf32> to vector<16xf32>
        %swap3A_622 = vector.shape_cast %scan3A_590#4 : vector<16xf32> to vector<1x16xf32>
        tpu.vector_store %arg10[%swap3A_618, %swap3A_619], %swap3A_622 {strides = array<i32>} : memref<64x128xf32, #tpu.memory_space<vmem>>, vector<1x16xf32>,
        %swap3A_623 = arith.index_cast %rem3A_597 : i32 to index
        %swap3A_624 = arith.constant 80 : index
        %swap3A_625 = tpu.vector_load %arg10[%swap3A_623, %swap3A_624] {strides = array<i32>} : memref<64x128xf32, #tpu.memory_space<vmem>>, vector<1x16xf32>,
        %swap3A_626 = vector.shape_cast %swap3A_625 : vector<1x16xf32> to vector<16xf32>
        %swap3A_627 = vector.shape_cast %scan3A_590#5 : vector<16xf32> to vector<1x16xf32>
        tpu.vector_store %arg10[%swap3A_623, %swap3A_624], %swap3A_627 {strides = array<i32>} : memref<64x128xf32, #tpu.memory_space<vmem>>, vector<1x16xf32>,
        %swap3A_628 = arith.index_cast %rem3A_597 : i32 to index
        %swap3A_629 = arith.constant 96 : index
        %swap3A_630 = tpu.vector_load %arg10[%swap3A_628, %swap3A_629] {strides = array<i32>} : memref<64x128xf32, #tpu.memory_space<vmem>>, vector<1x16xf32>,
        %swap3A_631 = vector.shape_cast %swap3A_630 : vector<1x16xf32> to vector<16xf32>
        %swap3A_632 = vector.shape_cast %scan3A_590#6 : vector<16xf32> to vector<1x16xf32>
        tpu.vector_store %arg10[%swap3A_628, %swap3A_629], %swap3A_632 {strides = array<i32>} : memref<64x128xf32, #tpu.memory_space<vmem>>, vector<1x16xf32>,
        %swap3A_633 = arith.index_cast %rem3A_597 : i32 to index
        %swap3A_634 = arith.constant 112 : index
        %swap3A_635 = tpu.vector_load %arg10[%swap3A_633, %swap3A_634] {strides = array<i32>} : memref<64x128xf32, #tpu.memory_space<vmem>>, vector<1x16xf32>,
        %swap3A_636 = vector.shape_cast %swap3A_635 : vector<1x16xf32> to vector<16xf32>
        %swap3A_637 = vector.shape_cast %scan3A_590#7 : vector<16xf32> to vector<1x16xf32>
        tpu.vector_store %arg10[%swap3A_633, %swap3A_634], %swap3A_637 {strides = array<i32>} : memref<64x128xf32, #tpu.memory_space<vmem>>, vector<1x16xf32>,
        %lt3A_638 = arith.constant 63 : i32
        %lt3A_639 = arith.cmpi slt, %add3A_53, %lt3A_638 : i32
        %convert_element_type3A_640 = arith.extui %lt3A_639 : i1 to i32
        %cond3A_641 = arith.constant 0 : i32
        %cond3A_642 = arith.cmpi ne, %convert_element_type3A_640, %cond3A_641 : i32
        scf.if %cond3A_642 {
          %add3A_644 = arith.constant 2 : i32
          %add3A_645 = arith.addi %mul3A_55, %add3A_644 : i32
          %add3A_646 = arith.constant 4 : i32
          %add3A_647 = arith.addi %add3A_645, %add3A_646 : i32
          %dma_start3A_648 = arith.constant 0 : i32
          %dma_start3A_649 = tpu.memref_slice %arg5[%add3A_647, %dma_start3A_648] : memref<256x100xi32, #tpu.memory_space<vmem>> -> memref<1x100xi32, #tpu.memory_space<vmem>>
          %dma_start3A_650 = tpu.memref_squeeze %dma_start3A_649 : memref<1x100xi32, #tpu.memory_space<vmem>> -> memref<100xi32, #tpu.memory_space<vmem>>
          %dma_start3A_651 = arith.constant 0 : i32
          %dma_start3A_652 = arith.constant 0 : i32
          %dma_start3A_653 = tpu.memref_slice %arg3[%dma_start3A_651, %dma_start3A_652] : memref<1000000x128xf32, #tpu.memory_space<hbm>> -> memref<1000000x128xf32, #tpu.memory_space<hbm>>
          tpu.enqueue_indirect_dma source(%dma_start3A_653 : memref<1000000x128xf32, #tpu.memory_space<hbm>>) target(%arg8 : memref<100x128xf32, #tpu.memory_space<vmem>>) offsets(%dma_start3A_650 : memref<100xi32, #tpu.memory_space<vmem>>) semaphore(%arg12 : memref<!tpu.dma_semaphore, #tpu.memory_space<semaphore_mem>>)
          %add3A_654 = arith.constant 3 : i32
          %add3A_655 = arith.addi %mul3A_55, %add3A_654 : i32
          %add3A_656 = arith.constant 4 : i32
          %add3A_657 = arith.addi %add3A_655, %add3A_656 : i32
          %dma_start3A_658 = arith.constant 0 : i32
          %dma_start3A_659 = tpu.memref_slice %arg5[%add3A_657, %dma_start3A_658] : memref<256x100xi32, #tpu.memory_space<vmem>> -> memref<1x100xi32, #tpu.memory_space<vmem>>
          %dma_start3A_660 = tpu.memref_squeeze %dma_start3A_659 : memref<1x100xi32, #tpu.memory_space<vmem>> -> memref<100xi32, #tpu.memory_space<vmem>>
          %dma_start3A_661 = arith.constant 0 : i32
          %dma_start3A_662 = arith.constant 0 : i32
          %dma_start3A_663 = tpu.memref_slice %arg3[%dma_start3A_661, %dma_start3A_662] : memref<1000000x128xf32, #tpu.memory_space<hbm>> -> memref<1000000x128xf32, #tpu.memory_space<hbm>>
          tpu.enqueue_indirect_dma source(%dma_start3A_663 : memref<1000000x128xf32, #tpu.memory_space<hbm>>) target(%arg9 : memref<100x128xf32, #tpu.memory_space<vmem>>) offsets(%dma_start3A_660 : memref<100xi32, #tpu.memory_space<vmem>>) semaphore(%arg12 : memref<!tpu.dma_semaphore, #tpu.memory_space<semaphore_mem>>)
        } else {
        }
        %scan3A_643 = arith.constant 0 : i32
        scf.yield %scan3A_643 : i32
      }
      %scan3A_42 = arith.constant 8 : i32
      %mul3A_43 = arith.constant 512 : i32
      %mul3A_44 = arith.muli %add3A, %mul3A_43 : i32
      %mul3A_45 = arith.constant 64 : i32
      %mul3A_46 = arith.muli %scan3A_34, %mul3A_45 : i32
      %add3A_47 = arith.addi %mul3A_44, %mul3A_46 : i32
      "tpu.region"() ({
        %run_scoped3A = tpu.sem_alloc : memref<!tpu.dma_semaphore, #tpu.memory_space<semaphore_mem>>
        %dma_start3A_49 = arith.constant 0 : i32
        %dma_start3A_50 = tpu.memref_slice %arg4[%add3A_47, %dma_start3A_49] : memref<16384x128xf32, #tpu.memory_space<hbm>> -> memref<64x128xf32, #tpu.memory_space<hbm>>
        %dma_start3A_51 = arith.constant 0 : i32
        %dma_start3A_52 = tpu.memref_slice %arg4[%add3A_47, %dma_start3A_51] : memref<16384x128xf32, #tpu.memory_space<hbm>> -> memref<64x128xf32, #tpu.memory_space<hbm>>
        tpu.enqueue_dma source(%arg10 : memref<64x128xf32, #tpu.memory_space<vmem>>) target(%dma_start3A_52 : memref<64x128xf32, #tpu.memory_space<hbm>>) target_semaphore(%run_scoped3A : memref<!tpu.dma_semaphore, #tpu.memory_space<semaphore_mem>>)
        %dma_wait3A = arith.constant 0 : i32
        %dma_wait3A_53 = tpu.memref_slice %arg4[%add3A_47, %dma_wait3A] : memref<16384x128xf32, #tpu.memory_space<hbm>> -> memref<64x128xf32, #tpu.memory_space<hbm>>
        %dma_wait3A_54 = arith.constant 0 : i32
        %dma_wait3A_55 = tpu.memref_slice %arg4[%add3A_47, %dma_wait3A_54] : memref<16384x128xf32, #tpu.memory_space<hbm>> -> memref<64x128xf32, #tpu.memory_space<hbm>>
        tpu.wait_dma2 semaphore(%run_scoped3A : memref<!tpu.dma_semaphore, #tpu.memory_space<semaphore_mem>>) src(%arg10 : memref<64x128xf32, #tpu.memory_space<vmem>>) dst(%dma_wait3A_55 : memref<64x128xf32, #tpu.memory_space<hbm>>)
        tpu.yield
      }) : () -> ()
      %scan3A_48 = arith.constant 0 : i32
      scf.yield %scan3A_48 : i32
    }
    %scan3A_33 = arith.constant 8 : i32
    return
  }
}

module attributes {stable_mosaic.version = 14 : i64} {
  func.func @_fold_w1_body(%arg0: i32, %arg1: memref<64x16384xf32, #tpu.memory_space<vmem>>, %arg2: memref<64x128xf32, #tpu.memory_space<vmem>>, %arg3: memref<16384x128xf32, #tpu.memory_space<vmem>>) attributes {dimension_semantics = [#tpu.dimension_semantics<arbitrary>], iteration_bounds = array<i64: 62>, scalar_prefetch = 0 : i64, scratch_operands = 0 : i64, tpu.core_type = #tpu.core_type<tc>, window_params = [{transform_indices = @transform_0, window_bounds = array<i64: 64, 16384>}, {pipeline_mode = #tpu.pipeline_mode<synchronous>, transform_indices = @transform_1, window_bounds = array<i64: 64, 128>}, {transform_indices = @transform_2, window_bounds = array<i64: 16384, 128>}]} {
    %get3A = arith.constant 0 : index
    %get3A_0 = arith.constant 0 : index
    %get3A_1 = vector.load %arg1[%get3A, %get3A_0] : memref<64x16384xf32, #tpu.memory_space<vmem>>, vector<64x16384xf32>
    %get3A_2 = arith.constant 0 : index
    %get3A_3 = arith.constant 0 : index
    %get3A_4 = vector.load %arg2[%get3A_2, %get3A_3] : memref<64x128xf32, #tpu.memory_space<vmem>>, vector<64x128xf32>
    %dot_general3A = arith.constant dense<0.000000e+00> : vector<16384x128xf32>
    %dot_general3A_5 = tpu.matmul %get3A_1, %get3A_4, %dot_general3A {dimension_numbers = #tpu.dot_dimension_numbers<[0], [0], [1], [1], [0, 1, 1, 1], [], []>, transpose_lhs_hint = true} : vector<64x16384xf32>, vector<64x128xf32>, vector<16384x128xf32> -> vector<16384x128xf32>
    %swap3A = arith.constant 0 : index
    %swap3A_6 = arith.constant 0 : index
    %swap3A_7 = vector.load %arg3[%swap3A, %swap3A_6] : memref<16384x128xf32, #tpu.memory_space<vmem>>, vector<16384x128xf32>
    tpu.vector_store %arg3[%swap3A, %swap3A_6], %dot_general3A_5 {strides = array<i32>} : memref<16384x128xf32, #tpu.memory_space<vmem>>, vector<16384x128xf32>,
    return
  }
  func.func @transform_0(%arg0: i32) -> (i32, i32) {
    %c0_i32 = arith.constant 0 : i32
    %c0_i32_0 = arith.constant 0 : i32
    return %c0_i32, %arg0 : i32, i32
  }
  func.func @transform_1(%arg0: i32) -> (i32, i32) {
    %c0_i32 = arith.constant 0 : i32
    %c0_i32_0 = arith.constant 0 : i32
    %c0_i32_1 = arith.constant 0 : i32
    return %c0_i32, %c0_i32_0 : i32, i32
  }
  func.func @transform_2(%arg0: i32) -> (i32, i32) {
    %c0_i32 = arith.constant 0 : i32
    %c0_i32_0 = arith.constant 0 : i32
    return %arg0, %c0_i32 : i32, i32
  }
}

module attributes {stable_mosaic.version = 14 : i64} {
  func.func @_mlp_body(%arg0: i32, %arg1: memref<2048x128xf32, #tpu.memory_space<vmem>>, %arg2: memref<1x128xf32, #tpu.memory_space<vmem>>, %arg3: memref<128x128xf32, #tpu.memory_space<vmem>>, %arg4: memref<1x128xf32, #tpu.memory_space<vmem>>, %arg5: memref<128x64xf32, #tpu.memory_space<vmem>>, %arg6: memref<1x64xf32, #tpu.memory_space<vmem>>, %arg7: memref<2048x64xf32, #tpu.memory_space<vmem>>) attributes {dimension_semantics = [#tpu.dimension_semantics<arbitrary>], iteration_bounds = array<i64: 8>, scalar_prefetch = 0 : i64, scratch_operands = 0 : i64, tpu.core_type = #tpu.core_type<tc>, window_params = [{transform_indices = @transform_0, window_bounds = array<i64: 2048, 128>}, {pipeline_mode = #tpu.pipeline_mode<synchronous>, transform_indices = @transform_1, window_bounds = array<i64: 1, 128>}, {pipeline_mode = #tpu.pipeline_mode<synchronous>, transform_indices = @transform_2, window_bounds = array<i64: 128, 128>}, {pipeline_mode = #tpu.pipeline_mode<synchronous>, transform_indices = @transform_3, window_bounds = array<i64: 1, 128>}, {pipeline_mode = #tpu.pipeline_mode<synchronous>, transform_indices = @transform_4, window_bounds = array<i64: 128, 64>}, {pipeline_mode = #tpu.pipeline_mode<synchronous>, transform_indices = @transform_5, window_bounds = array<i64: 1, 64>}, {transform_indices = @transform_6, window_bounds = array<i64: 2048, 64>}]} {
    %get3A = arith.constant 0 : index
    %get3A_0 = arith.constant 0 : index
    %get3A_1 = vector.load %arg1[%get3A, %get3A_0] : memref<2048x128xf32, #tpu.memory_space<vmem>>, vector<2048x128xf32>
    %get3A_2 = arith.constant 0 : index
    %get3A_3 = arith.constant 0 : index
    %get3A_4 = vector.load %arg2[%get3A_2, %get3A_3] : memref<1x128xf32, #tpu.memory_space<vmem>>, vector<1x128xf32>
    %add3A = vector.broadcast %get3A_4 : vector<1x128xf32> to vector<2048x128xf32>
    %add3A_5 = arith.addf %get3A_1, %add3A : vector<2048x128xf32>
    %max3A = arith.constant 0.000000e+00 : f32
    %max3A_6 = vector.broadcast %max3A : f32 to vector<2048x128xf32>
    %max3A_7 = arith.maximumf %add3A_5, %max3A_6 : vector<2048x128xf32>
    %get3A_8 = arith.constant 0 : index
    %get3A_9 = arith.constant 0 : index
    %get3A_10 = vector.load %arg3[%get3A_8, %get3A_9] : memref<128x128xf32, #tpu.memory_space<vmem>>, vector<128x128xf32>
    %dot_general3A = arith.constant dense<0.000000e+00> : vector<2048x128xf32>
    %dot_general3A_11 = tpu.matmul %max3A_7, %get3A_10, %dot_general3A {dimension_numbers = #tpu.dot_dimension_numbers<[1], [0], [0], [1], [0, 0, 1, 1], [], []>, transpose_lhs_hint = false} : vector<2048x128xf32>, vector<128x128xf32>, vector<2048x128xf32> -> vector<2048x128xf32>
    %get3A_12 = arith.constant 0 : index
    %get3A_13 = arith.constant 0 : index
    %get3A_14 = vector.load %arg4[%get3A_12, %get3A_13] : memref<1x128xf32, #tpu.memory_space<vmem>>, vector<1x128xf32>
    %add3A_15 = vector.broadcast %get3A_14 : vector<1x128xf32> to vector<2048x128xf32>
    %add3A_16 = arith.addf %dot_general3A_11, %add3A_15 : vector<2048x128xf32>
    %max3A_17 = arith.constant 0.000000e+00 : f32
    %max3A_18 = vector.broadcast %max3A_17 : f32 to vector<2048x128xf32>
    %max3A_19 = arith.maximumf %add3A_16, %max3A_18 : vector<2048x128xf32>
    %get3A_20 = arith.constant 0 : index
    %get3A_21 = arith.constant 0 : index
    %get3A_22 = vector.load %arg5[%get3A_20, %get3A_21] : memref<128x64xf32, #tpu.memory_space<vmem>>, vector<128x64xf32>
    %dot_general3A_23 = arith.constant dense<0.000000e+00> : vector<2048x64xf32>
    %dot_general3A_24 = tpu.matmul %max3A_19, %get3A_22, %dot_general3A_23 {dimension_numbers = #tpu.dot_dimension_numbers<[1], [0], [0], [1], [0, 0, 1, 1], [], []>, transpose_lhs_hint = false} : vector<2048x128xf32>, vector<128x64xf32>, vector<2048x64xf32> -> vector<2048x64xf32>
    %get3A_25 = arith.constant 0 : index
    %get3A_26 = arith.constant 0 : index
    %get3A_27 = vector.load %arg6[%get3A_25, %get3A_26] : memref<1x64xf32, #tpu.memory_space<vmem>>, vector<1x64xf32>
    %add3A_28 = vector.broadcast %get3A_27 : vector<1x64xf32> to vector<2048x64xf32>
    %add3A_29 = arith.addf %dot_general3A_24, %add3A_28 : vector<2048x64xf32>
    %swap3A = arith.constant 0 : index
    %swap3A_30 = arith.constant 0 : index
    %swap3A_31 = vector.load %arg7[%swap3A, %swap3A_30] : memref<2048x64xf32, #tpu.memory_space<vmem>>, vector<2048x64xf32>
    tpu.vector_store %arg7[%swap3A, %swap3A_30], %add3A_29 {strides = array<i32>} : memref<2048x64xf32, #tpu.memory_space<vmem>>, vector<2048x64xf32>,
    return
  }
  func.func @transform_0(%arg0: i32) -> (i32, i32) {
    %c0_i32 = arith.constant 0 : i32
    %c0_i32_0 = arith.constant 0 : i32
    return %arg0, %c0_i32 : i32, i32
  }
  func.func @transform_1(%arg0: i32) -> (i32, i32) {
    %c0_i32 = arith.constant 0 : i32
    %c0_i32_0 = arith.constant 0 : i32
    %c0_i32_1 = arith.constant 0 : i32
    return %c0_i32, %c0_i32_0 : i32, i32
  }
  func.func @transform_2(%arg0: i32) -> (i32, i32) {
    %c0_i32 = arith.constant 0 : i32
    %c0_i32_0 = arith.constant 0 : i32
    %c0_i32_1 = arith.constant 0 : i32
    return %c0_i32, %c0_i32_0 : i32, i32
  }
  func.func @transform_3(%arg0: i32) -> (i32, i32) {
    %c0_i32 = arith.constant 0 : i32
    %c0_i32_0 = arith.constant 0 : i32
    %c0_i32_1 = arith.constant 0 : i32
    return %c0_i32, %c0_i32_0 : i32, i32
  }
  func.func @transform_4(%arg0: i32) -> (i32, i32) {
    %c0_i32 = arith.constant 0 : i32
    %c0_i32_0 = arith.constant 0 : i32
    %c0_i32_1 = arith.constant 0 : i32
    return %c0_i32, %c0_i32_0 : i32, i32
  }
  func.func @transform_5(%arg0: i32) -> (i32, i32) {
    %c0_i32 = arith.constant 0 : i32
    %c0_i32_0 = arith.constant 0 : i32
    %c0_i32_1 = arith.constant 0 : i32
    return %c0_i32, %c0_i32_0 : i32, i32
  }
  func.func @transform_6(%arg0: i32) -> (i32, i32) {
    %c0_i32 = arith.constant 0 : i32
    %c0_i32_0 = arith.constant 0 : i32
    return %arg0, %c0_i32 : i32, i32
  }
}

</mosaic_0001>

<sc_bundles>
// kernel: kernel.5.cloned.1.call-start
scs
__scs_entry_jumppad:
0x0: {  	(pc) =	sbr.rel $0x88, $3  }
0x1: {  	(tag) =	ssettag $0x0;
	lr =	simm.s32 $0x1  }
0x2: {  	[smem:$0x3F99] =	sst lr;
	_ =	strace $0xD0000000  }
0x3: {  	_ = 	snop  }
0x4: {  	_ = 	snop  }
0x5: {  	_ = 	snop  }
0x6: {  	_ = 	snop  }
0x7: {  	_ = 	snop  }
__scs_overlays_trampoline_lowered:
0x8: {  	[smem:$0x3FA8] =	sst s0  }
0x9: {  	[smem:$0x3FA9] =	sst s1  }
0xa: {  	[smem:$0x3FAA] =	sst s2  }
0xb: {  	[smem:$0x3FAB] =	sst s3  }
0xc: {  	[smem:$0x3FAC] =	sst s4  }
0xd: {  	[smem:$0x3FAD] =	sst s5  }
0xe: {  	[smem:$0x3FAE] =	sst s6  }
0xf: {  	[smem:$0x3FAF] =	sst s7  }
0x10: {  	[smem:$0x3FB0] =	sst s8  }
0x11: {  	[smem:$0x3FB1] =	sst s9;
	s0 =	simm.s32 @!p0 $0x0  }
0x12: {  	s1 =	sld [smem:$0x3F97];
	s0 =	simm.s32 @p0 $0x1  }
0x13: {  	[smem:$0x3FB2] =	sst s0;
	s0 =	simm.s32 @!p1 $0x0  }
0x14: {  	s2 =	sld [smem:$0x3F96];
	s0 =	simm.s32 @p1 $0x1  }
0x15: {  	[smem:$0x3FB3] =	sst s0;
	s0 =	simm.s32 @!p2 $0x0  }
0x16: {  	s3 =	sld [smem:$0x3FDB];
	s0 =	simm.s32 @p2 $0x1  }
0x17: {  	s4 =	simm.s32 $0x1BF5;
	[smem:$0x3FB5] =	sst s0  }
0x18: {  	s0 =	sld [smem:$0x3F98];
	_ =	swait.ge [sflag:s4], $0x0  }
0x19: {  	s7 =	sld [smem:$0x3F99]  }
0x1a: {  	s8 =	sadd.s32 $0xFFFFE003, lr  }
0x1b: {  	s9 =	sadd.s32 $0xFFFFFEF7, lr;
	s5 =	simm.s32 $0xFFFFFFFF;
	p2 =	slt.u32 s8, $0xFFFFF086  }
0x1c: {  	p1 =	slt.u32 s9, $0xF7A;
	s5 =	simm.s32 @!p2 $0x0  }
0x1d: {  	s5 =	simm.s32 @p1 $0x1;
	p0 =	seq.s32 s7, s2  }
0x1e: {  	s7 =	smul.u32 @!p0 $0xF7A, s2;
	p2 =	seq.s32 @!p0 s5, $0x0  }
0x1f: {  	s9 =	smul.u32 $0xF7A, s1;
	s8 =	simm.s32 @!p0 $0x1BF5;
	p2 =	por !p2, p0  }
0x20: {  	[sflag:s8] =	ssyncset.s32 @!p0 $0xFFFFF086;
	s6 =	sadd.s32 @!p0 s3, s7;
	s7 =	simm.s32 @!p0 $0x108  }
0x21: {  	s3 =	sadd.s32 s3, s9;
	s6 =	sadd.s32 @!p0 $0x88, s6;
	s7 =	simm.s32 @p2 $0x1082  }
0x22: {  	[simem:s7], [sflag:s8] =	dma.local @!p0 [hbm:s6], $0xF7A  }
0x23: {  	s9 =	sor.u32 $0xD0000000, s2;
	s6 =	simm.s32 $0x108;
	_ =	swait.ge @!p0 [sflag:s8], $0x0  }
0x24: {  	s3 =	sadd.s32 $0x88, s3;
	s6 =	simm.s32 @!p1 $0x1082;
	[sflag:s4] =	ssyncset.s32 $0xFFFFF086  }
0x25: {  	[simem:s6], [sflag:s4] =	dma.local [hbm:s3], $0xF7A  }
0x26: {  	[smem:$0x3F99] =	sst s1;
	(tag) =	ssettag s2;
	_ =	strace s9  }
0x27: {  	s1 =	sld [smem:$0x3FA9]  }
0x28: {  	s2 =	sld [smem:$0x3FAA]  }
0x29: {  	s4 =	sld [smem:$0x3FAC]  }
0x2a: {  	p0 =	seq.s32 s5, $0x0;
	s5 =	sld [smem:$0x3FAD]  }
0x2b: {  	s6 =	sld [smem:$0x3FAE]  }
0x2c: {  	s7 =	sld [smem:$0x3FAF]  }
0x2d: {  	s3 =	simm.s32 $0x108;
	s8 =	sld [smem:$0x3FB0]  }
0x2e: {  	s3 =	simm.s32 @!p0 $0x1082;
	s9 =	sld [smem:$0x3FB1]  }
0x2f: {  	lr =	sadd.s32 s0, s3;
	s0 =	sld [smem:$0x3FA8]  }
0x30: {  	s3 =	sld [smem:$0x3FAB]  }
0x31: {  	[smem:$0x3FB4] =	sst s10  }
0x32: {  	s10 =	sld [smem:$0x3FB2];
	_ =	sdelay $0x3  }
0x33: {  	p0 =	seq.s32 s10, $0x1;
	s10 =	sld [smem:$0x3FB4];
	_ =	sdelay $0x3  }
0x34: {  	[smem:$0x3FB4] =	sst s10  }
0x35: {  	s10 =	sld [smem:$0x3FB3];
	_ =	sdelay $0x3  }
0x36: {  	p1 =	seq.s32 s10, $0x1;
	s10 =	sld [smem:$0x3FB4];
	_ =	sdelay $0x3  }
0x37: {  	[smem:$0x3FB4] =	sst s10  }
0x38: {  	s10 =	sld [smem:$0x3FB5]  }
0x39: {  	_ = 	snop;
	(pc) =	sbr.ind lr, $3  }
0x3a: {  	_ = 	snop  }
0x3b: {  	_ = 	snop  }
0x3c: {  	p2 =	seq.s32 s10, $0x1;
	s10 =	sld [smem:$0x3FB4]  }
0x3d: {  	_ =	shalt  }
0x3e: {  	_ =	shalt  }
0x3f: {  	_ =	shalt  }
0x40: {  	_ =	shalt  }
0x41: {  	_ =	shalt  }
0x42: {  	_ =	shalt  }
0x43: {  	_ =	shalt  }
0x44: {  	_ =	shalt  }
0x45: {  	_ =	shalt  }
0x46: {  	_ =	shalt  }
0x47: {  	_ =	shalt  }
0x48: {  	_ =	shalt  }
0x49: {  	_ =	shalt  }
0x4a: {  	_ =	shalt  }
0x4b: {  	_ =	shalt  }
0x4c: {  	_ =	shalt  }
0x4d: {  	_ =	shalt  }
0x4e: {  	_ =	shalt  }
0x4f: {  	_ =	shalt  }
0x50: {  	_ =	shalt  }
0x51: {  	_ =	shalt  }
0x52: {  	_ =	shalt  }
0x53: {  	_ =	shalt  }
0x54: {  	_ =	shalt  }
0x55: {  	_ =	shalt  }
0x56: {  	_ =	shalt  }
0x57: {  	_ =	shalt  }
0x58: {  	_ =	shalt  }
0x59: {  	_ =	shalt  }
0x5a: {  	_ =	shalt  }
0x5b: {  	_ =	shalt  }
0x5c: {  	_ =	shalt  }
0x5d: {  	_ =	shalt  }
0x5e: {  	_ =	shalt  }
0x5f: {  	_ =	shalt  }
0x60: {  	_ =	shalt  }
0x61: {  	_ =	shalt  }
0x62: {  	_ =	shalt  }
0x63: {  	_ =	shalt  }
0x64: {  	_ =	shalt  }
0x65: {  	_ =	shalt  }
0x66: {  	_ =	shalt  }
0x67: {  	_ =	shalt  }
0x68: {  	_ =	shalt  }
0x69: {  	_ =	shalt  }
0x6a: {  	_ =	shalt  }
0x6b: {  	_ =	shalt  }
0x6c: {  	_ =	shalt  }
0x6d: {  	_ =	shalt  }
0x6e: {  	_ =	shalt  }
0x6f: {  	_ =	shalt  }
0x70: {  	_ =	shalt  }
0x71: {  	_ =	shalt  }
0x72: {  	_ =	shalt  }
0x73: {  	_ =	shalt  }
0x74: {  	_ =	shalt  }
0x75: {  	_ =	shalt  }
0x76: {  	_ =	shalt  }
0x77: {  	_ =	shalt  }
0x78: {  	_ =	shalt  }
0x79: {  	_ =	shalt  }
0x7a: {  	_ =	shalt  }
0x7b: {  	_ =	shalt  }
0x7c: {  	_ =	shalt  }
0x7d: {  	_ =	shalt  }
0x7e: {  	_ =	shalt  }
0x7f: {  	_ =	shalt  }
0x80: {  	_ =	shalt  }
0x81: {  	_ =	shalt  }
0x82: {  	_ =	shalt  }
0x83: {  	_ =	shalt  }
0x84: {  	_ =	shalt  }
0x85: {  	_ =	shalt  }
0x86: {  	_ =	shalt  }
0x87: {  	_ =	shalt  }
.Lfunc_end0:
.L_simem_size_0:
called_computation_lowered:
.L_overlay_start_0:
0x88: {  	s2 =	sld [smem:$0x3FD9]  }
0x89: {  	s3 =	sld [smem:$0x3FFE];
	_ =	sdelay $0x1  }
0x8a: {  	s1 =	srdreg.scid  }
0x8b: {  	s0 =	sand.u32 $0x1, s1  }
0x8c: {  	s17 =	sshll.u32 s0, $0xA;
	s2 =	sadd.s32 s3, s2  }
0x8d: {  	s2 =	sadd.s32 s2, s17  }
0x8e: {  	[smem:$0x3FC0] =	sst s2  }
0x8f: {  	_ = 	snop  }
0x90: {  	s2 =	sld [smem:$0x3FD0];
	(tm) =	ssettm $0x1  }
0x91: {  	s18 =	sld [smem:$0x3FFB];
	_ =	sdelay $0x3  }
0x92: {  	_ =	strace s18  }
0x93: {  	s3 =	sld [smem:$0x3FFC];
	_ =	sdelay $0x3  }
0x94: {  	_ =	strace s3  }
0x95: {  	s3 =	sld [smem:$0x3FFD];
	_ =	sdelay $0x3  }
0x96: {  	_ =	strace s3  }
0x97: {  	_ =	strace $0x8FFFFFFF  }
0x98: {  	s19 =	sld [smem:$0x3FDB];
	_ =	sdelay $0x1  }
0x99: {  	s4 =	simm.s32 $_scs_section_size  }
0x9a: {  	s5 =	simm.s32 $_size__tile_overlayer_lowered;
	s6 =	simm.s32 $_tile_overlayer_lowered  }
0x9b: {  	s22 =	simm.s32 $0x1BFF;
	s21 =	sshll.u32 s6, $0x1;
	s3 =	sadd.s32 s4, s19  }
0x9c: {  	s7 =	simm.s32 $0x0;
	s20 =	sshll.u32 s5, $0x1;
	s5 =	sadd.s32 s21, s3  }
0x9d: {  	[timem:s7], [sflag:s22] =	dma.local [hbm:s5], s20  }
0x9e: {  	_ =	swait.ge [sflag:s22], s20  }
0x9f: {  	s4 =	ssub.s32 $0x0, s20;
	[sflag:s22] =	ssyncset.done $0x0  }
0xa0: {  	[sflag:s22] =	ssyncadd.s32 s4;
	_ =	sdelay $0x1  }
0xa1: {  	s23 =	simm.s32 $0x1B8B  }
0xa2: {  	_ =	swait.ge [sflag:s23], $0x1  }
0xa3: {  	[sflag:s23] =	ssyncset.done $0x0  }
0xa4: {  	s25 =	simm.s32 $0x1B8E;
	s24 =	sld [smem:$0x3FFE];
	[sflag:s23] =	ssyncadd.s32 $0xFFFFFFFF  }
0xa5: {  	s26 =	simm.s32 $execute0_lowered;
	[smem:$0x3FD2] =	sst s25  }
0xa6: {  	s5 =	sshll.u32 s26, $0x1;
	_ =	strace $0x80000046;
	[dreg:$0x1] =	wrdreg $0xFFFFFFFF  }
0xa7: {  	s28 =	simm.s32 $_size_execute0_lowered;
	s3 =	sadd.s32 s3, s5;
	[dreg:$0x0] =	wrdreg $0x0  }
0xa8: {  	s5 =	sshll.u32 s28, $0x1;
	[dreg:$0x2] =	wrdreg s3  }
0xa9: {  	[dreg:$0x3] =	wrdreg s5  }
0xaa: {  	[dreg:$0x4] =	wrdreg $0xC0  }
0xab: {  	_ =	task [dreg:s7], $0x5FFFF  }
0xac: {  	[dreg:$0x1] =	wrdreg $0xFFFFFFFF  }
0xad: {  	[dreg:$0x0] =	wrdreg $0x60  }
0xae: {  	[dreg:$0x2] =	wrdreg s2  }
0xaf: {  	[dreg:$0x3] =	wrdreg s24  }
0xb0: {  	[dreg:$0x4] =	wrdreg $0x9  }
0xb1: {  	_ =	task.clear_ibuf [dreg:s7], $0x5FFFF;
	_ =	strace $0x90000046  }
0xb2: {  	s29 =	simm.s32 $0x9;
	_ =	strace $0x80000048  }
0xb3: {  	_ =	swait.ge [sflag:s29], $0x1  }
0xb4: {  	[sflag:s29] =	ssyncadd.s32 $0xFFFFFFFF  }
0xb5: {  	_ =	strace $0x90000048  }
0xb6: {  	_ =	sfence  }
0xb7: {  	s30 =	sld [smem:$0x0];
	_ =	sdelay $0x2  }
0xb8: {  	s31 =	sshll.u32 s1, $0xD;
	s1 =	sshrl.u32 s1, $0x2  }
0xb9: {  	s3 =	sand.u32 $0x4000, s31;
	s1 =	sadd.s32 s1, s30  }
0xba: {  	s0 =	sor.u32 s3, s0;
	s1 =	sshll.u32 s1, $0x11  }
0xbb: {  	s0 =	sor.u32 s1, s0  }
0xbc: {  	s0 =	sadd.s32 $0x8F2B, s0  }
0xbd: {  	[sflag:s0] =	ssyncadd.remote.s32 $0x1  }
0xbe: {  	_ =	sfence.sel $0xFFFF  }
0xbf: {  	[dreg:$0x0] =	wrdreg $0xFFFFFFFF;
	(pc) =	sbr.abs _section_cstart, $3  }
0xc0: {  	[dreg:$0x1] =	wrdreg $0xFFFFFFFF  }
0xc1: {  	_ =	task.clear_ibuf [dreg:s7], $0x2FFFF;
	_ =	strace $0x9FFFFFFF  }
0xc2: {  	(tm) =	ssettm $0x7FFFFFFF  }
0xc3: {  	_ =	shalt  }
tec
execute0_lowered:
.L_overlay_start_1:
0x0: {  	(tag) =	ssettag $0x1  }
0x1: {  	s4 =	rddreg [dreg:$0x0]  }
0x2: {  	s5 =	rddreg [dreg:$0x1]  }
0x3: {  	s0 =	rddreg [dreg:$0x2];
	s2 =	simm.s32 $0x0  }
0x4: {  	s3 =	srdreg.scid;
	s1 =	stileid.u32;
	s10 =	simm.s32 $0x80  }
0x5: {  	s11 =	simm.s32 $0xB400;
	s12 =	simm.s32 $0x100;
	s13 =	simm.s32 $0xE800  }
0x6: {  	s14 =	simm.s32 $0x180;
	s15 =	simm.s32 $0x11C00;
	s16 =	simm.s32 $0x1  }
0x7: {  	s17 =	simm.s32 $0x2;
	s18 =	simm.s32 $0x15000;
	s19 =	simm.s32 $0x0  }
0x8: {  	[smem:$0x7FF] =	sst s2;
	s6 =	sand.u32 $0x1, s3;
	s7 =	sshll.u32 s1, $0x1  }
0x9: {  	s3 =	sadd.s32 $0x1000, s5;
	s7 =	sor.u32 s6, s7;
	s6 =	ssub.s32 $0x2, s6  }
0xa: {  	_ =	strace $0x80000047;
	s8 =	sshll.u32 s7, $0xD;
	s9 =	sshrl.u32 s6, $0x1  }
0xb: {  	s7 =	sshll.u32 s7, $0xC;
	s5 =	sadd.s32 s8, s5;
	s6 =	ssub.s32 s6, s9  }
0xc: {  	s4 =	sadd.s32 s4, s7;
	s7 =	simm.s32 $0x3;
	s8 =	simm.s32 $0x64  }
0xd: {  	s9 =	simm.s32 $0x8000;
	s5 =	sadd.s32 $0xF43400, s5;
	s6 =	smax.u32 s6, $0x1  }
.LBB2_1:
0xe: {  	[tilespmem:s2], [sflag:$0x3] =	stream.linear.gather [hbm4b:s4+s2], $0x8000, $0x38;
	[tilespmem:$0x17000] =	vst v63  }
0xf: {  	_ =	swait.ge [sflag:s7], $0x8000  }
0x10: {  	[sflag:s7] =	ssyncset.done $0x0  }
0x11: {  	[sflag:s7] =	ssyncadd.s32 $0xFFFF8000  }
0x12: {  	[tilespmem:s9], [sflag:$0x1] =	stream.indirect.gather [hbm4b:s3+s8], $0x80, s2, s8, $0xb8;
	[tilespmem:$0x17000] =	vst v63  }
0x13: {  	_ = 	snop  }
0x14: {  	[tilespmem:s11], [sflag:$0x1] =	stream.indirect.gather [hbm4b:s3+s8], $0x80, s10, s8, $0xb8;
	[tilespmem:$0x17000] =	vst v63  }
0x15: {  	_ = 	snop  }
0x16: {  	[tilespmem:s13], [sflag:$0x2] =	stream.indirect.gather [hbm4b:s3+s8], $0x80, s12, s8, $0xb8;
	[tilespmem:$0x17000] =	vst v63  }
0x17: {  	s20 =	simm.s32 $0x0  }
0x18: {  	[tilespmem:s15], [sflag:$0x2] =	stream.indirect.gather [hbm4b:s3+s8], $0x80, s14, s8, $0xb8;
	[tilespmem:$0x17000] =	vst v63  }
.LBB2_2:
0x19: {  	s21 =	sshll.u32 s20, $0x3;
	s22 =	simm.s32 $0x0  }
.LBB2_3:
0x1a: {  	_ =	swait.ge [sflag:s16], $0x3200  }
0x1b: {  	[sflag:s16] =	ssyncset.done $0x0  }
0x1c: {  	[sflag:s16] =	ssyncadd.s32 $0xFFFFCE00  }
0x1d: {  	_ =	swait.ge [sflag:s16], $0x3200  }
0x1e: {  	[sflag:s16] =	ssyncset.done $0x0  }
0x1f: {  	s24 =	simm.s32 $0x8140;
	[sflag:s16] =	ssyncadd.s32 $0xFFFFCE00  }
0x20: {  	v4 =	vld [tilespmem:s24+$0xC0]  }
0x21: {  	v5 =	vld [tilespmem:s24+$0xD0]  }
0x22: {  	v9 =	vld [tilespmem:s24+$0xE0]  }
0x23: {  	v10 =	vld [tilespmem:s24+$0xF0]  }
0x24: {  	v0 =	vld [tilespmem:s24+$0x100]  }
0x25: {  	v1 =	vld [tilespmem:s24+$0x110]  }
0x26: {  	v6 =	vld [tilespmem:s24+$0x40]  }
0x27: {  	v7 =	vld [tilespmem:s24+$0x50]  }
0x28: {  	v8 =	vld [tilespmem:s24+$0x60]  }
0x29: {  	v11 =	vld [tilespmem:s24+$0x70]  }
0x2a: {  	v3 =	vld [tilespmem:s24+$0x80]  }
0x2b: {  	v2 =	vld [tilespmem:s24+$0x90]  }
0x2c: {  	v12 =	vld [tilespmem:s24+$0xFFFFFFC0]  }
0x2d: {  	v13 =	vld [tilespmem:s24+$0xFFFFFFD0]  }
0x2e: {  	v14 =	vld [tilespmem:s24+$0xFFFFFFE0]  }
0x2f: {  	v15 =	vld [tilespmem:s24+$0xFFFFFFF0]  }
0x30: {  	v16 =	vld [tilespmem:s24+$0xFFFFFF40]  }
0x31: {  	v17 =	vld [tilespmem:s24+$0xFFFFFF50]  }
0x32: {  	v18 =	vld [tilespmem:s24+$0xFFFFFEC0]  }
0x33: {  	v19 =	vld [tilespmem:s24+$0xFFFFFED0]  }
0x34: {  	v20 =	vld [tilespmem:s24+$0xFFFFFEE0]  }
0x35: {  	v21 =	vld [tilespmem:s24+$0xFFFFFEF0]  }
0x36: {  	v22 =	vld [tilespmem:s24+$0xFFFFFF60]  }
0x37: {  	v23 =	vld [tilespmem:s24+$0xFFFFFF70]  }
0x38: {  	v24 =	vimm.f32 $0.0e+00;
	v25 =	vld [tilespmem:s24+$0x0]  }
0x39: {  	v26 =	vld [tilespmem:s24+$0x10];
	v18 =	vadd.f32 v18, v24;
	v19 =	vadd.f32 v19, v24  }
0x3a: {  	v27 =	vld [tilespmem:s24+$0xFFFFFF80];
	v20 =	vadd.f32 v20, v24;
	v21 =	vadd.f32 v21, v24  }
0x3b: {  	v62 =	vld [tilespmem:s24+$0xFFFFFF10];
	v16 =	vadd.f32 v16, v18;
	v17 =	vadd.f32 v17, v19  }
0x3c: {  	v63 =	vld [tilespmem:s24+$0xFFFFFFB0];
	v20 =	vadd.f32 v22, v20;
	v21 =	vadd.f32 v23, v21  }
0x3d: {  	v19 =	vld [tilespmem:s24+$0xFFFFFF00];
	v12 =	vadd.f32 v12, v16;
	v13 =	vadd.f32 v13, v17  }
0x3e: {  	v16 =	vld [tilespmem:s24+$0xFFFFFF20];
	v14 =	vadd.f32 v14, v20;
	v15 =	vadd.f32 v15, v21  }
0x3f: {  	v17 =	vld [tilespmem:s24+$0xFFFFFF30];
	v6 =	vadd.f32 v6, v12;
	v12 =	vadd.f32 v7, v13  }
0x40: {  	v18 =	vld [tilespmem:s24+$0xFFFFFF90];
	v14 =	vadd.f32 v8, v14;
	v11 =	vadd.f32 v11, v15  }
0x41: {  	v13 =	vld [tilespmem:s24+$0xFFFFFFA0];
	v7 =	vadd.f32 v4, v6;
	v6 =	vadd.f32 v5, v12  }
0x42: {  	v8 =	vld [tilespmem:s24+$0x20];
	v5 =	vadd.f32 v9, v14;
	v4 =	vadd.f32 v10, v11  }
0x43: {  	v10 =	vadd.f32 v19, v24;
	v12 =	vadd.f32 v62, v24;
	v11 =	vld [tilespmem:s24+$0x30]  }
0x44: {  	v9 =	vld [tilespmem:s24+$0xA0];
	v14 =	vadd.f32 v16, v24;
	v16 =	vadd.f32 v17, v24  }
0x45: {  	v17 =	vadd.f32 v27, v10;
	v18 =	vadd.f32 v18, v12;
	v12 =	vld [tilespmem:s24+$0xB0]  }
0x46: {  	v10 =	vld [tilespmem:s24+$0x120];
	v15 =	vadd.f32 v13, v14;
	v14 =	vadd.f32 v63, v16  }
0x47: {  	s23 =	simm.s32 $0x0;
	v13 =	vld [tilespmem:s24+$0x130];
	s24 =	simm.s32 $0x83C0;
	v17 =	vadd.f32 v25, v17;
	v16 =	vadd.f32 v26, v18  }
.LBB2_4:
0x48: {  	v18 =	vld [tilespmem:s24+$0xC0];
	v8 =	vadd.f32 v8, v15;
	v11 =	vadd.f32 v11, v14  }
0x49: {  	v14 =	vld [tilespmem:s24+$0xD0];
	v3 =	vadd.f32 v3, v17;
	v2 =	vadd.f32 v2, v16  }
0x4a: {  	v15 =	vld [tilespmem:s24+$0xE0];
	v8 =	vadd.f32 v9, v8;
	v9 =	vadd.f32 v12, v11  }
0x4b: {  	v11 =	vld [tilespmem:s24+$0xF0];
	v12 =	vadd.f32 v0, v3;
	v16 =	vadd.f32 v1, v2  }
0x4c: {  	v0 =	vld [tilespmem:s24+$0x100];
	v10 =	vadd.f32 v10, v8;
	v9 =	vadd.f32 v13, v9  }
0x4d: {  	v1 =	vld [tilespmem:s24+$0x110]  }
0x4e: {  	v8 =	vld [tilespmem:s24+$0x40]  }
0x4f: {  	v13 =	vld [tilespmem:s24+$0x50]  }
0x50: {  	v17 =	vld [tilespmem:s24+$0x60]  }
0x51: {  	v19 =	vld [tilespmem:s24+$0x70]  }
0x52: {  	v3 =	vld [tilespmem:s24+$0x80]  }
0x53: {  	v2 =	vld [tilespmem:s24+$0x90]  }
0x54: {  	v20 =	vld [tilespmem:s24+$0xFFFFFFC0]  }
0x55: {  	v21 =	vld [tilespmem:s24+$0xFFFFFFD0]  }
0x56: {  	v22 =	vld [tilespmem:s24+$0xFFFFFFE0]  }
0x57: {  	v23 =	vld [tilespmem:s24+$0xFFFFFFF0]  }
0x58: {  	v24 =	vld [tilespmem:s24+$0xFFFFFF40]  }
0x59: {  	v25 =	vld [tilespmem:s24+$0xFFFFFF50]  }
0x5a: {  	v26 =	vld [tilespmem:s24+$0xFFFFFEC0]  }
0x5b: {  	v27 =	vld [tilespmem:s24+$0xFFFFFED0]  }
0x5c: {  	v28 =	vld [tilespmem:s24+$0xFFFFFEE0]  }
0x5d: {  	v29 =	vld [tilespmem:s24+$0xFFFFFEF0]  }
0x5e: {  	v30 =	vld [tilespmem:s24+$0xFFFFFF60]  }
0x5f: {  	v31 =	vld [tilespmem:s24+$0xFFFFFF70]  }
0x60: {  	v32 =	vld [tilespmem:s24+$0x0]  }
0x61: {  	v7 =	vadd.f32 v26, v7;
	v6 =	vadd.f32 v27, v6;
	v26 =	vld [tilespmem:s24+$0x10]  }
0x62: {  	v5 =	vadd.f32 v28, v5;
	v4 =	vadd.f32 v29, v4;
	v27 =	vld [tilespmem:s24+$0xFFFFFF80]  }
0x63: {  	v7 =	vadd.f32 v24, v7;
	v6 =	vadd.f32 v25, v6;
	v24 =	vld [tilespmem:s24+$0xFFFFFF90]  }
0x64: {  	v5 =	vadd.f32 v30, v5;
	v25 =	vld [tilespmem:s24+$0xFFFFFF00];
	v4 =	vadd.f32 v31, v4  }
0x65: {  	v7 =	vadd.f32 v20, v7;
	v6 =	vadd.f32 v21, v6;
	v28 =	vld [tilespmem:s24+$0xFFFFFF10]  }
0x66: {  	v5 =	vadd.f32 v22, v5;
	v20 =	vld [tilespmem:s24+$0xFFFFFF20];
	v4 =	vadd.f32 v23, v4  }
0x67: {  	s23 =	sadd.s32 $0x5, s23;
	v7 =	vadd.f32 v8, v7;
	v6 =	vadd.f32 v13, v6;
	v21 =	vld [tilespmem:s24+$0xFFFFFF30]  }
0x68: {  	p0 =	slt.u32 s23, $0x2D;
	v5 =	vadd.f32 v17, v5;
	v13 =	vld [tilespmem:s24+$0xFFFFFFA0];
	v4 =	vadd.f32 v19, v4  }
0x69: {  	v7 =	vadd.f32 v18, v7;
	v6 =	vadd.f32 v14, v6;
	v17 =	vld [tilespmem:s24+$0xFFFFFFB0]  }
0x6a: {  	v5 =	vadd.f32 v15, v5;
	v8 =	vld [tilespmem:s24+$0x20];
	v4 =	vadd.f32 v11, v4  }
.Ltmp0:
0x6b: {  	v12 =	vadd.f32 v25, v12;
	v14 =	vadd.f32 v28, v16;
	v11 =	vld [tilespmem:s24+$0x30];
	(pc) =	sbr.rel @p0 .LBB2_4-.Ltmp0, $4  }
0x6c: {  	v10 =	vadd.f32 v20, v10;
	v16 =	vadd.f32 v21, v9;
	v9 =	vld [tilespmem:s24+$0xA0]  }
0x6d: {  	v18 =	vadd.f32 v27, v12;
	v19 =	vadd.f32 v24, v14;
	v12 =	vld [tilespmem:s24+$0xB0]  }
0x6e: {  	v15 =	vadd.f32 v13, v10;
	v14 =	vadd.f32 v17, v16;
	v10 =	vld [tilespmem:s24+$0x120]  }
0x6f: {  	v17 =	vadd.f32 v32, v18;
	v16 =	vadd.f32 v26, v19;
	v13 =	vld [tilespmem:s24+$0x130];
	s24 =	sadd.s32 $0x280, s24  }
0x70: {  	s23 =	sshll.u32 s22, $0xC  }
0x71: {  	s23 =	sshra.s32 s23, $0x2  }
0x72: {  	v8 =	vadd.f32 v8, v15;
	v3 =	vadd.f32 v3, v17;
	[tilespmem:s23+$0x15000] =	vst v7  }
0x73: {  	v2 =	vadd.f32 v2, v16;
	v7 =	vadd.f32 v11, v14;
	[tilespmem:s23+$0x15010] =	vst v6  }
0x74: {  	v6 =	vadd.f32 v9, v8;
	[tilespmem:s23+$0x15020] =	vst v5;
	v0 =	vadd.f32 v0, v3  }
0x75: {  	[tilespmem:s23+$0x15030] =	vst v4;
	v1 =	vadd.f32 v1, v2;
	v3 =	vadd.f32 v12, v7  }
0x76: {  	v2 =	vadd.f32 v10, v6;
	[tilespmem:s23+$0x15040] =	vst v0  }
0x77: {  	[tilespmem:s23+$0x15050] =	vst v1;
	v0 =	vadd.f32 v13, v3  }
0x78: {  	[tilespmem:s23+$0x15060] =	vst v2  }
0x79: {  	s25 =	simm.s32 $0x9B70;
	[tilespmem:s23+$0x15070] =	vst v0  }
0x7a: {  	v4 =	vld [tilespmem:s25+$0xFFFFFF90]  }
0x7b: {  	v5 =	vld [tilespmem:s25+$0xFFFFFFA0]  }
0x7c: {  	v9 =	vld [tilespmem:s25+$0xFFFFFFB0]  }
0x7d: {  	v10 =	vld [tilespmem:s25+$0xFFFFFFC0]  }
0x7e: {  	v0 =	vld [tilespmem:s25+$0xFFFFFFD0]  }
0x7f: {  	v1 =	vld [tilespmem:s25+$0xFFFFFFE0]  }
0x80: {  	v6 =	vld [tilespmem:s25+$0xFFFFFF10]  }
0x81: {  	v7 =	vld [tilespmem:s25+$0xFFFFFF20]  }
0x82: {  	v8 =	vld [tilespmem:s25+$0xFFFFFF30]  }
0x83: {  	v11 =	vld [tilespmem:s25+$0xFFFFFF40]  }
0x84: {  	v3 =	vld [tilespmem:s25+$0xFFFFFF50]  }
0x85: {  	v2 =	vld [tilespmem:s25+$0xFFFFFF60]  }
0x86: {  	v12 =	vld [tilespmem:s25+$0xFFFFFE90]  }
0x87: {  	v13 =	vld [tilespmem:s25+$0xFFFFFEA0]  }
0x88: {  	v14 =	vld [tilespmem:s25+$0xFFFFFEB0]  }
0x89: {  	v15 =	vld [tilespmem:s25+$0xFFFFFEC0]  }
0x8a: {  	v16 =	vld [tilespmem:s25+$0xFFFFFE10]  }
0x8b: {  	v17 =	vld [tilespmem:s25+$0xFFFFFE20]  }
0x8c: {  	v18 =	vld [tilespmem:s25+$0xFFFFFD90]  }
0x8d: {  	v19 =	vld [tilespmem:s25+$0xFFFFFDA0]  }
0x8e: {  	v20 =	vld [tilespmem:s25+$0xFFFFFDB0]  }
0x8f: {  	v21 =	vld [tilespmem:s25+$0xFFFFFDC0]  }
0x90: {  	v22 =	vld [tilespmem:s25+$0xFFFFFE30]  }
0x91: {  	v23 =	vld [tilespmem:s25+$0xFFFFFE40]  }
0x92: {  	v24 =	vimm.f32 $0.0e+00;
	v25 =	vld [tilespmem:s25+$0xFFFFFED0]  }
0x93: {  	v26 =	vld [tilespmem:s25+$0xFFFFFEE0];
	v18 =	vadd.f32 v18, v24;
	v19 =	vadd.f32 v19, v24  }
0x94: {  	v27 =	vld [tilespmem:s25+$0xFFFFFE50];
	v20 =	vadd.f32 v20, v24;
	v21 =	vadd.f32 v21, v24  }
0x95: {  	v62 =	vld [tilespmem:s25+$0xFFFFFDE0];
	v16 =	vadd.f32 v16, v18;
	v17 =	vadd.f32 v17, v19  }
0x96: {  	v63 =	vld [tilespmem:s25+$0xFFFFFE80];
	v20 =	vadd.f32 v22, v20;
	v21 =	vadd.f32 v23, v21  }
0x97: {  	v19 =	vld [tilespmem:s25+$0xFFFFFDD0];
	v12 =	vadd.f32 v12, v16;
	v13 =	vadd.f32 v13, v17  }
0x98: {  	v16 =	vld [tilespmem:s25+$0xFFFFFDF0];
	v14 =	vadd.f32 v14, v20;
	v15 =	vadd.f32 v15, v21  }
0x99: {  	v17 =	vld [tilespmem:s25+$0xFFFFFE00];
	v6 =	vadd.f32 v6, v12;
	v12 =	vadd.f32 v7, v13  }
0x9a: {  	v18 =	vld [tilespmem:s25+$0xFFFFFE60];
	v14 =	vadd.f32 v8, v14;
	v11 =	vadd.f32 v11, v15  }
0x9b: {  	v13 =	vld [tilespmem:s25+$0xFFFFFE70];
	v7 =	vadd.f32 v4, v6;
	v6 =	vadd.f32 v5, v12  }
0x9c: {  	v8 =	vld [tilespmem:s25+$0xFFFFFEF0];
	v5 =	vadd.f32 v9, v14;
	v4 =	vadd.f32 v10, v11  }
0x9d: {  	v10 =	vadd.f32 v19, v24;
	v12 =	vadd.f32 v62, v24;
	v11 =	vld [tilespmem:s25+$0xFFFFFF00]  }
0x9e: {  	v9 =	vld [tilespmem:s25+$0xFFFFFF70];
	v14 =	vadd.f32 v16, v24;
	v16 =	vadd.f32 v17, v24  }
0x9f: {  	v17 =	vadd.f32 v27, v10;
	v18 =	vadd.f32 v18, v12;
	v12 =	vld [tilespmem:s25+$0xFFFFFF80]  }
0xa0: {  	v10 =	vld [tilespmem:s25+$0xFFFFFFF0];
	v15 =	vadd.f32 v13, v14;
	v14 =	vadd.f32 v63, v16  }
0xa1: {  	s24 =	simm.s32 $0x0;
	v13 =	vld [tilespmem:s25+$0x0];
	s25 =	simm.s32 $0x9DF0;
	v17 =	vadd.f32 v25, v17;
	v16 =	vadd.f32 v26, v18  }
.LBB2_6:
0xa2: {  	v18 =	vld [tilespmem:s25+$0xFFFFFF90];
	v8 =	vadd.f32 v8, v15;
	v11 =	vadd.f32 v11, v14  }
0xa3: {  	v14 =	vld [tilespmem:s25+$0xFFFFFFA0];
	v3 =	vadd.f32 v3, v17;
	v2 =	vadd.f32 v2, v16  }
0xa4: {  	v15 =	vld [tilespmem:s25+$0xFFFFFFB0];
	v8 =	vadd.f32 v9, v8;
	v9 =	vadd.f32 v12, v11  }
0xa5: {  	v11 =	vld [tilespmem:s25+$0xFFFFFFC0];
	v12 =	vadd.f32 v0, v3;
	v16 =	vadd.f32 v1, v2  }
0xa6: {  	v0 =	vld [tilespmem:s25+$0xFFFFFFD0];
	v10 =	vadd.f32 v10, v8;
	v9 =	vadd.f32 v13, v9  }
0xa7: {  	v1 =	vld [tilespmem:s25+$0xFFFFFFE0]  }
0xa8: {  	v8 =	vld [tilespmem:s25+$0xFFFFFF10]  }
0xa9: {  	v13 =	vld [tilespmem:s25+$0xFFFFFF20]  }
0xaa: {  	v17 =	vld [tilespmem:s25+$0xFFFFFF30]  }
0xab: {  	v19 =	vld [tilespmem:s25+$0xFFFFFF40]  }
0xac: {  	v3 =	vld [tilespmem:s25+$0xFFFFFF50]  }
0xad: {  	v2 =	vld [tilespmem:s25+$0xFFFFFF60]  }
0xae: {  	v20 =	vld [tilespmem:s25+$0xFFFFFE90]  }
0xaf: {  	v21 =	vld [tilespmem:s25+$0xFFFFFEA0]  }
0xb0: {  	v22 =	vld [tilespmem:s25+$0xFFFFFEB0]  }
0xb1: {  	v23 =	vld [tilespmem:s25+$0xFFFFFEC0]  }
0xb2: {  	v24 =	vld [tilespmem:s25+$0xFFFFFE10]  }
0xb3: {  	v25 =	vld [tilespmem:s25+$0xFFFFFE20]  }
0xb4: {  	v26 =	vld [tilespmem:s25+$0xFFFFFD90]  }
0xb5: {  	v27 =	vld [tilespmem:s25+$0xFFFFFDA0]  }
0xb6: {  	v28 =	vld [tilespmem:s25+$0xFFFFFDB0]  }
0xb7: {  	v29 =	vld [tilespmem:s25+$0xFFFFFDC0]  }
0xb8: {  	v30 =	vld [tilespmem:s25+$0xFFFFFE30]  }
0xb9: {  	v31 =	vld [tilespmem:s25+$0xFFFFFE40]  }
0xba: {  	v32 =	vld [tilespmem:s25+$0xFFFFFED0]  }
0xbb: {  	v7 =	vadd.f32 v26, v7;
	v6 =	vadd.f32 v27, v6;
	v26 =	vld [tilespmem:s25+$0xFFFFFEE0]  }
0xbc: {  	v5 =	vadd.f32 v28, v5;
	v4 =	vadd.f32 v29, v4;
	v27 =	vld [tilespmem:s25+$0xFFFFFE50]  }
0xbd: {  	v7 =	vadd.f32 v24, v7;
	v6 =	vadd.f32 v25, v6;
	v24 =	vld [tilespmem:s25+$0xFFFFFE60]  }
0xbe: {  	v5 =	vadd.f32 v30, v5;
	v25 =	vld [tilespmem:s25+$0xFFFFFDD0];
	v4 =	vadd.f32 v31, v4  }
0xbf: {  	v7 =	vadd.f32 v20, v7;
	v6 =	vadd.f32 v21, v6;
	v28 =	vld [tilespmem:s25+$0xFFFFFDE0]  }
0xc0: {  	v5 =	vadd.f32 v22, v5;
	v20 =	vld [tilespmem:s25+$0xFFFFFDF0];
	v4 =	vadd.f32 v23, v4  }
0xc1: {  	s24 =	sadd.s32 $0x5, s24;
	v7 =	vadd.f32 v8, v7;
	v6 =	vadd.f32 v13, v6;
	v21 =	vld [tilespmem:s25+$0xFFFFFE00]  }
0xc2: {  	p0 =	slt.u32 s24, $0x2D;
	v5 =	vadd.f32 v17, v5;
	v13 =	vld [tilespmem:s25+$0xFFFFFE70];
	v4 =	vadd.f32 v19, v4  }
0xc3: {  	v7 =	vadd.f32 v18, v7;
	v6 =	vadd.f32 v14, v6;
	v17 =	vld [tilespmem:s25+$0xFFFFFE80]  }
0xc4: {  	v5 =	vadd.f32 v15, v5;
	v8 =	vld [tilespmem:s25+$0xFFFFFEF0];
	v4 =	vadd.f32 v11, v4  }
.Ltmp1:
0xc5: {  	v12 =	vadd.f32 v25, v12;
	v14 =	vadd.f32 v28, v16;
	v11 =	vld [tilespmem:s25+$0xFFFFFF00];
	(pc) =	sbr.rel @p0 .LBB2_6-.Ltmp1, $4  }
0xc6: {  	v10 =	vadd.f32 v20, v10;
	v16 =	vadd.f32 v21, v9;
	v9 =	vld [tilespmem:s25+$0xFFFFFF70]  }
0xc7: {  	v18 =	vadd.f32 v27, v12;
	v19 =	vadd.f32 v24, v14;
	v12 =	vld [tilespmem:s25+$0xFFFFFF80]  }
0xc8: {  	v15 =	vadd.f32 v13, v10;
	v14 =	vadd.f32 v17, v16;
	v10 =	vld [tilespmem:s25+$0xFFFFFFF0]  }
0xc9: {  	v17 =	vadd.f32 v32, v18;
	v16 =	vadd.f32 v26, v19;
	v13 =	vld [tilespmem:s25+$0x0];
	s25 =	sadd.s32 $0x280, s25  }
0xca: {  	_ = 	snop  }
0xcb: {  	v8 =	vadd.f32 v8, v15;
	[tilespmem:s23+$0x15080] =	vst v7;
	v3 =	vadd.f32 v3, v17  }
0xcc: {  	v7 =	vadd.f32 v11, v14;
	[tilespmem:s23+$0x15090] =	vst v6;
	v2 =	vadd.f32 v2, v16  }
0xcd: {  	[tilespmem:s23+$0x150A0] =	vst v5;
	v6 =	vadd.f32 v9, v8;
	v0 =	vadd.f32 v0, v3  }
0xce: {  	[tilespmem:s23+$0x150B0] =	vst v4;
	v3 =	vadd.f32 v12, v7;
	v1 =	vadd.f32 v1, v2  }
0xcf: {  	v2 =	vadd.f32 v10, v6;
	[tilespmem:s23+$0x150C0] =	vst v0  }
0xd0: {  	v0 =	vadd.f32 v13, v3;
	[tilespmem:s23+$0x150D0] =	vst v1  }
0xd1: {  	[tilespmem:s23+$0x150E0] =	vst v2  }
0xd2: {  	s25 =	simm.s32 $0xB540;
	[tilespmem:s23+$0x150F0] =	vst v0  }
0xd3: {  	v4 =	vld [tilespmem:s25+$0xC0]  }
0xd4: {  	v5 =	vld [tilespmem:s25+$0xD0]  }
0xd5: {  	v9 =	vld [tilespmem:s25+$0xE0]  }
0xd6: {  	v10 =	vld [tilespmem:s25+$0xF0]  }
0xd7: {  	v0 =	vld [tilespmem:s25+$0x100]  }
0xd8: {  	v1 =	vld [tilespmem:s25+$0x110]  }
0xd9: {  	v6 =	vld [tilespmem:s25+$0x40]  }
0xda: {  	v7 =	vld [tilespmem:s25+$0x50]  }
0xdb: {  	v8 =	vld [tilespmem:s25+$0x60]  }
0xdc: {  	v11 =	vld [tilespmem:s25+$0x70]  }
0xdd: {  	v3 =	vld [tilespmem:s25+$0x80]  }
0xde: {  	v2 =	vld [tilespmem:s25+$0x90]  }
0xdf: {  	v12 =	vld [tilespmem:s25+$0xFFFFFFC0]  }
0xe0: {  	v13 =	vld [tilespmem:s25+$0xFFFFFFD0]  }
0xe1: {  	v14 =	vld [tilespmem:s25+$0xFFFFFFE0]  }
0xe2: {  	v15 =	vld [tilespmem:s25+$0xFFFFFFF0]  }
0xe3: {  	v16 =	vld [tilespmem:s25+$0xFFFFFF40]  }
0xe4: {  	v17 =	vld [tilespmem:s25+$0xFFFFFF50]  }
0xe5: {  	v18 =	vld [tilespmem:s25+$0xFFFFFEC0]  }
0xe6: {  	v19 =	vld [tilespmem:s25+$0xFFFFFED0]  }
0xe7: {  	v20 =	vld [tilespmem:s25+$0xFFFFFEE0]  }
0xe8: {  	v21 =	vld [tilespmem:s25+$0xFFFFFEF0]  }
0xe9: {  	v22 =	vld [tilespmem:s25+$0xFFFFFF60]  }
0xea: {  	v23 =	vld [tilespmem:s25+$0xFFFFFF70]  }
0xeb: {  	v24 =	vimm.f32 $0.0e+00;
	v25 =	vld [tilespmem:s25+$0x0]  }
0xec: {  	v26 =	vld [tilespmem:s25+$0x10];
	v18 =	vadd.f32 v18, v24;
	v19 =	vadd.f32 v19, v24  }
0xed: {  	v27 =	vld [tilespmem:s25+$0xFFFFFF80];
	v20 =	vadd.f32 v20, v24;
	v21 =	vadd.f32 v21, v24  }
0xee: {  	v62 =	vld [tilespmem:s25+$0xFFFFFF10];
	v16 =	vadd.f32 v16, v18;
	v17 =	vadd.f32 v17, v19  }
0xef: {  	v63 =	vld [tilespmem:s25+$0xFFFFFFB0];
	v20 =	vadd.f32 v22, v20;
	v21 =	vadd.f32 v23, v21  }
0xf0: {  	v19 =	vld [tilespmem:s25+$0xFFFFFF00];
	v12 =	vadd.f32 v12, v16;
	v13 =	vadd.f32 v13, v17  }
0xf1: {  	v16 =	vld [tilespmem:s25+$0xFFFFFF20];
	v14 =	vadd.f32 v14, v20;
	v15 =	vadd.f32 v15, v21  }
0xf2: {  	v17 =	vld [tilespmem:s25+$0xFFFFFF30];
	v6 =	vadd.f32 v6, v12;
	v12 =	vadd.f32 v7, v13  }
0xf3: {  	v18 =	vld [tilespmem:s25+$0xFFFFFF90];
	v14 =	vadd.f32 v8, v14;
	v11 =	vadd.f32 v11, v15  }
0xf4: {  	v13 =	vld [tilespmem:s25+$0xFFFFFFA0];
	v7 =	vadd.f32 v4, v6;
	v6 =	vadd.f32 v5, v12  }
0xf5: {  	v8 =	vld [tilespmem:s25+$0x20];
	v5 =	vadd.f32 v9, v14;
	v4 =	vadd.f32 v10, v11  }
0xf6: {  	v10 =	vadd.f32 v19, v24;
	v12 =	vadd.f32 v62, v24;
	v11 =	vld [tilespmem:s25+$0x30]  }
0xf7: {  	v9 =	vld [tilespmem:s25+$0xA0];
	v14 =	vadd.f32 v16, v24;
	v16 =	vadd.f32 v17, v24  }
0xf8: {  	v17 =	vadd.f32 v27, v10;
	v18 =	vadd.f32 v18, v12;
	v12 =	vld [tilespmem:s25+$0xB0]  }
0xf9: {  	v10 =	vld [tilespmem:s25+$0x120];
	v15 =	vadd.f32 v13, v14;
	v14 =	vadd.f32 v63, v16  }
0xfa: {  	s24 =	simm.s32 $0x0;
	v13 =	vld [tilespmem:s25+$0x130];
	s25 =	simm.s32 $0xB7C0;
	v17 =	vadd.f32 v25, v17;
	v16 =	vadd.f32 v26, v18  }
.LBB2_8:
0xfb: {  	v18 =	vld [tilespmem:s25+$0xC0];
	v8 =	vadd.f32 v8, v15;
	v11 =	vadd.f32 v11, v14  }
0xfc: {  	v14 =	vld [tilespmem:s25+$0xD0];
	v3 =	vadd.f32 v3, v17;
	v2 =	vadd.f32 v2, v16  }
0xfd: {  	v15 =	vld [tilespmem:s25+$0xE0];
	v8 =	vadd.f32 v9, v8;
	v9 =	vadd.f32 v12, v11  }
0xfe: {  	v11 =	vld [tilespmem:s25+$0xF0];
	v12 =	vadd.f32 v0, v3;
	v16 =	vadd.f32 v1, v2  }
0xff: {  	v0 =	vld [tilespmem:s25+$0x100];
	v10 =	vadd.f32 v10, v8;
	v9 =	vadd.f32 v13, v9  }
0x100: {  	v1 =	vld [tilespmem:s25+$0x110]  }
0x101: {  	v8 =	vld [tilespmem:s25+$0x40]  }
0x102: {  	v13 =	vld [tilespmem:s25+$0x50]  }
0x103: {  	v17 =	vld [tilespmem:s25+$0x60]  }
0x104: {  	v19 =	vld [tilespmem:s25+$0x70]  }
0x105: {  	v3 =	vld [tilespmem:s25+$0x80]  }
0x106: {  	v2 =	vld [tilespmem:s25+$0x90]  }
0x107: {  	v20 =	vld [tilespmem:s25+$0xFFFFFFC0]  }
0x108: {  	v21 =	vld [tilespmem:s25+$0xFFFFFFD0]  }
0x109: {  	v22 =	vld [tilespmem:s25+$0xFFFFFFE0]  }
0x10a: {  	v23 =	vld [tilespmem:s25+$0xFFFFFFF0]  }
0x10b: {  	v24 =	vld [tilespmem:s25+$0xFFFFFF40]  }
0x10c: {  	v25 =	vld [tilespmem:s25+$0xFFFFFF50]  }
0x10d: {  	v26 =	vld [tilespmem:s25+$0xFFFFFEC0]  }
0x10e: {  	v27 =	vld [tilespmem:s25+$0xFFFFFED0]  }
0x10f: {  	v28 =	vld [tilespmem:s25+$0xFFFFFEE0]  }
0x110: {  	v29 =	vld [tilespmem:s25+$0xFFFFFEF0]  }
0x111: {  	v30 =	vld [tilespmem:s25+$0xFFFFFF60]  }
0x112: {  	v31 =	vld [tilespmem:s25+$0xFFFFFF70]  }
0x113: {  	v32 =	vld [tilespmem:s25+$0x0]  }
0x114: {  	v7 =	vadd.f32 v26, v7;
	v6 =	vadd.f32 v27, v6;
	v26 =	vld [tilespmem:s25+$0x10]  }
0x115: {  	v5 =	vadd.f32 v28, v5;
	v4 =	vadd.f32 v29, v4;
	v27 =	vld [tilespmem:s25+$0xFFFFFF80]  }
0x116: {  	v7 =	vadd.f32 v24, v7;
	v6 =	vadd.f32 v25, v6;
	v24 =	vld [tilespmem:s25+$0xFFFFFF90]  }
0x117: {  	v5 =	vadd.f32 v30, v5;
	v25 =	vld [tilespmem:s25+$0xFFFFFF00];
	v4 =	vadd.f32 v31, v4  }
0x118: {  	v7 =	vadd.f32 v20, v7;
	v6 =	vadd.f32 v21, v6;
	v28 =	vld [tilespmem:s25+$0xFFFFFF10]  }
0x119: {  	v5 =	vadd.f32 v22, v5;
	v20 =	vld [tilespmem:s25+$0xFFFFFF20];
	v4 =	vadd.f32 v23, v4  }
0x11a: {  	s24 =	sadd.s32 $0x5, s24;
	v7 =	vadd.f32 v8, v7;
	v6 =	vadd.f32 v13, v6;
	v21 =	vld [tilespmem:s25+$0xFFFFFF30]  }
0x11b: {  	p0 =	slt.u32 s24, $0x2D;
	v5 =	vadd.f32 v17, v5;
	v13 =	vld [tilespmem:s25+$0xFFFFFFA0];
	v4 =	vadd.f32 v19, v4  }
0x11c: {  	v7 =	vadd.f32 v18, v7;
	v6 =	vadd.f32 v14, v6;
	v17 =	vld [tilespmem:s25+$0xFFFFFFB0]  }
0x11d: {  	v5 =	vadd.f32 v15, v5;
	v8 =	vld [tilespmem:s25+$0x20];
	v4 =	vadd.f32 v11, v4  }
.Ltmp2:
0x11e: {  	v12 =	vadd.f32 v25, v12;
	v14 =	vadd.f32 v28, v16;
	v11 =	vld [tilespmem:s25+$0x30];
	(pc) =	sbr.rel @p0 .LBB2_8-.Ltmp2, $4  }
0x11f: {  	v10 =	vadd.f32 v20, v10;
	v16 =	vadd.f32 v21, v9;
	v9 =	vld [tilespmem:s25+$0xA0]  }
0x120: {  	v18 =	vadd.f32 v27, v12;
	v19 =	vadd.f32 v24, v14;
	v12 =	vld [tilespmem:s25+$0xB0]  }
0x121: {  	v15 =	vadd.f32 v13, v10;
	v14 =	vadd.f32 v17, v16;
	v10 =	vld [tilespmem:s25+$0x120]  }
0x122: {  	v17 =	vadd.f32 v32, v18;
	v16 =	vadd.f32 v26, v19;
	v13 =	vld [tilespmem:s25+$0x130];
	s25 =	sadd.s32 $0x280, s25  }
0x123: {  	_ = 	snop  }
0x124: {  	v8 =	vadd.f32 v8, v15;
	[tilespmem:s23+$0x15100] =	vst v7;
	v3 =	vadd.f32 v3, v17  }
0x125: {  	v7 =	vadd.f32 v11, v14;
	[tilespmem:s23+$0x15110] =	vst v6;
	v2 =	vadd.f32 v2, v16  }
0x126: {  	[tilespmem:s23+$0x15120] =	vst v5;
	v6 =	vadd.f32 v9, v8;
	v0 =	vadd.f32 v0, v3  }
0x127: {  	[tilespmem:s23+$0x15130] =	vst v4;
	v3 =	vadd.f32 v12, v7;
	v1 =	vadd.f32 v1, v2  }
0x128: {  	v2 =	vadd.f32 v10, v6;
	[tilespmem:s23+$0x15140] =	vst v0  }
0x129: {  	v0 =	vadd.f32 v13, v3;
	[tilespmem:s23+$0x15150] =	vst v1  }
0x12a: {  	[tilespmem:s23+$0x15160] =	vst v2  }
0x12b: {  	s25 =	simm.s32 $0xCF70;
	[tilespmem:s23+$0x15170] =	vst v0  }
0x12c: {  	v4 =	vld [tilespmem:s25+$0xFFFFFF90]  }
0x12d: {  	v5 =	vld [tilespmem:s25+$0xFFFFFFA0]  }
0x12e: {  	v9 =	vld [tilespmem:s25+$0xFFFFFFB0]  }
0x12f: {  	v10 =	vld [tilespmem:s25+$0xFFFFFFC0]  }
0x130: {  	v0 =	vld [tilespmem:s25+$0xFFFFFFD0]  }
0x131: {  	v1 =	vld [tilespmem:s25+$0xFFFFFFE0]  }
0x132: {  	v6 =	vld [tilespmem:s25+$0xFFFFFF10]  }
0x133: {  	v7 =	vld [tilespmem:s25+$0xFFFFFF20]  }
0x134: {  	v8 =	vld [tilespmem:s25+$0xFFFFFF30]  }
0x135: {  	v11 =	vld [tilespmem:s25+$0xFFFFFF40]  }
0x136: {  	v3 =	vld [tilespmem:s25+$0xFFFFFF50]  }
0x137: {  	v2 =	vld [tilespmem:s25+$0xFFFFFF60]  }
0x138: {  	v12 =	vld [tilespmem:s25+$0xFFFFFE90]  }
0x139: {  	v13 =	vld [tilespmem:s25+$0xFFFFFEA0]  }
0x13a: {  	v14 =	vld [tilespmem:s25+$0xFFFFFEB0]  }
0x13b: {  	v15 =	vld [tilespmem:s25+$0xFFFFFEC0]  }
0x13c: {  	v16 =	vld [tilespmem:s25+$0xFFFFFE10]  }
0x13d: {  	v17 =	vld [tilespmem:s25+$0xFFFFFE20]  }
0x13e: {  	v18 =	vld [tilespmem:s25+$0xFFFFFD90]  }
0x13f: {  	v19 =	vld [tilespmem:s25+$0xFFFFFDA0]  }
0x140: {  	v20 =	vld [tilespmem:s25+$0xFFFFFDB0]  }
0x141: {  	v21 =	vld [tilespmem:s25+$0xFFFFFDC0]  }
0x142: {  	v22 =	vld [tilespmem:s25+$0xFFFFFE30]  }
0x143: {  	v23 =	vld [tilespmem:s25+$0xFFFFFE40]  }
0x144: {  	v24 =	vimm.f32 $0.0e+00;
	v25 =	vld [tilespmem:s25+$0xFFFFFED0]  }
0x145: {  	v26 =	vld [tilespmem:s25+$0xFFFFFEE0];
	v18 =	vadd.f32 v18, v24;
	v19 =	vadd.f32 v19, v24  }
0x146: {  	v27 =	vld [tilespmem:s25+$0xFFFFFE50];
	v20 =	vadd.f32 v20, v24;
	v21 =	vadd.f32 v21, v24  }
0x147: {  	v62 =	vld [tilespmem:s25+$0xFFFFFDE0];
	v16 =	vadd.f32 v16, v18;
	v17 =	vadd.f32 v17, v19  }
0x148: {  	v63 =	vld [tilespmem:s25+$0xFFFFFE80];
	v20 =	vadd.f32 v22, v20;
	v21 =	vadd.f32 v23, v21  }
0x149: {  	v19 =	vld [tilespmem:s25+$0xFFFFFDD0];
	v12 =	vadd.f32 v12, v16;
	v13 =	vadd.f32 v13, v17  }
0x14a: {  	v16 =	vld [tilespmem:s25+$0xFFFFFDF0];
	v14 =	vadd.f32 v14, v20;
	v15 =	vadd.f32 v15, v21  }
0x14b: {  	v17 =	vld [tilespmem:s25+$0xFFFFFE00];
	v6 =	vadd.f32 v6, v12;
	v12 =	vadd.f32 v7, v13  }
0x14c: {  	v18 =	vld [tilespmem:s25+$0xFFFFFE60];
	v14 =	vadd.f32 v8, v14;
	v11 =	vadd.f32 v11, v15  }
0x14d: {  	v13 =	vld [tilespmem:s25+$0xFFFFFE70];
	v7 =	vadd.f32 v4, v6;
	v6 =	vadd.f32 v5, v12  }
0x14e: {  	v8 =	vld [tilespmem:s25+$0xFFFFFEF0];
	v5 =	vadd.f32 v9, v14;
	v4 =	vadd.f32 v10, v11  }
0x14f: {  	v9 =	vadd.f32 v19, v24;
	v12 =	vadd.f32 v62, v24;
	v11 =	vld [tilespmem:s25+$0xFFFFFF00]  }
0x150: {  	v10 =	vld [tilespmem:s25+$0xFFFFFF70];
	v14 =	vadd.f32 v16, v24;
	v16 =	vadd.f32 v17, v24  }
0x151: {  	v17 =	vadd.f32 v27, v9;
	v18 =	vadd.f32 v18, v12;
	v12 =	vld [tilespmem:s25+$0xFFFFFF80]  }
0x152: {  	v9 =	vld [tilespmem:s25+$0xFFFFFFF0];
	v15 =	vadd.f32 v13, v14;
	v14 =	vadd.f32 v63, v16  }
0x153: {  	s24 =	simm.s32 $0x0;
	v13 =	vld [tilespmem:s25+$0x0];
	s25 =	simm.s32 $0xD1F0;
	v17 =	vadd.f32 v25, v17;
	v16 =	vadd.f32 v26, v18  }
.LBB2_10:
0x154: {  	v18 =	vld [tilespmem:s25+$0xFFFFFF90];
	v8 =	vadd.f32 v8, v15;
	v11 =	vadd.f32 v11, v14  }
0x155: {  	v14 =	vld [tilespmem:s25+$0xFFFFFFA0];
	v3 =	vadd.f32 v3, v17;
	v2 =	vadd.f32 v2, v16  }
0x156: {  	v15 =	vld [tilespmem:s25+$0xFFFFFFB0];
	v8 =	vadd.f32 v10, v8;
	v10 =	vadd.f32 v12, v11  }
0x157: {  	v11 =	vld [tilespmem:s25+$0xFFFFFFC0];
	v12 =	vadd.f32 v0, v3;
	v16 =	vadd.f32 v1, v2  }
0x158: {  	v0 =	vld [tilespmem:s25+$0xFFFFFFD0];
	v9 =	vadd.f32 v9, v8;
	v10 =	vadd.f32 v13, v10  }
0x159: {  	v1 =	vld [tilespmem:s25+$0xFFFFFFE0]  }
0x15a: {  	v8 =	vld [tilespmem:s25+$0xFFFFFF10]  }
0x15b: {  	v13 =	vld [tilespmem:s25+$0xFFFFFF20]  }
0x15c: {  	v17 =	vld [tilespmem:s25+$0xFFFFFF30]  }
0x15d: {  	v19 =	vld [tilespmem:s25+$0xFFFFFF40]  }
0x15e: {  	v3 =	vld [tilespmem:s25+$0xFFFFFF50]  }
0x15f: {  	v2 =	vld [tilespmem:s25+$0xFFFFFF60]  }
0x160: {  	v20 =	vld [tilespmem:s25+$0xFFFFFE90]  }
0x161: {  	v21 =	vld [tilespmem:s25+$0xFFFFFEA0]  }
0x162: {  	v22 =	vld [tilespmem:s25+$0xFFFFFEB0]  }
0x163: {  	v23 =	vld [tilespmem:s25+$0xFFFFFEC0]  }
0x164: {  	v24 =	vld [tilespmem:s25+$0xFFFFFE10]  }
0x165: {  	v25 =	vld [tilespmem:s25+$0xFFFFFE20]  }
0x166: {  	v26 =	vld [tilespmem:s25+$0xFFFFFD90]  }
0x167: {  	v27 =	vld [tilespmem:s25+$0xFFFFFDA0]  }
0x168: {  	v28 =	vld [tilespmem:s25+$0xFFFFFDB0]  }
0x169: {  	v29 =	vld [tilespmem:s25+$0xFFFFFDC0]  }
0x16a: {  	v30 =	vld [tilespmem:s25+$0xFFFFFE30]  }
0x16b: {  	v31 =	vld [tilespmem:s25+$0xFFFFFE40]  }
0x16c: {  	v32 =	vld [tilespmem:s25+$0xFFFFFED0]  }
0x16d: {  	v7 =	vadd.f32 v26, v7;
	v6 =	vadd.f32 v27, v6;
	v26 =	vld [tilespmem:s25+$0xFFFFFEE0]  }
0x16e: {  	v5 =	vadd.f32 v28, v5;
	v4 =	vadd.f32 v29, v4;
	v27 =	vld [tilespmem:s25+$0xFFFFFE50]  }
0x16f: {  	v7 =	vadd.f32 v24, v7;
	v6 =	vadd.f32 v25, v6;
	v24 =	vld [tilespmem:s25+$0xFFFFFE60]  }
0x170: {  	v5 =	vadd.f32 v30, v5;
	v25 =	vld [tilespmem:s25+$0xFFFFFDD0];
	v4 =	vadd.f32 v31, v4  }
0x171: {  	v7 =	vadd.f32 v20, v7;
	v6 =	vadd.f32 v21, v6;
	v28 =	vld [tilespmem:s25+$0xFFFFFDE0]  }
0x172: {  	v5 =	vadd.f32 v22, v5;
	v20 =	vld [tilespmem:s25+$0xFFFFFDF0];
	v4 =	vadd.f32 v23, v4  }
0x173: {  	s24 =	sadd.s32 $0x5, s24;
	v7 =	vadd.f32 v8, v7;
	v6 =	vadd.f32 v13, v6;
	v21 =	vld [tilespmem:s25+$0xFFFFFE00]  }
0x174: {  	p0 =	slt.u32 s24, $0x2D;
	v5 =	vadd.f32 v17, v5;
	v13 =	vld [tilespmem:s25+$0xFFFFFE70];
	v4 =	vadd.f32 v19, v4  }
0x175: {  	v7 =	vadd.f32 v18, v7;
	v6 =	vadd.f32 v14, v6;
	v17 =	vld [tilespmem:s25+$0xFFFFFE80]  }
0x176: {  	v5 =	vadd.f32 v15, v5;
	v8 =	vld [tilespmem:s25+$0xFFFFFEF0];
	v4 =	vadd.f32 v11, v4  }
.Ltmp3:
0x177: {  	v12 =	vadd.f32 v25, v12;
	v14 =	vadd.f32 v28, v16;
	v11 =	vld [tilespmem:s25+$0xFFFFFF00];
	(pc) =	sbr.rel @p0 .LBB2_10-.Ltmp3, $4  }
0x178: {  	v9 =	vadd.f32 v20, v9;
	v16 =	vadd.f32 v21, v10;
	v10 =	vld [tilespmem:s25+$0xFFFFFF70]  }
0x179: {  	v18 =	vadd.f32 v27, v12;
	v19 =	vadd.f32 v24, v14;
	v12 =	vld [tilespmem:s25+$0xFFFFFF80]  }
0x17a: {  	v15 =	vadd.f32 v13, v9;
	v14 =	vadd.f32 v17, v16;
	v9 =	vld [tilespmem:s25+$0xFFFFFFF0]  }
0x17b: {  	v17 =	vadd.f32 v32, v18;
	v16 =	vadd.f32 v26, v19;
	v13 =	vld [tilespmem:s25+$0x0];
	s25 =	sadd.s32 $0x280, s25  }
0x17c: {  	_ = 	snop  }
0x17d: {  	v8 =	vadd.f32 v8, v15;
	[tilespmem:s23+$0x15180] =	vst v7;
	v3 =	vadd.f32 v3, v17  }
0x17e: {  	v7 =	vadd.f32 v11, v14;
	[tilespmem:s23+$0x15190] =	vst v6;
	v2 =	vadd.f32 v2, v16  }
0x17f: {  	[tilespmem:s23+$0x151A0] =	vst v5;
	v6 =	vadd.f32 v10, v8;
	v0 =	vadd.f32 v0, v3  }
0x180: {  	s24 =	sadd.s32 s21, s22;
	[tilespmem:s23+$0x151B0] =	vst v4;
	v3 =	vadd.f32 v12, v7;
	v1 =	vadd.f32 v1, v2  }
0x181: {  	p0 =	sgt.u32 s24, $0x3E;
	v2 =	vadd.f32 v9, v6;
	[tilespmem:s23+$0x151C0] =	vst v0  }
0x182: {  	s24 =	sshll.u32 @!p0 s24, $0x9;
	v0 =	vadd.f32 v13, v3;
	[tilespmem:s23+$0x151D0] =	vst v1  }
0x183: {  	s24 =	sand.u32 @!p0 $0x3FFFFE00, s24;
	[tilespmem:s23+$0x151E0] =	vst v2  }
0x184: {  	s26 =	simm.s32 @!p0 $0x64;
	s28 =	simm.s32 @!p0 $0x8000;
	s25 =	sadd.s32 @!p0 $0x200, s24;
	[tilespmem:s23+$0x151F0] =	vst v0  }
0x185: {  	[tilespmem:s28], [sflag:$0x1] =	stream.indirect.gather @!p0 [hbm4b:s3+s26], $0x80, s25, s26, $0xb8;
	[tilespmem:$0x17000] =	vst v63  }
0x186: {  	s25 =	sadd.s32 @!p0 $0x280, s24;
	s28 =	simm.s32 @!p0 $0xB400  }
0x187: {  	[tilespmem:s28], [sflag:$0x1] =	stream.indirect.gather @!p0 [hbm4b:s3+s26], $0x80, s25, s26, $0xb8;
	[tilespmem:$0x17000] =	vst v63  }
0x188: {  	_ =	swait.ge [sflag:s17], $0x3200  }
0x189: {  	[sflag:s17] =	ssyncset.done $0x0  }
0x18a: {  	[sflag:s17] =	ssyncadd.s32 $0xFFFFCE00  }
0x18b: {  	_ =	swait.ge [sflag:s17], $0x3200  }
0x18c: {  	[sflag:s17] =	ssyncset.done $0x0  }
0x18d: {  	s31 =	simm.s32 $0xE940;
	[sflag:s17] =	ssyncadd.s32 $0xFFFFCE00  }
0x18e: {  	v4 =	vld [tilespmem:s31+$0xC0]  }
0x18f: {  	v5 =	vld [tilespmem:s31+$0xD0]  }
0x190: {  	v9 =	vld [tilespmem:s31+$0xE0]  }
0x191: {  	v10 =	vld [tilespmem:s31+$0xF0]  }
0x192: {  	v0 =	vld [tilespmem:s31+$0x100]  }
0x193: {  	v1 =	vld [tilespmem:s31+$0x110]  }
0x194: {  	v6 =	vld [tilespmem:s31+$0x40]  }
0x195: {  	v7 =	vld [tilespmem:s31+$0x50]  }
0x196: {  	v8 =	vld [tilespmem:s31+$0x60]  }
0x197: {  	v11 =	vld [tilespmem:s31+$0x70]  }
0x198: {  	v3 =	vld [tilespmem:s31+$0x80]  }
0x199: {  	v2 =	vld [tilespmem:s31+$0x90]  }
0x19a: {  	v12 =	vld [tilespmem:s31+$0xFFFFFFC0]  }
0x19b: {  	v13 =	vld [tilespmem:s31+$0xFFFFFFD0]  }
0x19c: {  	v14 =	vld [tilespmem:s31+$0xFFFFFFE0]  }
0x19d: {  	v15 =	vld [tilespmem:s31+$0xFFFFFFF0]  }
0x19e: {  	v16 =	vld [tilespmem:s31+$0xFFFFFF40]  }
0x19f: {  	v17 =	vld [tilespmem:s31+$0xFFFFFF50]  }
0x1a0: {  	v18 =	vld [tilespmem:s31+$0xFFFFFEC0]  }
0x1a1: {  	v19 =	vld [tilespmem:s31+$0xFFFFFED0]  }
0x1a2: {  	v20 =	vld [tilespmem:s31+$0xFFFFFEE0]  }
0x1a3: {  	v21 =	vld [tilespmem:s31+$0xFFFFFEF0]  }
0x1a4: {  	v22 =	vld [tilespmem:s31+$0xFFFFFF60]  }
0x1a5: {  	v23 =	vld [tilespmem:s31+$0xFFFFFF70]  }
0x1a6: {  	v24 =	vimm.f32 $0.0e+00;
	v25 =	vld [tilespmem:s31+$0x0]  }
0x1a7: {  	v26 =	vld [tilespmem:s31+$0x10];
	v18 =	vadd.f32 v18, v24;
	v19 =	vadd.f32 v19, v24  }
0x1a8: {  	v27 =	vld [tilespmem:s31+$0xFFFFFF80];
	v20 =	vadd.f32 v20, v24;
	v21 =	vadd.f32 v21, v24  }
0x1a9: {  	v62 =	vld [tilespmem:s31+$0xFFFFFF10];
	v16 =	vadd.f32 v16, v18;
	v17 =	vadd.f32 v17, v19  }
0x1aa: {  	v63 =	vld [tilespmem:s31+$0xFFFFFFB0];
	v20 =	vadd.f32 v22, v20;
	v21 =	vadd.f32 v23, v21  }
0x1ab: {  	v19 =	vld [tilespmem:s31+$0xFFFFFF00];
	v12 =	vadd.f32 v12, v16;
	v13 =	vadd.f32 v13, v17  }
0x1ac: {  	v16 =	vld [tilespmem:s31+$0xFFFFFF20];
	v14 =	vadd.f32 v14, v20;
	v15 =	vadd.f32 v15, v21  }
0x1ad: {  	v17 =	vld [tilespmem:s31+$0xFFFFFF30];
	v6 =	vadd.f32 v6, v12;
	v12 =	vadd.f32 v7, v13  }
0x1ae: {  	v18 =	vld [tilespmem:s31+$0xFFFFFF90];
	v14 =	vadd.f32 v8, v14;
	v11 =	vadd.f32 v11, v15  }
0x1af: {  	v13 =	vld [tilespmem:s31+$0xFFFFFFA0];
	v7 =	vadd.f32 v4, v6;
	v6 =	vadd.f32 v5, v12  }
0x1b0: {  	v8 =	vld [tilespmem:s31+$0x20];
	v5 =	vadd.f32 v9, v14;
	v4 =	vadd.f32 v10, v11  }
0x1b1: {  	v10 =	vadd.f32 v19, v24;
	v12 =	vadd.f32 v62, v24;
	v11 =	vld [tilespmem:s31+$0x30]  }
0x1b2: {  	v9 =	vld [tilespmem:s31+$0xA0];
	v14 =	vadd.f32 v16, v24;
	v16 =	vadd.f32 v17, v24  }
0x1b3: {  	v17 =	vadd.f32 v27, v10;
	v18 =	vadd.f32 v18, v12;
	v12 =	vld [tilespmem:s31+$0xB0]  }
0x1b4: {  	v10 =	vld [tilespmem:s31+$0x120];
	v15 =	vadd.f32 v13, v14;
	v14 =	vadd.f32 v63, v16  }
0x1b5: {  	s25 =	simm.s32 $0x0;
	s26 =	simm.s32 $0xEBC0;
	v13 =	vld [tilespmem:s31+$0x130];
	v17 =	vadd.f32 v25, v17;
	v16 =	vadd.f32 v26, v18  }
.LBB2_12:
0x1b6: {  	v18 =	vld [tilespmem:s26+$0xC0];
	v8 =	vadd.f32 v8, v15;
	v11 =	vadd.f32 v11, v14  }
0x1b7: {  	v14 =	vld [tilespmem:s26+$0xD0];
	v3 =	vadd.f32 v3, v17;
	v2 =	vadd.f32 v2, v16  }
0x1b8: {  	v15 =	vld [tilespmem:s26+$0xE0];
	v8 =	vadd.f32 v9, v8;
	v9 =	vadd.f32 v12, v11  }
0x1b9: {  	v11 =	vld [tilespmem:s26+$0xF0];
	v12 =	vadd.f32 v0, v3;
	v16 =	vadd.f32 v1, v2  }
0x1ba: {  	v0 =	vld [tilespmem:s26+$0x100];
	v10 =	vadd.f32 v10, v8;
	v9 =	vadd.f32 v13, v9  }
0x1bb: {  	v1 =	vld [tilespmem:s26+$0x110]  }
0x1bc: {  	v8 =	vld [tilespmem:s26+$0x40]  }
0x1bd: {  	v13 =	vld [tilespmem:s26+$0x50]  }
0x1be: {  	v17 =	vld [tilespmem:s26+$0x60]  }
0x1bf: {  	v19 =	vld [tilespmem:s26+$0x70]  }
0x1c0: {  	v3 =	vld [tilespmem:s26+$0x80]  }
0x1c1: {  	v2 =	vld [tilespmem:s26+$0x90]  }
0x1c2: {  	v20 =	vld [tilespmem:s26+$0xFFFFFFC0]  }
0x1c3: {  	v21 =	vld [tilespmem:s26+$0xFFFFFFD0]  }
0x1c4: {  	v22 =	vld [tilespmem:s26+$0xFFFFFFE0]  }
0x1c5: {  	v23 =	vld [tilespmem:s26+$0xFFFFFFF0]  }
0x1c6: {  	v24 =	vld [tilespmem:s26+$0xFFFFFF40]  }
0x1c7: {  	v25 =	vld [tilespmem:s26+$0xFFFFFF50]  }
0x1c8: {  	v26 =	vld [tilespmem:s26+$0xFFFFFEC0]  }
0x1c9: {  	v27 =	vld [tilespmem:s26+$0xFFFFFED0]  }
0x1ca: {  	v28 =	vld [tilespmem:s26+$0xFFFFFEE0]  }
0x1cb: {  	v29 =	vld [tilespmem:s26+$0xFFFFFEF0]  }
0x1cc: {  	v30 =	vld [tilespmem:s26+$0xFFFFFF60]  }
0x1cd: {  	v31 =	vld [tilespmem:s26+$0xFFFFFF70]  }
0x1ce: {  	v32 =	vld [tilespmem:s26+$0x0]  }
0x1cf: {  	v7 =	vadd.f32 v26, v7;
	v6 =	vadd.f32 v27, v6;
	v26 =	vld [tilespmem:s26+$0x10]  }
0x1d0: {  	v5 =	vadd.f32 v28, v5;
	v4 =	vadd.f32 v29, v4;
	v27 =	vld [tilespmem:s26+$0xFFFFFF80]  }
0x1d1: {  	v7 =	vadd.f32 v24, v7;
	v6 =	vadd.f32 v25, v6;
	v24 =	vld [tilespmem:s26+$0xFFFFFF90]  }
0x1d2: {  	v5 =	vadd.f32 v30, v5;
	v25 =	vld [tilespmem:s26+$0xFFFFFF00];
	v4 =	vadd.f32 v31, v4  }
0x1d3: {  	v7 =	vadd.f32 v20, v7;
	v6 =	vadd.f32 v21, v6;
	v28 =	vld [tilespmem:s26+$0xFFFFFF10]  }
0x1d4: {  	v5 =	vadd.f32 v22, v5;
	v20 =	vld [tilespmem:s26+$0xFFFFFF20];
	v4 =	vadd.f32 v23, v4  }
0x1d5: {  	s25 =	sadd.s32 $0x5, s25;
	v7 =	vadd.f32 v8, v7;
	v6 =	vadd.f32 v13, v6;
	v21 =	vld [tilespmem:s26+$0xFFFFFF30]  }
0x1d6: {  	p1 =	slt.u32 s25, $0x2D;
	v5 =	vadd.f32 v17, v5;
	v13 =	vld [tilespmem:s26+$0xFFFFFFA0];
	v4 =	vadd.f32 v19, v4  }
0x1d7: {  	v7 =	vadd.f32 v18, v7;
	v6 =	vadd.f32 v14, v6;
	v17 =	vld [tilespmem:s26+$0xFFFFFFB0]  }
0x1d8: {  	v5 =	vadd.f32 v15, v5;
	v8 =	vld [tilespmem:s26+$0x20];
	v4 =	vadd.f32 v11, v4  }
.Ltmp4:
0x1d9: {  	v12 =	vadd.f32 v25, v12;
	v14 =	vadd.f32 v28, v16;
	v11 =	vld [tilespmem:s26+$0x30];
	(pc) =	sbr.rel @p1 .LBB2_12-.Ltmp4, $4  }
0x1da: {  	v10 =	vadd.f32 v20, v10;
	v16 =	vadd.f32 v21, v9;
	v9 =	vld [tilespmem:s26+$0xA0]  }
0x1db: {  	v18 =	vadd.f32 v27, v12;
	v19 =	vadd.f32 v24, v14;
	v12 =	vld [tilespmem:s26+$0xB0]  }
0x1dc: {  	v15 =	vadd.f32 v13, v10;
	v14 =	vadd.f32 v17, v16;
	v10 =	vld [tilespmem:s26+$0x120]  }
0x1dd: {  	v17 =	vadd.f32 v32, v18;
	v16 =	vadd.f32 v26, v19;
	v13 =	vld [tilespmem:s26+$0x130];
	s26 =	sadd.s32 $0x280, s26  }
0x1de: {  	_ = 	snop  }
0x1df: {  	v8 =	vadd.f32 v8, v15;
	[tilespmem:s23+$0x15200] =	vst v7;
	v3 =	vadd.f32 v3, v17  }
0x1e0: {  	v7 =	vadd.f32 v11, v14;
	[tilespmem:s23+$0x15210] =	vst v6;
	v2 =	vadd.f32 v2, v16  }
0x1e1: {  	[tilespmem:s23+$0x15220] =	vst v5;
	v6 =	vadd.f32 v9, v8;
	v0 =	vadd.f32 v0, v3  }
0x1e2: {  	[tilespmem:s23+$0x15230] =	vst v4;
	v3 =	vadd.f32 v12, v7;
	v1 =	vadd.f32 v1, v2  }
0x1e3: {  	v2 =	vadd.f32 v10, v6;
	[tilespmem:s23+$0x15240] =	vst v0  }
0x1e4: {  	v0 =	vadd.f32 v13, v3;
	[tilespmem:s23+$0x15250] =	vst v1  }
0x1e5: {  	[tilespmem:s23+$0x15260] =	vst v2  }
0x1e6: {  	s26 =	simm.s32 $0x10370;
	[tilespmem:s23+$0x15270] =	vst v0  }
0x1e7: {  	v4 =	vld [tilespmem:s26+$0xFFFFFF90]  }
0x1e8: {  	v5 =	vld [tilespmem:s26+$0xFFFFFFA0]  }
0x1e9: {  	v9 =	vld [tilespmem:s26+$0xFFFFFFB0]  }
0x1ea: {  	v10 =	vld [tilespmem:s26+$0xFFFFFFC0]  }
0x1eb: {  	v0 =	vld [tilespmem:s26+$0xFFFFFFD0]  }
0x1ec: {  	v1 =	vld [tilespmem:s26+$0xFFFFFFE0]  }
0x1ed: {  	v6 =	vld [tilespmem:s26+$0xFFFFFF10]  }
0x1ee: {  	v7 =	vld [tilespmem:s26+$0xFFFFFF20]  }
0x1ef: {  	v8 =	vld [tilespmem:s26+$0xFFFFFF30]  }
0x1f0: {  	v11 =	vld [tilespmem:s26+$0xFFFFFF40]  }
0x1f1: {  	v3 =	vld [tilespmem:s26+$0xFFFFFF50]  }
0x1f2: {  	v2 =	vld [tilespmem:s26+$0xFFFFFF60]  }
0x1f3: {  	v12 =	vld [tilespmem:s26+$0xFFFFFE90]  }
0x1f4: {  	v13 =	vld [tilespmem:s26+$0xFFFFFEA0]  }
0x1f5: {  	v14 =	vld [tilespmem:s26+$0xFFFFFEB0]  }
0x1f6: {  	v15 =	vld [tilespmem:s26+$0xFFFFFEC0]  }
0x1f7: {  	v16 =	vld [tilespmem:s26+$0xFFFFFE10]  }
0x1f8: {  	v17 =	vld [tilespmem:s26+$0xFFFFFE20]  }
0x1f9: {  	v18 =	vld [tilespmem:s26+$0xFFFFFD90]  }
0x1fa: {  	v19 =	vld [tilespmem:s26+$0xFFFFFDA0]  }
0x1fb: {  	v20 =	vld [tilespmem:s26+$0xFFFFFDB0]  }
0x1fc: {  	v21 =	vld [tilespmem:s26+$0xFFFFFDC0]  }
0x1fd: {  	v22 =	vld [tilespmem:s26+$0xFFFFFE30]  }
0x1fe: {  	v23 =	vld [tilespmem:s26+$0xFFFFFE40]  }
0x1ff: {  	v24 =	vimm.f32 $0.0e+00;
	v25 =	vld [tilespmem:s26+$0xFFFFFED0]  }
0x200: {  	v26 =	vld [tilespmem:s26+$0xFFFFFEE0];
	v18 =	vadd.f32 v18, v24;
	v19 =	vadd.f32 v19, v24  }
0x201: {  	v27 =	vld [tilespmem:s26+$0xFFFFFE50];
	v20 =	vadd.f32 v20, v24;
	v21 =	vadd.f32 v21, v24  }
0x202: {  	v62 =	vld [tilespmem:s26+$0xFFFFFDE0];
	v16 =	vadd.f32 v16, v18;
	v17 =	vadd.f32 v17, v19  }
0x203: {  	v63 =	vld [tilespmem:s26+$0xFFFFFE80];
	v20 =	vadd.f32 v22, v20;
	v21 =	vadd.f32 v23, v21  }
0x204: {  	v19 =	vld [tilespmem:s26+$0xFFFFFDD0];
	v12 =	vadd.f32 v12, v16;
	v13 =	vadd.f32 v13, v17  }
0x205: {  	v16 =	vld [tilespmem:s26+$0xFFFFFDF0];
	v14 =	vadd.f32 v14, v20;
	v15 =	vadd.f32 v15, v21  }
0x206: {  	v17 =	vld [tilespmem:s26+$0xFFFFFE00];
	v6 =	vadd.f32 v6, v12;
	v12 =	vadd.f32 v7, v13  }
0x207: {  	v18 =	vld [tilespmem:s26+$0xFFFFFE60];
	v14 =	vadd.f32 v8, v14;
	v11 =	vadd.f32 v11, v15  }
0x208: {  	v13 =	vld [tilespmem:s26+$0xFFFFFE70];
	v7 =	vadd.f32 v4, v6;
	v6 =	vadd.f32 v5, v12  }
0x209: {  	v8 =	vld [tilespmem:s26+$0xFFFFFEF0];
	v5 =	vadd.f32 v9, v14;
	v4 =	vadd.f32 v10, v11  }
0x20a: {  	v10 =	vadd.f32 v19, v24;
	v12 =	vadd.f32 v62, v24;
	v11 =	vld [tilespmem:s26+$0xFFFFFF00]  }
0x20b: {  	v9 =	vld [tilespmem:s26+$0xFFFFFF70];
	v14 =	vadd.f32 v16, v24;
	v16 =	vadd.f32 v17, v24  }
0x20c: {  	v17 =	vadd.f32 v27, v10;
	v18 =	vadd.f32 v18, v12;
	v12 =	vld [tilespmem:s26+$0xFFFFFF80]  }
0x20d: {  	v10 =	vld [tilespmem:s26+$0xFFFFFFF0];
	v15 =	vadd.f32 v13, v14;
	v14 =	vadd.f32 v63, v16  }
0x20e: {  	s25 =	simm.s32 $0x0;
	v13 =	vld [tilespmem:s26+$0x0];
	s26 =	simm.s32 $0x105F0;
	v17 =	vadd.f32 v25, v17;
	v16 =	vadd.f32 v26, v18  }
.LBB2_14:
0x20f: {  	v18 =	vld [tilespmem:s26+$0xFFFFFF90];
	v8 =	vadd.f32 v8, v15;
	v11 =	vadd.f32 v11, v14  }
0x210: {  	v14 =	vld [tilespmem:s26+$0xFFFFFFA0];
	v3 =	vadd.f32 v3, v17;
	v2 =	vadd.f32 v2, v16  }
0x211: {  	v15 =	vld [tilespmem:s26+$0xFFFFFFB0];
	v8 =	vadd.f32 v9, v8;
	v9 =	vadd.f32 v12, v11  }
0x212: {  	v11 =	vld [tilespmem:s26+$0xFFFFFFC0];
	v12 =	vadd.f32 v0, v3;
	v16 =	vadd.f32 v1, v2  }
0x213: {  	v0 =	vld [tilespmem:s26+$0xFFFFFFD0];
	v10 =	vadd.f32 v10, v8;
	v9 =	vadd.f32 v13, v9  }
0x214: {  	v1 =	vld [tilespmem:s26+$0xFFFFFFE0]  }
0x215: {  	v8 =	vld [tilespmem:s26+$0xFFFFFF10]  }
0x216: {  	v13 =	vld [tilespmem:s26+$0xFFFFFF20]  }
0x217: {  	v17 =	vld [tilespmem:s26+$0xFFFFFF30]  }
0x218: {  	v19 =	vld [tilespmem:s26+$0xFFFFFF40]  }
0x219: {  	v3 =	vld [tilespmem:s26+$0xFFFFFF50]  }
0x21a: {  	v2 =	vld [tilespmem:s26+$0xFFFFFF60]  }
0x21b: {  	v20 =	vld [tilespmem:s26+$0xFFFFFE90]  }
0x21c: {  	v21 =	vld [tilespmem:s26+$0xFFFFFEA0]  }
0x21d: {  	v22 =	vld [tilespmem:s26+$0xFFFFFEB0]  }
0x21e: {  	v23 =	vld [tilespmem:s26+$0xFFFFFEC0]  }
0x21f: {  	v24 =	vld [tilespmem:s26+$0xFFFFFE10]  }
0x220: {  	v25 =	vld [tilespmem:s26+$0xFFFFFE20]  }
0x221: {  	v26 =	vld [tilespmem:s26+$0xFFFFFD90]  }
0x222: {  	v27 =	vld [tilespmem:s26+$0xFFFFFDA0]  }
0x223: {  	v28 =	vld [tilespmem:s26+$0xFFFFFDB0]  }
0x224: {  	v29 =	vld [tilespmem:s26+$0xFFFFFDC0]  }
0x225: {  	v30 =	vld [tilespmem:s26+$0xFFFFFE30]  }
0x226: {  	v31 =	vld [tilespmem:s26+$0xFFFFFE40]  }
0x227: {  	v32 =	vld [tilespmem:s26+$0xFFFFFED0]  }
0x228: {  	v7 =	vadd.f32 v26, v7;
	v6 =	vadd.f32 v27, v6;
	v26 =	vld [tilespmem:s26+$0xFFFFFEE0]  }
0x229: {  	v5 =	vadd.f32 v28, v5;
	v4 =	vadd.f32 v29, v4;
	v27 =	vld [tilespmem:s26+$0xFFFFFE50]  }
0x22a: {  	v7 =	vadd.f32 v24, v7;
	v6 =	vadd.f32 v25, v6;
	v24 =	vld [tilespmem:s26+$0xFFFFFE60]  }
0x22b: {  	v5 =	vadd.f32 v30, v5;
	v25 =	vld [tilespmem:s26+$0xFFFFFDD0];
	v4 =	vadd.f32 v31, v4  }
0x22c: {  	v7 =	vadd.f32 v20, v7;
	v6 =	vadd.f32 v21, v6;
	v28 =	vld [tilespmem:s26+$0xFFFFFDE0]  }
0x22d: {  	v5 =	vadd.f32 v22, v5;
	v20 =	vld [tilespmem:s26+$0xFFFFFDF0];
	v4 =	vadd.f32 v23, v4  }
0x22e: {  	s25 =	sadd.s32 $0x5, s25;
	v7 =	vadd.f32 v8, v7;
	v6 =	vadd.f32 v13, v6;
	v21 =	vld [tilespmem:s26+$0xFFFFFE00]  }
0x22f: {  	p1 =	slt.u32 s25, $0x2D;
	v5 =	vadd.f32 v17, v5;
	v13 =	vld [tilespmem:s26+$0xFFFFFE70];
	v4 =	vadd.f32 v19, v4  }
0x230: {  	v7 =	vadd.f32 v18, v7;
	v6 =	vadd.f32 v14, v6;
	v17 =	vld [tilespmem:s26+$0xFFFFFE80]  }
0x231: {  	v5 =	vadd.f32 v15, v5;
	v8 =	vld [tilespmem:s26+$0xFFFFFEF0];
	v4 =	vadd.f32 v11, v4  }
.Ltmp5:
0x232: {  	v12 =	vadd.f32 v25, v12;
	v14 =	vadd.f32 v28, v16;
	v11 =	vld [tilespmem:s26+$0xFFFFFF00];
	(pc) =	sbr.rel @p1 .LBB2_14-.Ltmp5, $4  }
0x233: {  	v10 =	vadd.f32 v20, v10;
	v16 =	vadd.f32 v21, v9;
	v9 =	vld [tilespmem:s26+$0xFFFFFF70]  }
0x234: {  	v18 =	vadd.f32 v27, v12;
	v19 =	vadd.f32 v24, v14;
	v12 =	vld [tilespmem:s26+$0xFFFFFF80]  }
0x235: {  	v15 =	vadd.f32 v13, v10;
	v14 =	vadd.f32 v17, v16;
	v10 =	vld [tilespmem:s26+$0xFFFFFFF0]  }
0x236: {  	v17 =	vadd.f32 v32, v18;
	v16 =	vadd.f32 v26, v19;
	v13 =	vld [tilespmem:s26+$0x0];
	s26 =	sadd.s32 $0x280, s26  }
0x237: {  	_ = 	snop  }
0x238: {  	v8 =	vadd.f32 v8, v15;
	[tilespmem:s23+$0x15280] =	vst v7;
	v3 =	vadd.f32 v3, v17  }
0x239: {  	v7 =	vadd.f32 v11, v14;
	[tilespmem:s23+$0x15290] =	vst v6;
	v2 =	vadd.f32 v2, v16  }
0x23a: {  	[tilespmem:s23+$0x152A0] =	vst v5;
	v6 =	vadd.f32 v9, v8;
	v0 =	vadd.f32 v0, v3  }
0x23b: {  	[tilespmem:s23+$0x152B0] =	vst v4;
	v3 =	vadd.f32 v12, v7;
	v1 =	vadd.f32 v1, v2  }
0x23c: {  	v2 =	vadd.f32 v10, v6;
	[tilespmem:s23+$0x152C0] =	vst v0  }
0x23d: {  	v0 =	vadd.f32 v13, v3;
	[tilespmem:s23+$0x152D0] =	vst v1  }
0x23e: {  	[tilespmem:s23+$0x152E0] =	vst v2  }
0x23f: {  	s26 =	simm.s32 $0x11D40;
	[tilespmem:s23+$0x152F0] =	vst v0  }
0x240: {  	v4 =	vld [tilespmem:s26+$0xC0]  }
0x241: {  	v5 =	vld [tilespmem:s26+$0xD0]  }
0x242: {  	v9 =	vld [tilespmem:s26+$0xE0]  }
0x243: {  	v10 =	vld [tilespmem:s26+$0xF0]  }
0x244: {  	v0 =	vld [tilespmem:s26+$0x100]  }
0x245: {  	v1 =	vld [tilespmem:s26+$0x110]  }
0x246: {  	v6 =	vld [tilespmem:s26+$0x40]  }
0x247: {  	v7 =	vld [tilespmem:s26+$0x50]  }
0x248: {  	v8 =	vld [tilespmem:s26+$0x60]  }
0x249: {  	v11 =	vld [tilespmem:s26+$0x70]  }
0x24a: {  	v3 =	vld [tilespmem:s26+$0x80]  }
0x24b: {  	v2 =	vld [tilespmem:s26+$0x90]  }
0x24c: {  	v12 =	vld [tilespmem:s26+$0xFFFFFFC0]  }
0x24d: {  	v13 =	vld [tilespmem:s26+$0xFFFFFFD0]  }
0x24e: {  	v14 =	vld [tilespmem:s26+$0xFFFFFFE0]  }
0x24f: {  	v15 =	vld [tilespmem:s26+$0xFFFFFFF0]  }
0x250: {  	v16 =	vld [tilespmem:s26+$0xFFFFFF40]  }
0x251: {  	v17 =	vld [tilespmem:s26+$0xFFFFFF50]  }
0x252: {  	v18 =	vld [tilespmem:s26+$0xFFFFFEC0]  }
0x253: {  	v19 =	vld [tilespmem:s26+$0xFFFFFED0]  }
0x254: {  	v20 =	vld [tilespmem:s26+$0xFFFFFEE0]  }
0x255: {  	v21 =	vld [tilespmem:s26+$0xFFFFFEF0]  }
0x256: {  	v22 =	vld [tilespmem:s26+$0xFFFFFF60]  }
0x257: {  	v23 =	vld [tilespmem:s26+$0xFFFFFF70]  }
0x258: {  	v24 =	vimm.f32 $0.0e+00;
	v25 =	vld [tilespmem:s26+$0x0]  }
0x259: {  	v26 =	vld [tilespmem:s26+$0x10];
	v18 =	vadd.f32 v18, v24;
	v19 =	vadd.f32 v19, v24  }
0x25a: {  	v27 =	vld [tilespmem:s26+$0xFFFFFF80];
	v20 =	vadd.f32 v20, v24;
	v21 =	vadd.f32 v21, v24  }
0x25b: {  	v62 =	vld [tilespmem:s26+$0xFFFFFF10];
	v16 =	vadd.f32 v16, v18;
	v17 =	vadd.f32 v17, v19  }
0x25c: {  	v63 =	vld [tilespmem:s26+$0xFFFFFFB0];
	v20 =	vadd.f32 v22, v20;
	v21 =	vadd.f32 v23, v21  }
0x25d: {  	v19 =	vld [tilespmem:s26+$0xFFFFFF00];
	v12 =	vadd.f32 v12, v16;
	v13 =	vadd.f32 v13, v17  }
0x25e: {  	v16 =	vld [tilespmem:s26+$0xFFFFFF20];
	v14 =	vadd.f32 v14, v20;
	v15 =	vadd.f32 v15, v21  }
0x25f: {  	v17 =	vld [tilespmem:s26+$0xFFFFFF30];
	v6 =	vadd.f32 v6, v12;
	v12 =	vadd.f32 v7, v13  }
0x260: {  	v18 =	vld [tilespmem:s26+$0xFFFFFF90];
	v14 =	vadd.f32 v8, v14;
	v11 =	vadd.f32 v11, v15  }
0x261: {  	v13 =	vld [tilespmem:s26+$0xFFFFFFA0];
	v7 =	vadd.f32 v4, v6;
	v6 =	vadd.f32 v5, v12  }
0x262: {  	v8 =	vld [tilespmem:s26+$0x20];
	v5 =	vadd.f32 v9, v14;
	v4 =	vadd.f32 v10, v11  }
0x263: {  	v10 =	vadd.f32 v19, v24;
	v12 =	vadd.f32 v62, v24;
	v11 =	vld [tilespmem:s26+$0x30]  }
0x264: {  	v9 =	vld [tilespmem:s26+$0xA0];
	v14 =	vadd.f32 v16, v24;
	v16 =	vadd.f32 v17, v24  }
0x265: {  	v17 =	vadd.f32 v27, v10;
	v18 =	vadd.f32 v18, v12;
	v12 =	vld [tilespmem:s26+$0xB0]  }
0x266: {  	v10 =	vld [tilespmem:s26+$0x120];
	v15 =	vadd.f32 v13, v14;
	v14 =	vadd.f32 v63, v16  }
0x267: {  	s25 =	simm.s32 $0x0;
	v13 =	vld [tilespmem:s26+$0x130];
	s26 =	simm.s32 $0x11FC0;
	v17 =	vadd.f32 v25, v17;
	v16 =	vadd.f32 v26, v18  }
.LBB2_16:
0x268: {  	v18 =	vld [tilespmem:s26+$0xC0];
	v8 =	vadd.f32 v8, v15;
	v11 =	vadd.f32 v11, v14  }
0x269: {  	v14 =	vld [tilespmem:s26+$0xD0];
	v3 =	vadd.f32 v3, v17;
	v2 =	vadd.f32 v2, v16  }
0x26a: {  	v15 =	vld [tilespmem:s26+$0xE0];
	v8 =	vadd.f32 v9, v8;
	v9 =	vadd.f32 v12, v11  }
0x26b: {  	v11 =	vld [tilespmem:s26+$0xF0];
	v12 =	vadd.f32 v0, v3;
	v16 =	vadd.f32 v1, v2  }
0x26c: {  	v0 =	vld [tilespmem:s26+$0x100];
	v10 =	vadd.f32 v10, v8;
	v9 =	vadd.f32 v13, v9  }
0x26d: {  	v1 =	vld [tilespmem:s26+$0x110]  }
0x26e: {  	v8 =	vld [tilespmem:s26+$0x40]  }
0x26f: {  	v13 =	vld [tilespmem:s26+$0x50]  }
0x270: {  	v17 =	vld [tilespmem:s26+$0x60]  }
0x271: {  	v19 =	vld [tilespmem:s26+$0x70]  }
0x272: {  	v3 =	vld [tilespmem:s26+$0x80]  }
0x273: {  	v2 =	vld [tilespmem:s26+$0x90]  }
0x274: {  	v20 =	vld [tilespmem:s26+$0xFFFFFFC0]  }
0x275: {  	v21 =	vld [tilespmem:s26+$0xFFFFFFD0]  }
0x276: {  	v22 =	vld [tilespmem:s26+$0xFFFFFFE0]  }
0x277: {  	v23 =	vld [tilespmem:s26+$0xFFFFFFF0]  }
0x278: {  	v24 =	vld [tilespmem:s26+$0xFFFFFF40]  }
0x279: {  	v25 =	vld [tilespmem:s26+$0xFFFFFF50]  }
0x27a: {  	v26 =	vld [tilespmem:s26+$0xFFFFFEC0]  }
0x27b: {  	v27 =	vld [tilespmem:s26+$0xFFFFFED0]  }
0x27c: {  	v28 =	vld [tilespmem:s26+$0xFFFFFEE0]  }
0x27d: {  	v29 =	vld [tilespmem:s26+$0xFFFFFEF0]  }
0x27e: {  	v30 =	vld [tilespmem:s26+$0xFFFFFF60]  }
0x27f: {  	v31 =	vld [tilespmem:s26+$0xFFFFFF70]  }
0x280: {  	v32 =	vld [tilespmem:s26+$0x0]  }
0x281: {  	v7 =	vadd.f32 v26, v7;
	v6 =	vadd.f32 v27, v6;
	v26 =	vld [tilespmem:s26+$0x10]  }
0x282: {  	v5 =	vadd.f32 v28, v5;
	v4 =	vadd.f32 v29, v4;
	v27 =	vld [tilespmem:s26+$0xFFFFFF80]  }
0x283: {  	v7 =	vadd.f32 v24, v7;
	v6 =	vadd.f32 v25, v6;
	v24 =	vld [tilespmem:s26+$0xFFFFFF90]  }
0x284: {  	v5 =	vadd.f32 v30, v5;
	v25 =	vld [tilespmem:s26+$0xFFFFFF00];
	v4 =	vadd.f32 v31, v4  }
0x285: {  	v7 =	vadd.f32 v20, v7;
	v6 =	vadd.f32 v21, v6;
	v28 =	vld [tilespmem:s26+$0xFFFFFF10]  }
0x286: {  	v5 =	vadd.f32 v22, v5;
	v20 =	vld [tilespmem:s26+$0xFFFFFF20];
	v4 =	vadd.f32 v23, v4  }
0x287: {  	s25 =	sadd.s32 $0x5, s25;
	v7 =	vadd.f32 v8, v7;
	v6 =	vadd.f32 v13, v6;
	v21 =	vld [tilespmem:s26+$0xFFFFFF30]  }
0x288: {  	p1 =	slt.u32 s25, $0x2D;
	v5 =	vadd.f32 v17, v5;
	v13 =	vld [tilespmem:s26+$0xFFFFFFA0];
	v4 =	vadd.f32 v19, v4  }
0x289: {  	v7 =	vadd.f32 v18, v7;
	v6 =	vadd.f32 v14, v6;
	v17 =	vld [tilespmem:s26+$0xFFFFFFB0]  }
0x28a: {  	v5 =	vadd.f32 v15, v5;
	v8 =	vld [tilespmem:s26+$0x20];
	v4 =	vadd.f32 v11, v4  }
.Ltmp6:
0x28b: {  	v12 =	vadd.f32 v25, v12;
	v14 =	vadd.f32 v28, v16;
	v11 =	vld [tilespmem:s26+$0x30];
	(pc) =	sbr.rel @p1 .LBB2_16-.Ltmp6, $4  }
0x28c: {  	v10 =	vadd.f32 v20, v10;
	v16 =	vadd.f32 v21, v9;
	v9 =	vld [tilespmem:s26+$0xA0]  }
0x28d: {  	v18 =	vadd.f32 v27, v12;
	v19 =	vadd.f32 v24, v14;
	v12 =	vld [tilespmem:s26+$0xB0]  }
0x28e: {  	v15 =	vadd.f32 v13, v10;
	v14 =	vadd.f32 v17, v16;
	v10 =	vld [tilespmem:s26+$0x120]  }
0x28f: {  	v17 =	vadd.f32 v32, v18;
	v16 =	vadd.f32 v26, v19;
	v13 =	vld [tilespmem:s26+$0x130];
	s26 =	sadd.s32 $0x280, s26  }
0x290: {  	_ = 	snop  }
0x291: {  	v8 =	vadd.f32 v8, v15;
	[tilespmem:s23+$0x15300] =	vst v7;
	v3 =	vadd.f32 v3, v17  }
0x292: {  	v7 =	vadd.f32 v11, v14;
	[tilespmem:s23+$0x15310] =	vst v6;
	v2 =	vadd.f32 v2, v16  }
0x293: {  	[tilespmem:s23+$0x15320] =	vst v5;
	v6 =	vadd.f32 v9, v8;
	v0 =	vadd.f32 v0, v3  }
0x294: {  	[tilespmem:s23+$0x15330] =	vst v4;
	v3 =	vadd.f32 v12, v7;
	v1 =	vadd.f32 v1, v2  }
0x295: {  	v2 =	vadd.f32 v10, v6;
	[tilespmem:s23+$0x15340] =	vst v0  }
0x296: {  	v0 =	vadd.f32 v13, v3;
	[tilespmem:s23+$0x15350] =	vst v1  }
0x297: {  	[tilespmem:s23+$0x15360] =	vst v2  }
0x298: {  	s26 =	simm.s32 $0x13770;
	[tilespmem:s23+$0x15370] =	vst v0  }
0x299: {  	v4 =	vld [tilespmem:s26+$0xFFFFFF90]  }
0x29a: {  	v5 =	vld [tilespmem:s26+$0xFFFFFFA0]  }
0x29b: {  	v9 =	vld [tilespmem:s26+$0xFFFFFFB0]  }
0x29c: {  	v10 =	vld [tilespmem:s26+$0xFFFFFFC0]  }
0x29d: {  	v0 =	vld [tilespmem:s26+$0xFFFFFFD0]  }
0x29e: {  	v1 =	vld [tilespmem:s26+$0xFFFFFFE0]  }
0x29f: {  	v6 =	vld [tilespmem:s26+$0xFFFFFF10]  }
0x2a0: {  	v7 =	vld [tilespmem:s26+$0xFFFFFF20]  }
0x2a1: {  	v8 =	vld [tilespmem:s26+$0xFFFFFF30]  }
0x2a2: {  	v11 =	vld [tilespmem:s26+$0xFFFFFF40]  }
0x2a3: {  	v3 =	vld [tilespmem:s26+$0xFFFFFF50]  }
0x2a4: {  	v2 =	vld [tilespmem:s26+$0xFFFFFF60]  }
0x2a5: {  	v12 =	vld [tilespmem:s26+$0xFFFFFE90]  }
0x2a6: {  	v13 =	vld [tilespmem:s26+$0xFFFFFEA0]  }
0x2a7: {  	v14 =	vld [tilespmem:s26+$0xFFFFFEB0]  }
0x2a8: {  	v15 =	vld [tilespmem:s26+$0xFFFFFEC0]  }
0x2a9: {  	v16 =	vld [tilespmem:s26+$0xFFFFFE10]  }
0x2aa: {  	v17 =	vld [tilespmem:s26+$0xFFFFFE20]  }
0x2ab: {  	v18 =	vld [tilespmem:s26+$0xFFFFFD90]  }
0x2ac: {  	v19 =	vld [tilespmem:s26+$0xFFFFFDA0]  }
0x2ad: {  	v20 =	vld [tilespmem:s26+$0xFFFFFDB0]  }
0x2ae: {  	v21 =	vld [tilespmem:s26+$0xFFFFFDC0]  }
0x2af: {  	v22 =	vld [tilespmem:s26+$0xFFFFFE30]  }
0x2b0: {  	v23 =	vld [tilespmem:s26+$0xFFFFFE40]  }
0x2b1: {  	v24 =	vimm.f32 $0.0e+00;
	v25 =	vld [tilespmem:s26+$0xFFFFFED0]  }
0x2b2: {  	v26 =	vld [tilespmem:s26+$0xFFFFFEE0];
	v18 =	vadd.f32 v18, v24;
	v19 =	vadd.f32 v19, v24  }
0x2b3: {  	v27 =	vld [tilespmem:s26+$0xFFFFFE50];
	v20 =	vadd.f32 v20, v24;
	v21 =	vadd.f32 v21, v24  }
0x2b4: {  	v62 =	vld [tilespmem:s26+$0xFFFFFDE0];
	v16 =	vadd.f32 v16, v18;
	v17 =	vadd.f32 v17, v19  }
0x2b5: {  	v63 =	vld [tilespmem:s26+$0xFFFFFE80];
	v20 =	vadd.f32 v22, v20;
	v21 =	vadd.f32 v23, v21  }
0x2b6: {  	v19 =	vld [tilespmem:s26+$0xFFFFFDD0];
	v12 =	vadd.f32 v12, v16;
	v13 =	vadd.f32 v13, v17  }
0x2b7: {  	v16 =	vld [tilespmem:s26+$0xFFFFFDF0];
	v14 =	vadd.f32 v14, v20;
	v15 =	vadd.f32 v15, v21  }
0x2b8: {  	v17 =	vld [tilespmem:s26+$0xFFFFFE00];
	v6 =	vadd.f32 v6, v12;
	v12 =	vadd.f32 v7, v13  }
0x2b9: {  	v18 =	vld [tilespmem:s26+$0xFFFFFE60];
	v14 =	vadd.f32 v8, v14;
	v11 =	vadd.f32 v11, v15  }
0x2ba: {  	v13 =	vld [tilespmem:s26+$0xFFFFFE70];
	v7 =	vadd.f32 v4, v6;
	v6 =	vadd.f32 v5, v12  }
0x2bb: {  	v8 =	vld [tilespmem:s26+$0xFFFFFEF0];
	v5 =	vadd.f32 v9, v14;
	v4 =	vadd.f32 v10, v11  }
0x2bc: {  	v10 =	vadd.f32 v19, v24;
	v12 =	vadd.f32 v62, v24;
	v11 =	vld [tilespmem:s26+$0xFFFFFF00]  }
0x2bd: {  	v9 =	vld [tilespmem:s26+$0xFFFFFF70];
	v14 =	vadd.f32 v16, v24;
	v16 =	vadd.f32 v17, v24  }
0x2be: {  	v17 =	vadd.f32 v27, v10;
	v18 =	vadd.f32 v18, v12;
	v12 =	vld [tilespmem:s26+$0xFFFFFF80]  }
0x2bf: {  	v10 =	vld [tilespmem:s26+$0xFFFFFFF0];
	v15 =	vadd.f32 v13, v14;
	v14 =	vadd.f32 v63, v16  }
0x2c0: {  	s25 =	simm.s32 $0x0;
	v13 =	vld [tilespmem:s26+$0x0];
	s26 =	simm.s32 $0x139F0;
	v17 =	vadd.f32 v25, v17;
	v16 =	vadd.f32 v26, v18  }
.LBB2_18:
0x2c1: {  	v18 =	vld [tilespmem:s26+$0xFFFFFF90];
	v8 =	vadd.f32 v8, v15;
	v11 =	vadd.f32 v11, v14  }
0x2c2: {  	v14 =	vld [tilespmem:s26+$0xFFFFFFA0];
	v3 =	vadd.f32 v3, v17;
	v2 =	vadd.f32 v2, v16  }
0x2c3: {  	v15 =	vld [tilespmem:s26+$0xFFFFFFB0];
	v8 =	vadd.f32 v9, v8;
	v9 =	vadd.f32 v12, v11  }
0x2c4: {  	v11 =	vld [tilespmem:s26+$0xFFFFFFC0];
	v12 =	vadd.f32 v0, v3;
	v16 =	vadd.f32 v1, v2  }
0x2c5: {  	v0 =	vld [tilespmem:s26+$0xFFFFFFD0];
	v10 =	vadd.f32 v10, v8;
	v9 =	vadd.f32 v13, v9  }
0x2c6: {  	v1 =	vld [tilespmem:s26+$0xFFFFFFE0]  }
0x2c7: {  	v8 =	vld [tilespmem:s26+$0xFFFFFF10]  }
0x2c8: {  	v13 =	vld [tilespmem:s26+$0xFFFFFF20]  }
0x2c9: {  	v17 =	vld [tilespmem:s26+$0xFFFFFF30]  }
0x2ca: {  	v19 =	vld [tilespmem:s26+$0xFFFFFF40]  }
0x2cb: {  	v3 =	vld [tilespmem:s26+$0xFFFFFF50]  }
0x2cc: {  	v2 =	vld [tilespmem:s26+$0xFFFFFF60]  }
0x2cd: {  	v20 =	vld [tilespmem:s26+$0xFFFFFE90]  }
0x2ce: {  	v21 =	vld [tilespmem:s26+$0xFFFFFEA0]  }
0x2cf: {  	v22 =	vld [tilespmem:s26+$0xFFFFFEB0]  }
0x2d0: {  	v23 =	vld [tilespmem:s26+$0xFFFFFEC0]  }
0x2d1: {  	v24 =	vld [tilespmem:s26+$0xFFFFFE10]  }
0x2d2: {  	v25 =	vld [tilespmem:s26+$0xFFFFFE20]  }
0x2d3: {  	v26 =	vld [tilespmem:s26+$0xFFFFFD90]  }
0x2d4: {  	v27 =	vld [tilespmem:s26+$0xFFFFFDA0]  }
0x2d5: {  	v28 =	vld [tilespmem:s26+$0xFFFFFDB0]  }
0x2d6: {  	v29 =	vld [tilespmem:s26+$0xFFFFFDC0]  }
0x2d7: {  	v30 =	vld [tilespmem:s26+$0xFFFFFE30]  }
0x2d8: {  	v31 =	vld [tilespmem:s26+$0xFFFFFE40]  }
0x2d9: {  	v32 =	vld [tilespmem:s26+$0xFFFFFED0]  }
0x2da: {  	v7 =	vadd.f32 v26, v7;
	v6 =	vadd.f32 v27, v6;
	v26 =	vld [tilespmem:s26+$0xFFFFFEE0]  }
0x2db: {  	v5 =	vadd.f32 v28, v5;
	v4 =	vadd.f32 v29, v4;
	v27 =	vld [tilespmem:s26+$0xFFFFFE50]  }
0x2dc: {  	v7 =	vadd.f32 v24, v7;
	v6 =	vadd.f32 v25, v6;
	v24 =	vld [tilespmem:s26+$0xFFFFFE60]  }
0x2dd: {  	v5 =	vadd.f32 v30, v5;
	v25 =	vld [tilespmem:s26+$0xFFFFFDD0];
	v4 =	vadd.f32 v31, v4  }
0x2de: {  	v7 =	vadd.f32 v20, v7;
	v6 =	vadd.f32 v21, v6;
	v28 =	vld [tilespmem:s26+$0xFFFFFDE0]  }
0x2df: {  	v5 =	vadd.f32 v22, v5;
	v20 =	vld [tilespmem:s26+$0xFFFFFDF0];
	v4 =	vadd.f32 v23, v4  }
0x2e0: {  	s25 =	sadd.s32 $0x5, s25;
	v7 =	vadd.f32 v8, v7;
	v6 =	vadd.f32 v13, v6;
	v21 =	vld [tilespmem:s26+$0xFFFFFE00]  }
0x2e1: {  	p1 =	slt.u32 s25, $0x2D;
	v5 =	vadd.f32 v17, v5;
	v13 =	vld [tilespmem:s26+$0xFFFFFE70];
	v4 =	vadd.f32 v19, v4  }
0x2e2: {  	v7 =	vadd.f32 v18, v7;
	v6 =	vadd.f32 v14, v6;
	v17 =	vld [tilespmem:s26+$0xFFFFFE80]  }
0x2e3: {  	v5 =	vadd.f32 v15, v5;
	v8 =	vld [tilespmem:s26+$0xFFFFFEF0];
	v4 =	vadd.f32 v11, v4  }
.Ltmp7:
0x2e4: {  	v12 =	vadd.f32 v25, v12;
	v14 =	vadd.f32 v28, v16;
	v11 =	vld [tilespmem:s26+$0xFFFFFF00];
	(pc) =	sbr.rel @p1 .LBB2_18-.Ltmp7, $4  }
0x2e5: {  	v10 =	vadd.f32 v20, v10;
	v16 =	vadd.f32 v21, v9;
	v9 =	vld [tilespmem:s26+$0xFFFFFF70]  }
0x2e6: {  	v18 =	vadd.f32 v27, v12;
	v19 =	vadd.f32 v24, v14;
	v12 =	vld [tilespmem:s26+$0xFFFFFF80]  }
0x2e7: {  	v15 =	vadd.f32 v13, v10;
	v14 =	vadd.f32 v17, v16;
	v10 =	vld [tilespmem:s26+$0xFFFFFFF0]  }
0x2e8: {  	v17 =	vadd.f32 v32, v18;
	v16 =	vadd.f32 v26, v19;
	v13 =	vld [tilespmem:s26+$0x0];
	s26 =	sadd.s32 $0x280, s26  }
0x2e9: {  	_ = 	snop  }
0x2ea: {  	v8 =	vadd.f32 v8, v15;
	[tilespmem:s23+$0x15380] =	vst v7;
	v3 =	vadd.f32 v3, v17  }
0x2eb: {  	v59 =	vadd.f32 v11, v14;
	[tilespmem:s23+$0x15390] =	vst v6;
	v2 =	vadd.f32 v2, v16  }
0x2ec: {  	[tilespmem:s23+$0x153A0] =	vst v5;
	v60 =	vadd.f32 v9, v8;
	v0 =	vadd.f32 v0, v3  }
0x2ed: {  	[tilespmem:s23+$0x153B0] =	vst v4;
	v61 =	vadd.f32 v12, v59;
	v1 =	vadd.f32 v1, v2  }
0x2ee: {  	v62 =	vadd.f32 v10, v60;
	[tilespmem:s23+$0x153C0] =	vst v0  }
0x2ef: {  	v63 =	vadd.f32 v13, v61;
	[tilespmem:s23+$0x153D0] =	vst v1  }
0x2f0: {  	[tilespmem:s23+$0x153E0] =	vst v62  }
0x2f1: {  	s25 =	simm.s32 @!p0 $0x64;
	s26 =	simm.s32 @!p0 $0xE800;
	[tilespmem:s23+$0x153F0] =	vst v63;
	s23 =	sadd.s32 @!p0 $0x300, s24  }
0x2f2: {  	[tilespmem:s26], [sflag:$0x2] =	stream.indirect.gather @!p0 [hbm4b:s3+s25], $0x80, s23, s25, $0xb8;
	[tilespmem:$0x17000] =	vst v63  }
0x2f3: {  	s22 =	sadd.s32 $0x1, s22;
	s23 =	sadd.s32 @!p0 $0x380, s24;
	s24 =	simm.s32 @!p0 $0x11C00  }
0x2f4: {  	[tilespmem:s24], [sflag:$0x2] =	stream.indirect.gather @!p0 [hbm4b:s3+s25], $0x80, s23, s25, $0xb8;
	[tilespmem:$0x17000] =	vst v63  }
0x2f5: {  	p0 =	sne.s32 s22, $0x8  }
.Ltmp8:
0x2f6: {  	_ = 	snop;
	(pc) =	sbr.rel @p0 .LBB2_3-.Ltmp8, $1  }
0x2f7: {  	_ =	sdelay $0x3  }
0x2f8: {  	s21 =	sshll.u32 s20, $0xA;
	s20 =	sadd.s32 $0x1, s20  }
0x2f9: {  	p0 =	sne.s32 s20, $0x8  }
.Ltmp9:
0x2fa: {  	s21 =	sadd.s32 s21, s5;
	(pc) =	sbr.rel @p0 .LBB2_2-.Ltmp9, $4  }
0x2fb: {  	[hbm4b:s21+s2] =	stream.linear.scatter [tilespmem:s18], [sflag:$0x3], $0x2000, $0x38;
	[tilespmem:$0x17000] =	vst v63  }
0x2fc: {  	_ =	swait.ge [sflag:s7], $0x2000  }
0x2fd: {  	[sflag:s7] =	ssyncset.done $0x0  }
0x2fe: {  	[sflag:s7] =	ssyncadd.s32 $0xFFFFE000  }
0x2ff: {  	s19 =	sadd.s32 $0x1, s19  }
0x300: {  	p0 =	sne.s32 s19, s6  }
.Ltmp10:
0x301: {  	_ = 	snop;
	(pc) =	sbr.rel @p0 .LBB2_1-.Ltmp10, $1  }
0x302: {  	_ =	sdelay $0x3  }
0x303: {  	_ =	sfence.sel $0x180000  }
0x304: {  	[bflag:$0x0] =	sbarrier.arrive $0xFFFF  }
0x305: {  	p0 =	sne.s32 s1, $0x0;
	_ =	strace $0x90000047  }
0x306: {  	s0 =	sadd.s32 @!p0 $0x100000, s0;
	[bflag:$0x2] =	sbarrier.arrive $0xFFFF  }
0x307: {  	[sflag:s0] =	ssyncadd.tile.s32 @!p0 $0x1;
	_ =	shalt  }
.Lfunc_end2:
_tile_overlayer_lowered:
.L_overlay_start_2:
0x308: {  	(tag) =	ssettag $0x2  }
0x309: {  	s0 =	rddreg [dreg:$0x0];
	s2 =	stileid.u32  }
0x30a: {  	s1 =	rddreg [dreg:$0x1];
	p0 =	sne.s32 s2, $0x0  }
0x30b: {  	s3 =	rddreg [dreg:$0x2];
	[bflag:$0x3] =	sbarrier.arrive $0xFFFF;
	s2 =	simm.s32 @!p0 $0x1C03  }
0x30c: {  	[timem:s3], [sflag:s2] =	dma.local @!p0 [hbm:s0], s1  }
0x30d: {  	s0 =	simm.s32 @!p0 $0x3  }
0x30e: {  	_ =	swait.ge @!p0 [sflag:s0], s1  }
0x30f: {  	s1 =	ssub.s32 @!p0 $0x0, s1;
	[sflag:s0] =	ssyncset.done @!p0 $0x0  }
0x310: {  	[sflag:s0] =	ssyncadd.s32 @!p0 s1  }
0x311: {  	[bflag:$0x3] =	sbarrier.arrive $0xFFFF  }
0x312: {  	_ =	shalt  }

</sc_bundles>
